<compile_context>
chip_gen: v7x
topology: tpu7x:2x2x1
jax: 0.10.2.dev20260603
libtpu: 0.0.44.dev20260713+nightly
codegen_flags: <defaults>
</compile_context>

<pallas_src>
import jax
import jax.numpy as jnp
import numpy as np
from jax import lax
from jax.experimental import pallas as pl
from jax.experimental.pallas import tpu as pltpu
from jax.experimental.pallas import tpu_sc as plsc

_N = 50000
_HID = 48
_NC = 2
_NS = 16
_NW = _NC * _NS
_CH = 1568
_NP = _NW * _CH
_SUB = 112
_NSUB = _CH // _SUB
_NB = 65
_CNTW = 80

_R2_EDGES = tuple((k / 4.0) ** 2 for k in range(1, 8))


def _sc_pool_body(dx_h, dy_h, idx_h, hid_h, zacc_h, zcnt_h, oacc_h, ocnt_h,
                  dxv, dyv, idxv, binv, rowsv, cntv, shacc, sem1, sem2):
    cid = lax.axis_index("c")
    sid = lax.axis_index("s")
    wid = sid * _NC + cid

    pltpu.sync_copy(idx_h.at[wid], idxv)
    gathers = [
        pltpu.async_copy(hid_h.at[idxv.at[j]], rowsv.at[j], sem1)
        for j in range(_NSUB)
    ]

    @pl.when(sid == 0)
    def _():
        pltpu.sync_copy(zacc_h, shacc)

    pltpu.sync_copy(dx_h.at[wid], dxv)
    pltpu.sync_copy(dy_h.at[wid], dyv)
    pltpu.sync_copy(zcnt_h, cntv)

    ones = jnp.ones((16,), jnp.float32)

    def row_body(r, carry):
        for q in range(_SUB // 16):
            off = r * _SUB + q * 16
            vdx = dxv[pl.ds(off, 16)]
            vdy = dyv[pl.ds(off, 16)]
            d2 = vdx * vdx + vdy * vdy
            lt1 = (vdx < vdy).astype(jnp.int32)
            le0 = (vdx <= 0.0).astype(jnp.int32)
            lt0 = (vdx < 0.0).astype(jnp.int32)
            le3 = (vdx <= -vdy).astype(jnp.int32)
            lt3 = (vdx < -vdy).astype(jnp.int32)
            sat = ((vdx < 0.0)
                   & (d2 <= vdx * vdx * 1.0000001192092896)).astype(jnp.int32)
            vb = jnp.where(vdy < 0.0, 7 - (lt3 + lt0 + lt1),
                           lt1 + le0 + le3 + sat)
            ub = (d2 >= _R2_EDGES[0]).astype(jnp.int32)
            for t in _R2_EDGES[1:]:
                ub = ub + (d2 >= t).astype(jnp.int32)
            b16 = jnp.where(d2 <= 4.0, ub * 8 + vb, _NB - 1)
            binv[r, pl.ds(q * 16, 16)] = b16
            plsc.addupdate_scatter(cntv, [b16], ones)
        return carry

    lax.fori_loop(0, _NSUB, row_body, None)

    plsc.subcore_barrier()
    scatters = []
    for j in range(_NSUB):
        gathers[j].wait()
        scatters.append(
            pltpu.async_copy(rowsv.at[j], shacc.at[binv.at[j]], sem2,
                             add=True))
    for s in scatters:
        s.wait()
    pltpu.sync_copy(cntv, ocnt_h.at[wid])
    plsc.subcore_barrier()

    @pl.when(sid == 0)
    def _():
        pltpu.sync_copy(shacc, oacc_h.at[cid])


_sc_pool = pl.kernel(
    _sc_pool_body,
    out_type=(
        jax.ShapeDtypeStruct((_NC, _NB, _HID), jnp.float32),
        jax.ShapeDtypeStruct((_NW, _CNTW), jnp.float32),
    ),
    mesh=plsc.VectorSubcoreMesh(core_axis_name="c", subcore_axis_name="s",
                                num_cores=_NC, num_subcores=_NS),
    compiler_params=pltpu.CompilerParams(needs_layout_passes=False,
                                         use_tc_tiling_on_sc=False),
    scratch_types=[
        pltpu.VMEM((_CH,), jnp.float32),
        pltpu.VMEM((_CH,), jnp.float32),
        pltpu.VMEM((_NSUB, _SUB), jnp.int32),
        pltpu.VMEM((_NSUB, _SUB), jnp.int32),
        pltpu.VMEM((_NSUB, _SUB, _HID), jnp.float32),
        pltpu.VMEM((_CNTW,), jnp.float32),
        pltpu.VMEM_SHARED((_NB, _HID), jnp.float32),
        pltpu.SemaphoreType.DMA,
        pltpu.SemaphoreType.DMA,
    ],
)

_REP = np.equal(np.arange(3072)[None, :] // _HID,
                np.arange(64)[:, None]).astype(np.float32)


def _tail_body(p2_ref, pc_ref, rep_ref, wfc_ref, bfc_ref, img_ref, la_ref,
               fv_ref, h_ref, wza_ref, wzv_ref, wzf_ref, whz_ref, zb_ref,
               wna_ref, wnv_ref, wnf_ref, whn_ref, nb_ref, out_ref):
    accf = jnp.sum(p2_ref[...], axis=0, keepdims=True)
    cnt = jnp.sum(pc_ref[...], axis=0, keepdims=True)[:, :64]
    cnt_e = lax.dot_general(cnt, rep_ref[...],
                            (((1,), (0,)), ((), ())),
                            preferred_element_type=jnp.float32)
    scale = jnp.where(cnt_e > 1.0, 1.0 / jnp.maximum(cnt_e, 1.0), 1.0)
    spf = accf * scale
    fsp = lax.dot_general(spf, wfc_ref[...],
                          (((1,), (1,)), ((), ())),
                          preferred_element_type=jnp.float32)
    fsp = jnp.maximum(fsp + bfc_ref[...], 0.0)

    la = la_ref[...]
    v_img = la[0, 0].astype(jnp.int32)
    u_img = 40 - la[0, 1].astype(jnp.int32)
    mu = lax.broadcasted_iota(jnp.int32, (80, 80), 0) == u_img
    mv = lax.broadcasted_iota(jnp.int32, (80, 80), 1) == v_img
    m2 = (mu & mv).astype(jnp.float32)
    t = jnp.sum(img_ref[0] * m2[None, :, :], axis=2)
    fa = jnp.sum(t, axis=1, keepdims=True)

    fv = fv_ref[...]
    h = h_ref[...]
    zx = (jnp.sum(fa * wza_ref[...]) + jnp.sum(fv * wzv_ref[...])
          + jnp.sum(fsp * wzf_ref[...]) + jnp.sum(h * whz_ref[...])
          + zb_ref[0, 0])
    nx = (jnp.sum(fa * wna_ref[...]) + jnp.sum(fv * wnv_ref[...])
          + jnp.sum(fsp * wnf_ref[...]) + jnp.sum(h * whn_ref[...])
          + nb_ref[0, 0])
    zt = 1.0 / (1.0 + jnp.exp(-zx))
    nt = jnp.tanh(nx)
    out_ref[...] = (1.0 - zt) * nt + zt * h


def kernel(loc_agent, loc_others, loc_other_index, feature_img, f_vel,
           hiddens, hidden, W_fc, b_fc, weight_ir, weight_hr, bias_ir,
           bias_hr, weight_iz, weight_hz, bias_iz, bias_hz, weight_in,
           weight_hn, bias_in, bias_hn):
    f32 = jnp.float32
    dx = loc_others[:, 0] - loc_agent[0]
    dy = loc_others[:, 1] - loc_agent[1]
    pad = _NP - _N
    big = jnp.full((pad,), 3.0e9, f32)
    dx2 = jnp.concatenate([dx, big]).reshape(_NW, _CH)
    dy2 = jnp.concatenate([dy, big]).reshape(_NW, _CH)
    idx3 = jnp.concatenate([
        loc_other_index.astype(jnp.int32), jnp.zeros((pad,), jnp.int32)
    ]).reshape(_NW, _NSUB, _SUB)
    zacc = jnp.zeros((_NB, _HID), f32)
    zcnt = jnp.zeros((_CNTW,), f32)

    hid1 = lax.optimization_barrier(hiddens.reshape(_N * _HID))
    hid2 = hid1.reshape(_N, _HID)

    part_acc, part_cnt = _sc_pool(dx2, dy2, idx3, hid2, zacc, zcnt)
    p2 = part_acc.reshape(_NC, _NB * _HID)[:, :64 * _HID]

    img2 = feature_img
    la2 = loc_agent.reshape(1, 2)
    fv2 = f_vel.reshape(1, 16)
    h2 = hidden.reshape(1, _HID)
    wza = weight_iz[:32].reshape(32, 1)
    wzv = weight_iz[32:48].reshape(1, 16)
    wzf = weight_iz[48:].reshape(1, _HID)
    wna = weight_in[:32].reshape(32, 1)
    wnv = weight_in[32:48].reshape(1, 16)
    wnf = weight_in[48:].reshape(1, _HID)
    whz = weight_hz.reshape(1, _HID)
    whn = weight_hn.reshape(1, _HID)
    zb = (bias_iz + bias_hz).reshape(1, 1)
    nb = (bias_in + bias_hn).reshape(1, 1)
    bfc2 = b_fc.reshape(1, _HID)

    ht = pl.pallas_call(
        _tail_body,
        out_shape=jax.ShapeDtypeStruct((1, _HID), jnp.float32),
    )(p2, part_cnt, jnp.asarray(_REP), W_fc, bfc2, img2, la2, fv2, h2,
      wza, wzv, wzf, whz, zb, wna, wnv, wnf, whn, nb)
    return ht.reshape(_HID)

# --- scband reference (transcript-rebuilt; emitter-appended) ---
"""Pipeline reference for scband-scf-grucell-47218870452490 (READ-ONLY COPY).

The authoritative reference and input builder live on the scoring server;
editing this copy changes nothing except your own understanding.
"""

import jax, jax.numpy as jnp
import numpy as np
import math

R0, R1 = 0.0, 2.0
SP0, SP1 = 8, 8
HID = 48
INP = 96
N_OTHERS = 50000
RADIUS_STEP = (R1 - R0) / SP0
THETA_STEP = 2.0 * math.pi / SP1


def setup_inputs(seed: int = 0) -> dict:
    key = jax.random.key(seed)
    ks = jax.random.split(key, 21)
    inp = {}
    inp['loc_agent'] = jax.random.uniform(ks[0], (2,), dtype=jnp.float32)
    inp['loc_others'] = jax.random.uniform(ks[1], (N_OTHERS, 2), dtype=jnp.float32)
    inp['loc_other_index'] = jax.random.randint(ks[2], (N_OTHERS,), 0, N_OTHERS)
    inp['feature_img'] = jax.random.normal(ks[3], (1, 32, 80, 80), dtype=jnp.float32)
    inp['f_vel'] = jax.random.normal(ks[4], (16,), dtype=jnp.float32)
    inp['hiddens'] = jax.random.normal(ks[5], (N_OTHERS, HID), dtype=jnp.float32)
    inp['hidden'] = jax.random.normal(ks[6], (HID,), dtype=jnp.float32)
    inp['W_fc'] = jax.random.normal(ks[7], (HID, SP0 * SP1 * HID), dtype=jnp.float32) * 0.02
    inp['b_fc'] = jax.random.normal(ks[8], (HID,), dtype=jnp.float32) * 0.02
    inp['weight_ir'] = jax.random.normal(ks[9], (INP,), dtype=jnp.float32)
    inp['weight_hr'] = jax.random.normal(ks[10], (HID,), dtype=jnp.float32)
    inp['bias_ir'] = jax.random.normal(ks[11], (1,), dtype=jnp.float32)
    inp['bias_hr'] = jax.random.normal(ks[12], (1,), dtype=jnp.float32)
    inp['weight_iz'] = jax.random.normal(ks[13], (INP,), dtype=jnp.float32)
    inp['weight_hz'] = jax.random.normal(ks[14], (HID,), dtype=jnp.float32)
    inp['bias_iz'] = jax.random.normal(ks[15], (1,), dtype=jnp.float32)
    inp['bias_hz'] = jax.random.normal(ks[16], (1,), dtype=jnp.float32)
    inp['weight_in'] = jax.random.normal(ks[17], (INP,), dtype=jnp.float32)
    inp['weight_hn'] = jax.random.normal(ks[18], (HID,), dtype=jnp.float32)
    inp['bias_in'] = jax.random.normal(ks[19], (1,), dtype=jnp.float32)
    inp['bias_hn'] = jax.random.normal(ks[20], (1,), dtype=jnp.float32)
    return inp


def reference(loc_agent, loc_others, loc_other_index, feature_img, f_vel, hiddens, hidden,
              W_fc, b_fc, weight_ir, weight_hr, bias_ir, bias_hr,
              weight_iz, weight_hz, bias_iz, bias_hz,
              weight_in, weight_hn, bias_in, bias_hn):
    H = feature_img.shape[2]
    u_img = (H // 2 - jnp.trunc(loc_agent[1]).astype(jnp.int32))
    v_img = jnp.trunc(loc_agent[0]).astype(jnp.int32)
    feature_agent = feature_img[0, :, u_img, v_img]

    diff = loc_others - loc_agent[None, :]
    dist = jnp.linalg.norm(diff, axis=1)
    in_range = (dist >= R0) & (dist <= R1)
    safe_dist = jnp.maximum(dist, 1e-12)
    costheta = diff[:, 0] / safe_dist
    acos = jnp.arccos(jnp.clip(costheta, -1.0, 1.0))
    theta = jnp.where(diff[:, 1] < 0, 2.0 * math.pi - acos, acos)

    u_bin = jnp.clip(jnp.floor((dist - R0) / RADIUS_STEP).astype(jnp.int32), 0, SP0 - 1)
    v_bin = jnp.clip(jnp.floor(theta / THETA_STEP).astype(jnp.int32), 0, SP1 - 1)

    gathered = jnp.take(hiddens, loc_other_index, axis=0)
    vals = gathered * in_range[:, None].astype(gathered.dtype)
    sp = jnp.zeros((SP0, SP1, HID), dtype=jnp.float32).at[u_bin, v_bin].add(vals)
    sp_c = jnp.zeros((SP0, SP1), dtype=jnp.float32).at[u_bin, v_bin].add(in_range.astype(jnp.float32))

    sp = jnp.where((sp_c > 1.0)[:, :, None], sp / jnp.maximum(sp_c, 1.0)[:, :, None], sp)
    sp_flat = sp.reshape(SP0 * SP1 * HID)
    fsp = jax.nn.relu(W_fc @ sp_flat + b_fc)

    input_x = jnp.concatenate([feature_agent, f_vel, fsp], axis=0)
    rt = jax.nn.sigmoid(jnp.sum(input_x * weight_ir) + bias_ir + jnp.sum(hidden * weight_hr) + bias_hr)
    zt = jax.nn.sigmoid(jnp.sum(input_x * weight_iz) + bias_iz + jnp.sum(hidden * weight_hz) + bias_hz)
    nt = jnp.tanh(jnp.sum(input_x * weight_in) + bias_in + jnp.sum(hidden * weight_hn) + bias_hn)
    ht = (1.0 - zt) * nt + zt * hidden
    return ht

if __name__ == "__main__":
    import jax
    _d = setup_inputs()
    print(jax.jit(kernel)(*tuple(_d.values())))

</pallas_src>

<mosaic_0001>
#map = affine_map<(d0, d1) -> (0, 0)>
#map1 = affine_map<(d0, d1) -> (0, 0, 0)>
#map2 = affine_map<(d0, d1) -> (0)>
module attributes {stable_mosaic.version = 14 : i64} {
  func.func @_sc_pool_body(%arg0: i32, %arg1: i32, %arg2: memref<32x1568xf32, #tpu.memory_space<hbm>>, %arg3: memref<32x1568xf32, #tpu.memory_space<hbm>>, %arg4: memref<32x14x112xi32, #tpu.memory_space<hbm>>, %arg5: memref<50000x48xf32, #tpu.memory_space<hbm>>, %arg6: memref<65x48xf32, #tpu.memory_space<hbm>>, %arg7: memref<80xf32, #tpu.memory_space<hbm>>, %arg8: memref<2x65x48xf32, #tpu.memory_space<hbm>>, %arg9: memref<32x80xf32, #tpu.memory_space<hbm>>, %arg10: memref<1568xf32, #tpu.memory_space<vmem>>, %arg11: memref<1568xf32, #tpu.memory_space<vmem>>, %arg12: memref<14x112xi32, #tpu.memory_space<vmem>>, %arg13: memref<14x112xi32, #tpu.memory_space<vmem>>, %arg14: memref<14x112x48xf32, #tpu.memory_space<vmem>>, %arg15: memref<80xf32, #tpu.memory_space<vmem>>, %arg16: memref<65x48xf32, #tpu.memory_space<vmem_shared>>, %arg17: memref<!tpu.dma_semaphore, #tpu.memory_space<semaphore_mem>>, %arg18: memref<!tpu.dma_semaphore, #tpu.memory_space<semaphore_mem>>) attributes {dimension_semantics = [#tpu.dimension_semantics<core_parallel>, #tpu.dimension_semantics<subcore_parallel>], iteration_bounds = array<i64: 2, 16>, scalar_prefetch = 0 : i64, scratch_operands = 9 : i64, tpu.core_type = #tpu.core_type<sc_vector_subcore>, window_params = [{transform_indices = #map}, {transform_indices = #map}, {transform_indices = #map1}, {transform_indices = #map}, {transform_indices = #map}, {transform_indices = #map2}, {transform_indices = #map1}, {transform_indices = #map}]} {
    %mul3A = arith.constant 2 : i32
    %mul3A_0 = arith.muli %arg1, %mul3A : i32
    %add3A = arith.addi %mul3A_0, %arg0 : i32
    "tpu.region"() ({
      %run_scoped3A = tpu.sem_alloc : memref<!tpu.dma_semaphore, #tpu.memory_space<semaphore_mem>>
      %dma_start3A_684 = arith.constant 0 : i32
      %dma_start3A_685 = arith.constant 0 : i32
      %dma_start3A_686 = tpu.memref_slice %arg4[%add3A, %dma_start3A_684, %dma_start3A_685] : memref<32x14x112xi32, #tpu.memory_space<hbm>> -> memref<1x14x112xi32, #tpu.memory_space<hbm>>
      %dma_start3A_687 = tpu.memref_squeeze %dma_start3A_686 : memref<1x14x112xi32, #tpu.memory_space<hbm>> -> memref<14x112xi32, #tpu.memory_space<hbm>>
      %dma_start3A_688 = arith.constant 0 : i32
      %dma_start3A_689 = arith.constant 0 : i32
      %dma_start3A_690 = tpu.memref_slice %arg4[%add3A, %dma_start3A_688, %dma_start3A_689] : memref<32x14x112xi32, #tpu.memory_space<hbm>> -> memref<1x14x112xi32, #tpu.memory_space<hbm>>
      %dma_start3A_691 = tpu.memref_squeeze %dma_start3A_690 : memref<1x14x112xi32, #tpu.memory_space<hbm>> -> memref<14x112xi32, #tpu.memory_space<hbm>>
      tpu.enqueue_dma source(%dma_start3A_691 : memref<14x112xi32, #tpu.memory_space<hbm>>) target(%arg12 : memref<14x112xi32, #tpu.memory_space<vmem>>) target_semaphore(%run_scoped3A : memref<!tpu.dma_semaphore, #tpu.memory_space<semaphore_mem>>)
      %dma_wait3A_692 = arith.constant 0 : i32
      %dma_wait3A_693 = arith.constant 0 : i32
      %dma_wait3A_694 = tpu.memref_slice %arg4[%add3A, %dma_wait3A_692, %dma_wait3A_693] : memref<32x14x112xi32, #tpu.memory_space<hbm>> -> memref<1x14x112xi32, #tpu.memory_space<hbm>>
      %dma_wait3A_695 = tpu.memref_squeeze %dma_wait3A_694 : memref<1x14x112xi32, #tpu.memory_space<hbm>> -> memref<14x112xi32, #tpu.memory_space<hbm>>
      %dma_wait3A_696 = arith.constant 0 : i32
      %dma_wait3A_697 = arith.constant 0 : i32
      %dma_wait3A_698 = tpu.memref_slice %arg4[%add3A, %dma_wait3A_696, %dma_wait3A_697] : memref<32x14x112xi32, #tpu.memory_space<hbm>> -> memref<1x14x112xi32, #tpu.memory_space<hbm>>
      %dma_wait3A_699 = tpu.memref_squeeze %dma_wait3A_698 : memref<1x14x112xi32, #tpu.memory_space<hbm>> -> memref<14x112xi32, #tpu.memory_space<hbm>>
      tpu.wait_dma2 semaphore(%run_scoped3A : memref<!tpu.dma_semaphore, #tpu.memory_space<semaphore_mem>>) src(%dma_wait3A_699 : memref<14x112xi32, #tpu.memory_space<hbm>>) dst(%arg12 : memref<14x112xi32, #tpu.memory_space<vmem>>)
      tpu.yield
    }) : () -> ()
    %dma_start3A = arith.constant 0 : i32
    %dma_start3A_1 = arith.constant 0 : i32
    %dma_start3A_2 = arith.constant 0 : i32
    %dma_start3A_3 = arith.constant 0 : i32
    %dma_start3A_4 = tpu.memref_slice %arg14[%dma_start3A_1, %dma_start3A_2, %dma_start3A_3] : memref<14x112x48xf32, #tpu.memory_space<vmem>> -> memref<1x112x48xf32, #tpu.memory_space<vmem>>
    %dma_start3A_5 = tpu.memref_squeeze %dma_start3A_4 : memref<1x112x48xf32, #tpu.memory_space<vmem>> -> memref<112x48xf32, #tpu.memory_space<vmem>>
    %dma_start3A_6 = arith.constant 0 : i32
    %dma_start3A_7 = tpu.memref_slice %arg12[%dma_start3A, %dma_start3A_6] : memref<14x112xi32, #tpu.memory_space<vmem>> -> memref<1x112xi32, #tpu.memory_space<vmem>>
    %dma_start3A_8 = tpu.memref_squeeze %dma_start3A_7 : memref<1x112xi32, #tpu.memory_space<vmem>> -> memref<112xi32, #tpu.memory_space<vmem>>
    %dma_start3A_9 = arith.constant 0 : i32
    %dma_start3A_10 = arith.constant 0 : i32
    %dma_start3A_11 = tpu.memref_slice %arg5[%dma_start3A_9, %dma_start3A_10] : memref<50000x48xf32, #tpu.memory_space<hbm>> -> memref<50000x48xf32, #tpu.memory_space<hbm>>
    tpu.enqueue_indirect_dma source(%dma_start3A_11 : memref<50000x48xf32, #tpu.memory_space<hbm>>) target(%dma_start3A_5 : memref<112x48xf32, #tpu.memory_space<vmem>>) offsets(%dma_start3A_8 : memref<112xi32, #tpu.memory_space<vmem>>) semaphore(%arg17 : memref<!tpu.dma_semaphore, #tpu.memory_space<semaphore_mem>>)
    %dma_start3A_12 = arith.constant 1 : i32
    %dma_start3A_13 = arith.constant 1 : i32
    %dma_start3A_14 = arith.constant 0 : i32
    %dma_start3A_15 = arith.constant 0 : i32
    %dma_start3A_16 = tpu.memref_slice %arg14[%dma_start3A_13, %dma_start3A_14, %dma_start3A_15] : memref<14x112x48xf32, #tpu.memory_space<vmem>> -> memref<1x112x48xf32, #tpu.memory_space<vmem>>
    %dma_start3A_17 = tpu.memref_squeeze %dma_start3A_16 : memref<1x112x48xf32, #tpu.memory_space<vmem>> -> memref<112x48xf32, #tpu.memory_space<vmem>>
    %dma_start3A_18 = arith.constant 0 : i32
    %dma_start3A_19 = tpu.memref_slice %arg12[%dma_start3A_12, %dma_start3A_18] : memref<14x112xi32, #tpu.memory_space<vmem>> -> memref<1x112xi32, #tpu.memory_space<vmem>>
    %dma_start3A_20 = tpu.memref_squeeze %dma_start3A_19 : memref<1x112xi32, #tpu.memory_space<vmem>> -> memref<112xi32, #tpu.memory_space<vmem>>
    %dma_start3A_21 = arith.constant 0 : i32
    %dma_start3A_22 = arith.constant 0 : i32
    %dma_start3A_23 = tpu.memref_slice %arg5[%dma_start3A_21, %dma_start3A_22] : memref<50000x48xf32, #tpu.memory_space<hbm>> -> memref<50000x48xf32, #tpu.memory_space<hbm>>
    tpu.enqueue_indirect_dma source(%dma_start3A_23 : memref<50000x48xf32, #tpu.memory_space<hbm>>) target(%dma_start3A_17 : memref<112x48xf32, #tpu.memory_space<vmem>>) offsets(%dma_start3A_20 : memref<112xi32, #tpu.memory_space<vmem>>) semaphore(%arg17 : memref<!tpu.dma_semaphore, #tpu.memory_space<semaphore_mem>>)
    %dma_start3A_24 = arith.constant 2 : i32
    %dma_start3A_25 = arith.constant 2 : i32
    %dma_start3A_26 = arith.constant 0 : i32
    %dma_start3A_27 = arith.constant 0 : i32
    %dma_start3A_28 = tpu.memref_slice %arg14[%dma_start3A_25, %dma_start3A_26, %dma_start3A_27] : memref<14x112x48xf32, #tpu.memory_space<vmem>> -> memref<1x112x48xf32, #tpu.memory_space<vmem>>
    %dma_start3A_29 = tpu.memref_squeeze %dma_start3A_28 : memref<1x112x48xf32, #tpu.memory_space<vmem>> -> memref<112x48xf32, #tpu.memory_space<vmem>>
    %dma_start3A_30 = arith.constant 0 : i32
    %dma_start3A_31 = tpu.memref_slice %arg12[%dma_start3A_24, %dma_start3A_30] : memref<14x112xi32, #tpu.memory_space<vmem>> -> memref<1x112xi32, #tpu.memory_space<vmem>>
    %dma_start3A_32 = tpu.memref_squeeze %dma_start3A_31 : memref<1x112xi32, #tpu.memory_space<vmem>> -> memref<112xi32, #tpu.memory_space<vmem>>
    %dma_start3A_33 = arith.constant 0 : i32
    %dma_start3A_34 = arith.constant 0 : i32
    %dma_start3A_35 = tpu.memref_slice %arg5[%dma_start3A_33, %dma_start3A_34] : memref<50000x48xf32, #tpu.memory_space<hbm>> -> memref<50000x48xf32, #tpu.memory_space<hbm>>
    tpu.enqueue_indirect_dma source(%dma_start3A_35 : memref<50000x48xf32, #tpu.memory_space<hbm>>) target(%dma_start3A_29 : memref<112x48xf32, #tpu.memory_space<vmem>>) offsets(%dma_start3A_32 : memref<112xi32, #tpu.memory_space<vmem>>) semaphore(%arg17 : memref<!tpu.dma_semaphore, #tpu.memory_space<semaphore_mem>>)
    %dma_start3A_36 = arith.constant 3 : i32
    %dma_start3A_37 = arith.constant 3 : i32
    %dma_start3A_38 = arith.constant 0 : i32
    %dma_start3A_39 = arith.constant 0 : i32
    %dma_start3A_40 = tpu.memref_slice %arg14[%dma_start3A_37, %dma_start3A_38, %dma_start3A_39] : memref<14x112x48xf32, #tpu.memory_space<vmem>> -> memref<1x112x48xf32, #tpu.memory_space<vmem>>
    %dma_start3A_41 = tpu.memref_squeeze %dma_start3A_40 : memref<1x112x48xf32, #tpu.memory_space<vmem>> -> memref<112x48xf32, #tpu.memory_space<vmem>>
    %dma_start3A_42 = arith.constant 0 : i32
    %dma_start3A_43 = tpu.memref_slice %arg12[%dma_start3A_36, %dma_start3A_42] : memref<14x112xi32, #tpu.memory_space<vmem>> -> memref<1x112xi32, #tpu.memory_space<vmem>>
    %dma_start3A_44 = tpu.memref_squeeze %dma_start3A_43 : memref<1x112xi32, #tpu.memory_space<vmem>> -> memref<112xi32, #tpu.memory_space<vmem>>
    %dma_start3A_45 = arith.constant 0 : i32
    %dma_start3A_46 = arith.constant 0 : i32
    %dma_start3A_47 = tpu.memref_slice %arg5[%dma_start3A_45, %dma_start3A_46] : memref<50000x48xf32, #tpu.memory_space<hbm>> -> memref<50000x48xf32, #tpu.memory_space<hbm>>
    tpu.enqueue_indirect_dma source(%dma_start3A_47 : memref<50000x48xf32, #tpu.memory_space<hbm>>) target(%dma_start3A_41 : memref<112x48xf32, #tpu.memory_space<vmem>>) offsets(%dma_start3A_44 : memref<112xi32, #tpu.memory_space<vmem>>) semaphore(%arg17 : memref<!tpu.dma_semaphore, #tpu.memory_space<semaphore_mem>>)
    %dma_start3A_48 = arith.constant 4 : i32
    %dma_start3A_49 = arith.constant 4 : i32
    %dma_start3A_50 = arith.constant 0 : i32
    %dma_start3A_51 = arith.constant 0 : i32
    %dma_start3A_52 = tpu.memref_slice %arg14[%dma_start3A_49, %dma_start3A_50, %dma_start3A_51] : memref<14x112x48xf32, #tpu.memory_space<vmem>> -> memref<1x112x48xf32, #tpu.memory_space<vmem>>
    %dma_start3A_53 = tpu.memref_squeeze %dma_start3A_52 : memref<1x112x48xf32, #tpu.memory_space<vmem>> -> memref<112x48xf32, #tpu.memory_space<vmem>>
    %dma_start3A_54 = arith.constant 0 : i32
    %dma_start3A_55 = tpu.memref_slice %arg12[%dma_start3A_48, %dma_start3A_54] : memref<14x112xi32, #tpu.memory_space<vmem>> -> memref<1x112xi32, #tpu.memory_space<vmem>>
    %dma_start3A_56 = tpu.memref_squeeze %dma_start3A_55 : memref<1x112xi32, #tpu.memory_space<vmem>> -> memref<112xi32, #tpu.memory_space<vmem>>
    %dma_start3A_57 = arith.constant 0 : i32
    %dma_start3A_58 = arith.constant 0 : i32
    %dma_start3A_59 = tpu.memref_slice %arg5[%dma_start3A_57, %dma_start3A_58] : memref<50000x48xf32, #tpu.memory_space<hbm>> -> memref<50000x48xf32, #tpu.memory_space<hbm>>
    tpu.enqueue_indirect_dma source(%dma_start3A_59 : memref<50000x48xf32, #tpu.memory_space<hbm>>) target(%dma_start3A_53 : memref<112x48xf32, #tpu.memory_space<vmem>>) offsets(%dma_start3A_56 : memref<112xi32, #tpu.memory_space<vmem>>) semaphore(%arg17 : memref<!tpu.dma_semaphore, #tpu.memory_space<semaphore_mem>>)
    %dma_start3A_60 = arith.constant 5 : i32
    %dma_start3A_61 = arith.constant 5 : i32
    %dma_start3A_62 = arith.constant 0 : i32
    %dma_start3A_63 = arith.constant 0 : i32
    %dma_start3A_64 = tpu.memref_slice %arg14[%dma_start3A_61, %dma_start3A_62, %dma_start3A_63] : memref<14x112x48xf32, #tpu.memory_space<vmem>> -> memref<1x112x48xf32, #tpu.memory_space<vmem>>
    %dma_start3A_65 = tpu.memref_squeeze %dma_start3A_64 : memref<1x112x48xf32, #tpu.memory_space<vmem>> -> memref<112x48xf32, #tpu.memory_space<vmem>>
    %dma_start3A_66 = arith.constant 0 : i32
    %dma_start3A_67 = tpu.memref_slice %arg12[%dma_start3A_60, %dma_start3A_66] : memref<14x112xi32, #tpu.memory_space<vmem>> -> memref<1x112xi32, #tpu.memory_space<vmem>>
    %dma_start3A_68 = tpu.memref_squeeze %dma_start3A_67 : memref<1x112xi32, #tpu.memory_space<vmem>> -> memref<112xi32, #tpu.memory_space<vmem>>
    %dma_start3A_69 = arith.constant 0 : i32
    %dma_start3A_70 = arith.constant 0 : i32
    %dma_start3A_71 = tpu.memref_slice %arg5[%dma_start3A_69, %dma_start3A_70] : memref<50000x48xf32, #tpu.memory_space<hbm>> -> memref<50000x48xf32, #tpu.memory_space<hbm>>
    tpu.enqueue_indirect_dma source(%dma_start3A_71 : memref<50000x48xf32, #tpu.memory_space<hbm>>) target(%dma_start3A_65 : memref<112x48xf32, #tpu.memory_space<vmem>>) offsets(%dma_start3A_68 : memref<112xi32, #tpu.memory_space<vmem>>) semaphore(%arg17 : memref<!tpu.dma_semaphore, #tpu.memory_space<semaphore_mem>>)
    %dma_start3A_72 = arith.constant 6 : i32
    %dma_start3A_73 = arith.constant 6 : i32
    %dma_start3A_74 = arith.constant 0 : i32
    %dma_start3A_75 = arith.constant 0 : i32
    %dma_start3A_76 = tpu.memref_slice %arg14[%dma_start3A_73, %dma_start3A_74, %dma_start3A_75] : memref<14x112x48xf32, #tpu.memory_space<vmem>> -> memref<1x112x48xf32, #tpu.memory_space<vmem>>
    %dma_start3A_77 = tpu.memref_squeeze %dma_start3A_76 : memref<1x112x48xf32, #tpu.memory_space<vmem>> -> memref<112x48xf32, #tpu.memory_space<vmem>>
    %dma_start3A_78 = arith.constant 0 : i32
    %dma_start3A_79 = tpu.memref_slice %arg12[%dma_start3A_72, %dma_start3A_78] : memref<14x112xi32, #tpu.memory_space<vmem>> -> memref<1x112xi32, #tpu.memory_space<vmem>>
    %dma_start3A_80 = tpu.memref_squeeze %dma_start3A_79 : memref<1x112xi32, #tpu.memory_space<vmem>> -> memref<112xi32, #tpu.memory_space<vmem>>
    %dma_start3A_81 = arith.constant 0 : i32
    %dma_start3A_82 = arith.constant 0 : i32
    %dma_start3A_83 = tpu.memref_slice %arg5[%dma_start3A_81, %dma_start3A_82] : memref<50000x48xf32, #tpu.memory_space<hbm>> -> memref<50000x48xf32, #tpu.memory_space<hbm>>
    tpu.enqueue_indirect_dma source(%dma_start3A_83 : memref<50000x48xf32, #tpu.memory_space<hbm>>) target(%dma_start3A_77 : memref<112x48xf32, #tpu.memory_space<vmem>>) offsets(%dma_start3A_80 : memref<112xi32, #tpu.memory_space<vmem>>) semaphore(%arg17 : memref<!tpu.dma_semaphore, #tpu.memory_space<semaphore_mem>>)
    %dma_start3A_84 = arith.constant 7 : i32
    %dma_start3A_85 = arith.constant 7 : i32
    %dma_start3A_86 = arith.constant 0 : i32
    %dma_start3A_87 = arith.constant 0 : i32
    %dma_start3A_88 = tpu.memref_slice %arg14[%dma_start3A_85, %dma_start3A_86, %dma_start3A_87] : memref<14x112x48xf32, #tpu.memory_space<vmem>> -> memref<1x112x48xf32, #tpu.memory_space<vmem>>
    %dma_start3A_89 = tpu.memref_squeeze %dma_start3A_88 : memref<1x112x48xf32, #tpu.memory_space<vmem>> -> memref<112x48xf32, #tpu.memory_space<vmem>>
    %dma_start3A_90 = arith.constant 0 : i32
    %dma_start3A_91 = tpu.memref_slice %arg12[%dma_start3A_84, %dma_start3A_90] : memref<14x112xi32, #tpu.memory_space<vmem>> -> memref<1x112xi32, #tpu.memory_space<vmem>>
    %dma_start3A_92 = tpu.memref_squeeze %dma_start3A_91 : memref<1x112xi32, #tpu.memory_space<vmem>> -> memref<112xi32, #tpu.memory_space<vmem>>
    %dma_start3A_93 = arith.constant 0 : i32
    %dma_start3A_94 = arith.constant 0 : i32
    %dma_start3A_95 = tpu.memref_slice %arg5[%dma_start3A_93, %dma_start3A_94] : memref<50000x48xf32, #tpu.memory_space<hbm>> -> memref<50000x48xf32, #tpu.memory_space<hbm>>
    tpu.enqueue_indirect_dma source(%dma_start3A_95 : memref<50000x48xf32, #tpu.memory_space<hbm>>) target(%dma_start3A_89 : memref<112x48xf32, #tpu.memory_space<vmem>>) offsets(%dma_start3A_92 : memref<112xi32, #tpu.memory_space<vmem>>) semaphore(%arg17 : memref<!tpu.dma_semaphore, #tpu.memory_space<semaphore_mem>>)
    %dma_start3A_96 = arith.constant 8 : i32
    %dma_start3A_97 = arith.constant 8 : i32
    %dma_start3A_98 = arith.constant 0 : i32
    %dma_start3A_99 = arith.constant 0 : i32
    %dma_start3A_100 = tpu.memref_slice %arg14[%dma_start3A_97, %dma_start3A_98, %dma_start3A_99] : memref<14x112x48xf32, #tpu.memory_space<vmem>> -> memref<1x112x48xf32, #tpu.memory_space<vmem>>
    %dma_start3A_101 = tpu.memref_squeeze %dma_start3A_100 : memref<1x112x48xf32, #tpu.memory_space<vmem>> -> memref<112x48xf32, #tpu.memory_space<vmem>>
    %dma_start3A_102 = arith.constant 0 : i32
    %dma_start3A_103 = tpu.memref_slice %arg12[%dma_start3A_96, %dma_start3A_102] : memref<14x112xi32, #tpu.memory_space<vmem>> -> memref<1x112xi32, #tpu.memory_space<vmem>>
    %dma_start3A_104 = tpu.memref_squeeze %dma_start3A_103 : memref<1x112xi32, #tpu.memory_space<vmem>> -> memref<112xi32, #tpu.memory_space<vmem>>
    %dma_start3A_105 = arith.constant 0 : i32
    %dma_start3A_106 = arith.constant 0 : i32
    %dma_start3A_107 = tpu.memref_slice %arg5[%dma_start3A_105, %dma_start3A_106] : memref<50000x48xf32, #tpu.memory_space<hbm>> -> memref<50000x48xf32, #tpu.memory_space<hbm>>
    tpu.enqueue_indirect_dma source(%dma_start3A_107 : memref<50000x48xf32, #tpu.memory_space<hbm>>) target(%dma_start3A_101 : memref<112x48xf32, #tpu.memory_space<vmem>>) offsets(%dma_start3A_104 : memref<112xi32, #tpu.memory_space<vmem>>) semaphore(%arg17 : memref<!tpu.dma_semaphore, #tpu.memory_space<semaphore_mem>>)
    %dma_start3A_108 = arith.constant 9 : i32
    %dma_start3A_109 = arith.constant 9 : i32
    %dma_start3A_110 = arith.constant 0 : i32
    %dma_start3A_111 = arith.constant 0 : i32
    %dma_start3A_112 = tpu.memref_slice %arg14[%dma_start3A_109, %dma_start3A_110, %dma_start3A_111] : memref<14x112x48xf32, #tpu.memory_space<vmem>> -> memref<1x112x48xf32, #tpu.memory_space<vmem>>
    %dma_start3A_113 = tpu.memref_squeeze %dma_start3A_112 : memref<1x112x48xf32, #tpu.memory_space<vmem>> -> memref<112x48xf32, #tpu.memory_space<vmem>>
    %dma_start3A_114 = arith.constant 0 : i32
    %dma_start3A_115 = tpu.memref_slice %arg12[%dma_start3A_108, %dma_start3A_114] : memref<14x112xi32, #tpu.memory_space<vmem>> -> memref<1x112xi32, #tpu.memory_space<vmem>>
    %dma_start3A_116 = tpu.memref_squeeze %dma_start3A_115 : memref<1x112xi32, #tpu.memory_space<vmem>> -> memref<112xi32, #tpu.memory_space<vmem>>
    %dma_start3A_117 = arith.constant 0 : i32
    %dma_start3A_118 = arith.constant 0 : i32
    %dma_start3A_119 = tpu.memref_slice %arg5[%dma_start3A_117, %dma_start3A_118] : memref<50000x48xf32, #tpu.memory_space<hbm>> -> memref<50000x48xf32, #tpu.memory_space<hbm>>
    tpu.enqueue_indirect_dma source(%dma_start3A_119 : memref<50000x48xf32, #tpu.memory_space<hbm>>) target(%dma_start3A_113 : memref<112x48xf32, #tpu.memory_space<vmem>>) offsets(%dma_start3A_116 : memref<112xi32, #tpu.memory_space<vmem>>) semaphore(%arg17 : memref<!tpu.dma_semaphore, #tpu.memory_space<semaphore_mem>>)
    %dma_start3A_120 = arith.constant 10 : i32
    %dma_start3A_121 = arith.constant 10 : i32
    %dma_start3A_122 = arith.constant 0 : i32
    %dma_start3A_123 = arith.constant 0 : i32
    %dma_start3A_124 = tpu.memref_slice %arg14[%dma_start3A_121, %dma_start3A_122, %dma_start3A_123] : memref<14x112x48xf32, #tpu.memory_space<vmem>> -> memref<1x112x48xf32, #tpu.memory_space<vmem>>
    %dma_start3A_125 = tpu.memref_squeeze %dma_start3A_124 : memref<1x112x48xf32, #tpu.memory_space<vmem>> -> memref<112x48xf32, #tpu.memory_space<vmem>>
    %dma_start3A_126 = arith.constant 0 : i32
    %dma_start3A_127 = tpu.memref_slice %arg12[%dma_start3A_120, %dma_start3A_126] : memref<14x112xi32, #tpu.memory_space<vmem>> -> memref<1x112xi32, #tpu.memory_space<vmem>>
    %dma_start3A_128 = tpu.memref_squeeze %dma_start3A_127 : memref<1x112xi32, #tpu.memory_space<vmem>> -> memref<112xi32, #tpu.memory_space<vmem>>
    %dma_start3A_129 = arith.constant 0 : i32
    %dma_start3A_130 = arith.constant 0 : i32
    %dma_start3A_131 = tpu.memref_slice %arg5[%dma_start3A_129, %dma_start3A_130] : memref<50000x48xf32, #tpu.memory_space<hbm>> -> memref<50000x48xf32, #tpu.memory_space<hbm>>
    tpu.enqueue_indirect_dma source(%dma_start3A_131 : memref<50000x48xf32, #tpu.memory_space<hbm>>) target(%dma_start3A_125 : memref<112x48xf32, #tpu.memory_space<vmem>>) offsets(%dma_start3A_128 : memref<112xi32, #tpu.memory_space<vmem>>) semaphore(%arg17 : memref<!tpu.dma_semaphore, #tpu.memory_space<semaphore_mem>>)
    %dma_start3A_132 = arith.constant 11 : i32
    %dma_start3A_133 = arith.constant 11 : i32
    %dma_start3A_134 = arith.constant 0 : i32
    %dma_start3A_135 = arith.constant 0 : i32
    %dma_start3A_136 = tpu.memref_slice %arg14[%dma_start3A_133, %dma_start3A_134, %dma_start3A_135] : memref<14x112x48xf32, #tpu.memory_space<vmem>> -> memref<1x112x48xf32, #tpu.memory_space<vmem>>
    %dma_start3A_137 = tpu.memref_squeeze %dma_start3A_136 : memref<1x112x48xf32, #tpu.memory_space<vmem>> -> memref<112x48xf32, #tpu.memory_space<vmem>>
    %dma_start3A_138 = arith.constant 0 : i32
    %dma_start3A_139 = tpu.memref_slice %arg12[%dma_start3A_132, %dma_start3A_138] : memref<14x112xi32, #tpu.memory_space<vmem>> -> memref<1x112xi32, #tpu.memory_space<vmem>>
    %dma_start3A_140 = tpu.memref_squeeze %dma_start3A_139 : memref<1x112xi32, #tpu.memory_space<vmem>> -> memref<112xi32, #tpu.memory_space<vmem>>
    %dma_start3A_141 = arith.constant 0 : i32
    %dma_start3A_142 = arith.constant 0 : i32
    %dma_start3A_143 = tpu.memref_slice %arg5[%dma_start3A_141, %dma_start3A_142] : memref<50000x48xf32, #tpu.memory_space<hbm>> -> memref<50000x48xf32, #tpu.memory_space<hbm>>
    tpu.enqueue_indirect_dma source(%dma_start3A_143 : memref<50000x48xf32, #tpu.memory_space<hbm>>) target(%dma_start3A_137 : memref<112x48xf32, #tpu.memory_space<vmem>>) offsets(%dma_start3A_140 : memref<112xi32, #tpu.memory_space<vmem>>) semaphore(%arg17 : memref<!tpu.dma_semaphore, #tpu.memory_space<semaphore_mem>>)
    %dma_start3A_144 = arith.constant 12 : i32
    %dma_start3A_145 = arith.constant 12 : i32
    %dma_start3A_146 = arith.constant 0 : i32
    %dma_start3A_147 = arith.constant 0 : i32
    %dma_start3A_148 = tpu.memref_slice %arg14[%dma_start3A_145, %dma_start3A_146, %dma_start3A_147] : memref<14x112x48xf32, #tpu.memory_space<vmem>> -> memref<1x112x48xf32, #tpu.memory_space<vmem>>
    %dma_start3A_149 = tpu.memref_squeeze %dma_start3A_148 : memref<1x112x48xf32, #tpu.memory_space<vmem>> -> memref<112x48xf32, #tpu.memory_space<vmem>>
    %dma_start3A_150 = arith.constant 0 : i32
    %dma_start3A_151 = tpu.memref_slice %arg12[%dma_start3A_144, %dma_start3A_150] : memref<14x112xi32, #tpu.memory_space<vmem>> -> memref<1x112xi32, #tpu.memory_space<vmem>>
    %dma_start3A_152 = tpu.memref_squeeze %dma_start3A_151 : memref<1x112xi32, #tpu.memory_space<vmem>> -> memref<112xi32, #tpu.memory_space<vmem>>
    %dma_start3A_153 = arith.constant 0 : i32
    %dma_start3A_154 = arith.constant 0 : i32
    %dma_start3A_155 = tpu.memref_slice %arg5[%dma_start3A_153, %dma_start3A_154] : memref<50000x48xf32, #tpu.memory_space<hbm>> -> memref<50000x48xf32, #tpu.memory_space<hbm>>
    tpu.enqueue_indirect_dma source(%dma_start3A_155 : memref<50000x48xf32, #tpu.memory_space<hbm>>) target(%dma_start3A_149 : memref<112x48xf32, #tpu.memory_space<vmem>>) offsets(%dma_start3A_152 : memref<112xi32, #tpu.memory_space<vmem>>) semaphore(%arg17 : memref<!tpu.dma_semaphore, #tpu.memory_space<semaphore_mem>>)
    %dma_start3A_156 = arith.constant 13 : i32
    %dma_start3A_157 = arith.constant 13 : i32
    %dma_start3A_158 = arith.constant 0 : i32
    %dma_start3A_159 = arith.constant 0 : i32
    %dma_start3A_160 = tpu.memref_slice %arg14[%dma_start3A_157, %dma_start3A_158, %dma_start3A_159] : memref<14x112x48xf32, #tpu.memory_space<vmem>> -> memref<1x112x48xf32, #tpu.memory_space<vmem>>
    %dma_start3A_161 = tpu.memref_squeeze %dma_start3A_160 : memref<1x112x48xf32, #tpu.memory_space<vmem>> -> memref<112x48xf32, #tpu.memory_space<vmem>>
    %dma_start3A_162 = arith.constant 0 : i32
    %dma_start3A_163 = tpu.memref_slice %arg12[%dma_start3A_156, %dma_start3A_162] : memref<14x112xi32, #tpu.memory_space<vmem>> -> memref<1x112xi32, #tpu.memory_space<vmem>>
    %dma_start3A_164 = tpu.memref_squeeze %dma_start3A_163 : memref<1x112xi32, #tpu.memory_space<vmem>> -> memref<112xi32, #tpu.memory_space<vmem>>
    %dma_start3A_165 = arith.constant 0 : i32
    %dma_start3A_166 = arith.constant 0 : i32
    %dma_start3A_167 = tpu.memref_slice %arg5[%dma_start3A_165, %dma_start3A_166] : memref<50000x48xf32, #tpu.memory_space<hbm>> -> memref<50000x48xf32, #tpu.memory_space<hbm>>
    tpu.enqueue_indirect_dma source(%dma_start3A_167 : memref<50000x48xf32, #tpu.memory_space<hbm>>) target(%dma_start3A_161 : memref<112x48xf32, #tpu.memory_space<vmem>>) offsets(%dma_start3A_164 : memref<112xi32, #tpu.memory_space<vmem>>) semaphore(%arg17 : memref<!tpu.dma_semaphore, #tpu.memory_space<semaphore_mem>>)
    %eq3A = arith.constant 0 : i32
    %eq3A_168 = arith.cmpi eq, %arg1, %eq3A : i32
    %convert_element_type3A = arith.extui %eq3A_168 : i1 to i32
    %cond3A = arith.constant 0 : i32
    %cond3A_169 = arith.cmpi ne, %convert_element_type3A, %cond3A : i32
    scf.if %cond3A_169 {
      "tpu.region"() ({
        %run_scoped3A = tpu.sem_alloc : memref<!tpu.dma_semaphore, #tpu.memory_space<semaphore_mem>>
        tpu.enqueue_dma source(%arg6 : memref<65x48xf32, #tpu.memory_space<hbm>>) target(%arg16 : memref<65x48xf32, #tpu.memory_space<vmem_shared>>) target_semaphore(%run_scoped3A : memref<!tpu.dma_semaphore, #tpu.memory_space<semaphore_mem>>)
        tpu.wait_dma2 semaphore(%run_scoped3A : memref<!tpu.dma_semaphore, #tpu.memory_space<semaphore_mem>>) src(%arg6 : memref<65x48xf32, #tpu.memory_space<hbm>>) dst(%arg16 : memref<65x48xf32, #tpu.memory_space<vmem_shared>>)
        tpu.yield
      }) : () -> ()
    } else {
    }
    "tpu.region"() ({
      %run_scoped3A = tpu.sem_alloc : memref<!tpu.dma_semaphore, #tpu.memory_space<semaphore_mem>>
      %dma_start3A_684 = arith.constant 0 : i32
      %dma_start3A_685 = tpu.memref_slice %arg2[%add3A, %dma_start3A_684] : memref<32x1568xf32, #tpu.memory_space<hbm>> -> memref<1x1568xf32, #tpu.memory_space<hbm>>
      %dma_start3A_686 = tpu.memref_squeeze %dma_start3A_685 : memref<1x1568xf32, #tpu.memory_space<hbm>> -> memref<1568xf32, #tpu.memory_space<hbm>>
      %dma_start3A_687 = arith.constant 0 : i32
      %dma_start3A_688 = tpu.memref_slice %arg2[%add3A, %dma_start3A_687] : memref<32x1568xf32, #tpu.memory_space<hbm>> -> memref<1x1568xf32, #tpu.memory_space<hbm>>
      %dma_start3A_689 = tpu.memref_squeeze %dma_start3A_688 : memref<1x1568xf32, #tpu.memory_space<hbm>> -> memref<1568xf32, #tpu.memory_space<hbm>>
      tpu.enqueue_dma source(%dma_start3A_689 : memref<1568xf32, #tpu.memory_space<hbm>>) target(%arg10 : memref<1568xf32, #tpu.memory_space<vmem>>) target_semaphore(%run_scoped3A : memref<!tpu.dma_semaphore, #tpu.memory_space<semaphore_mem>>)
      %dma_wait3A_690 = arith.constant 0 : i32
      %dma_wait3A_691 = tpu.memref_slice %arg2[%add3A, %dma_wait3A_690] : memref<32x1568xf32, #tpu.memory_space<hbm>> -> memref<1x1568xf32, #tpu.memory_space<hbm>>
      %dma_wait3A_692 = tpu.memref_squeeze %dma_wait3A_691 : memref<1x1568xf32, #tpu.memory_space<hbm>> -> memref<1568xf32, #tpu.memory_space<hbm>>
      %dma_wait3A_693 = arith.constant 0 : i32
      %dma_wait3A_694 = tpu.memref_slice %arg2[%add3A, %dma_wait3A_693] : memref<32x1568xf32, #tpu.memory_space<hbm>> -> memref<1x1568xf32, #tpu.memory_space<hbm>>
      %dma_wait3A_695 = tpu.memref_squeeze %dma_wait3A_694 : memref<1x1568xf32, #tpu.memory_space<hbm>> -> memref<1568xf32, #tpu.memory_space<hbm>>
      tpu.wait_dma2 semaphore(%run_scoped3A : memref<!tpu.dma_semaphore, #tpu.memory_space<semaphore_mem>>) src(%dma_wait3A_695 : memref<1568xf32, #tpu.memory_space<hbm>>) dst(%arg10 : memref<1568xf32, #tpu.memory_space<vmem>>)
      tpu.yield
    }) : () -> ()
    "tpu.region"() ({
      %run_scoped3A = tpu.sem_alloc : memref<!tpu.dma_semaphore, #tpu.memory_space<semaphore_mem>>
      %dma_start3A_684 = arith.constant 0 : i32
      %dma_start3A_685 = tpu.memref_slice %arg3[%add3A, %dma_start3A_684] : memref<32x1568xf32, #tpu.memory_space<hbm>> -> memref<1x1568xf32, #tpu.memory_space<hbm>>
      %dma_start3A_686 = tpu.memref_squeeze %dma_start3A_685 : memref<1x1568xf32, #tpu.memory_space<hbm>> -> memref<1568xf32, #tpu.memory_space<hbm>>
      %dma_start3A_687 = arith.constant 0 : i32
      %dma_start3A_688 = tpu.memref_slice %arg3[%add3A, %dma_start3A_687] : memref<32x1568xf32, #tpu.memory_space<hbm>> -> memref<1x1568xf32, #tpu.memory_space<hbm>>
      %dma_start3A_689 = tpu.memref_squeeze %dma_start3A_688 : memref<1x1568xf32, #tpu.memory_space<hbm>> -> memref<1568xf32, #tpu.memory_space<hbm>>
      tpu.enqueue_dma source(%dma_start3A_689 : memref<1568xf32, #tpu.memory_space<hbm>>) target(%arg11 : memref<1568xf32, #tpu.memory_space<vmem>>) target_semaphore(%run_scoped3A : memref<!tpu.dma_semaphore, #tpu.memory_space<semaphore_mem>>)
      %dma_wait3A_690 = arith.constant 0 : i32
      %dma_wait3A_691 = tpu.memref_slice %arg3[%add3A, %dma_wait3A_690] : memref<32x1568xf32, #tpu.memory_space<hbm>> -> memref<1x1568xf32, #tpu.memory_space<hbm>>
      %dma_wait3A_692 = tpu.memref_squeeze %dma_wait3A_691 : memref<1x1568xf32, #tpu.memory_space<hbm>> -> memref<1568xf32, #tpu.memory_space<hbm>>
      %dma_wait3A_693 = arith.constant 0 : i32
      %dma_wait3A_694 = tpu.memref_slice %arg3[%add3A, %dma_wait3A_693] : memref<32x1568xf32, #tpu.memory_space<hbm>> -> memref<1x1568xf32, #tpu.memory_space<hbm>>
      %dma_wait3A_695 = tpu.memref_squeeze %dma_wait3A_694 : memref<1x1568xf32, #tpu.memory_space<hbm>> -> memref<1568xf32, #tpu.memory_space<hbm>>
      tpu.wait_dma2 semaphore(%run_scoped3A : memref<!tpu.dma_semaphore, #tpu.memory_space<semaphore_mem>>) src(%dma_wait3A_695 : memref<1568xf32, #tpu.memory_space<hbm>>) dst(%arg11 : memref<1568xf32, #tpu.memory_space<vmem>>)
      tpu.yield
    }) : () -> ()
    "tpu.region"() ({
      %run_scoped3A = tpu.sem_alloc : memref<!tpu.dma_semaphore, #tpu.memory_space<semaphore_mem>>
      tpu.enqueue_dma source(%arg7 : memref<80xf32, #tpu.memory_space<hbm>>) target(%arg15 : memref<80xf32, #tpu.memory_space<vmem>>) target_semaphore(%run_scoped3A : memref<!tpu.dma_semaphore, #tpu.memory_space<semaphore_mem>>)
      tpu.wait_dma2 semaphore(%run_scoped3A : memref<!tpu.dma_semaphore, #tpu.memory_space<semaphore_mem>>) src(%arg7 : memref<80xf32, #tpu.memory_space<hbm>>) dst(%arg15 : memref<80xf32, #tpu.memory_space<vmem>>)
      tpu.yield
    }) : () -> ()
    %broadcast_in_dim3A = arith.constant 1.000000e+00 : f32
    %broadcast_in_dim3A_170 = vector.broadcast %broadcast_in_dim3A : f32 to vector<16xf32>
    %scan3A = arith.constant 0 : i32
    %scan3A_171 = arith.constant 14 : i32
    %scan3A_172 = arith.addi %scan3A, %scan3A_171 : i32
    %scan3A_173 = arith.constant 1 : i32
    scf.for %scan3A_684 = %scan3A to %scan3A_172 step %scan3A_173  : i32 {
      %mul3A_685 = arith.constant 112 : i32
      %mul3A_686 = arith.muli %scan3A_684, %mul3A_685 : i32
      %add3A_687 = arith.constant 0 : i32
      %add3A_688 = arith.addi %mul3A_686, %add3A_687 : i32
      %get3A = arith.index_cast %add3A_688 : i32 to index
      %get3A_689 = tpu.vector_load %arg10[%get3A] {strides = array<i32>} : memref<1568xf32, #tpu.memory_space<vmem>>, vector<16xf32>,
      %get3A_690 = arith.index_cast %add3A_688 : i32 to index
      %get3A_691 = tpu.vector_load %arg11[%get3A_690] {strides = array<i32>} : memref<1568xf32, #tpu.memory_space<vmem>>, vector<16xf32>,
      %mul3A_692 = arith.mulf %get3A_689, %get3A_689 : vector<16xf32>
      %mul3A_693 = arith.mulf %get3A_691, %get3A_691 : vector<16xf32>
      %add3A_694 = arith.addf %mul3A_692, %mul3A_693 : vector<16xf32>
      %lt3A = arith.cmpf olt, %get3A_689, %get3A_691 : vector<16xf32>
      %convert_element_type3A_695 = arith.extui %lt3A : vector<16xi1> to vector<16xi32>
      %le3A = arith.constant 0.000000e+00 : f32
      %le3A_696 = vector.broadcast %le3A : f32 to vector<16xf32>
      %le3A_697 = arith.cmpf ole, %get3A_689, %le3A_696 : vector<16xf32>
      %convert_element_type3A_698 = arith.extui %le3A_697 : vector<16xi1> to vector<16xi32>
      %lt3A_699 = arith.constant 0.000000e+00 : f32
      %lt3A_700 = vector.broadcast %lt3A_699 : f32 to vector<16xf32>
      %lt3A_701 = arith.cmpf olt, %get3A_689, %lt3A_700 : vector<16xf32>
      %convert_element_type3A_702 = arith.extui %lt3A_701 : vector<16xi1> to vector<16xi32>
      %neg3A = arith.constant 0.000000e+00 : f32
      %neg3A_703 = vector.broadcast %neg3A : f32 to vector<16xf32>
      %neg3A_704 = arith.subf %neg3A_703, %get3A_691 : vector<16xf32>
      %le3A_705 = arith.cmpf ole, %get3A_689, %neg3A_704 : vector<16xf32>
      %convert_element_type3A_706 = arith.extui %le3A_705 : vector<16xi1> to vector<16xi32>
      %neg3A_707 = arith.constant 0.000000e+00 : f32
      %neg3A_708 = vector.broadcast %neg3A_707 : f32 to vector<16xf32>
      %neg3A_709 = arith.subf %neg3A_708, %get3A_691 : vector<16xf32>
      %lt3A_710 = arith.cmpf olt, %get3A_689, %neg3A_709 : vector<16xf32>
      %convert_element_type3A_711 = arith.extui %lt3A_710 : vector<16xi1> to vector<16xi32>
      %lt3A_712 = arith.constant 0.000000e+00 : f32
      %lt3A_713 = vector.broadcast %lt3A_712 : f32 to vector<16xf32>
      %lt3A_714 = arith.cmpf olt, %get3A_689, %lt3A_713 : vector<16xf32>
      %mul3A_715 = arith.mulf %get3A_689, %get3A_689 : vector<16xf32>
      %mul3A_716 = arith.constant 1.00000012 : f32
      %mul3A_717 = vector.broadcast %mul3A_716 : f32 to vector<16xf32>
      %mul3A_718 = arith.mulf %mul3A_715, %mul3A_717 : vector<16xf32>
      %le3A_719 = arith.cmpf ole, %add3A_694, %mul3A_718 : vector<16xf32>
      %and3A = arith.andi %lt3A_714, %le3A_719 : vector<16xi1>
      %convert_element_type3A_720 = arith.extui %and3A : vector<16xi1> to vector<16xi32>
      %lt3A_721 = arith.constant 0.000000e+00 : f32
      %lt3A_722 = vector.broadcast %lt3A_721 : f32 to vector<16xf32>
      %lt3A_723 = arith.cmpf olt, %get3A_691, %lt3A_722 : vector<16xf32>
      %add3A_724 = arith.addi %convert_element_type3A_711, %convert_element_type3A_702 : vector<16xi32>
      %add3A_725 = arith.addi %add3A_724, %convert_element_type3A_695 : vector<16xi32>
      %sub3A = arith.constant 7 : i32
      %sub3A_726 = vector.broadcast %sub3A : i32 to vector<16xi32>
      %sub3A_727 = arith.subi %sub3A_726, %add3A_725 : vector<16xi32>
      %add3A_728 = arith.addi %convert_element_type3A_695, %convert_element_type3A_698 : vector<16xi32>
      %add3A_729 = arith.addi %add3A_728, %convert_element_type3A_706 : vector<16xi32>
      %add3A_730 = arith.addi %add3A_729, %convert_element_type3A_720 : vector<16xi32>
      %select_n3A = arith.select %lt3A_723, %sub3A_727, %add3A_730 : vector<16xi1>, vector<16xi32>
      %ge3A = arith.constant 6.250000e-02 : f32
      %ge3A_731 = vector.broadcast %ge3A : f32 to vector<16xf32>
      %ge3A_732 = arith.cmpf oge, %add3A_694, %ge3A_731 : vector<16xf32>
      %convert_element_type3A_733 = arith.extui %ge3A_732 : vector<16xi1> to vector<16xi32>
      %ge3A_734 = arith.constant 2.500000e-01 : f32
      %ge3A_735 = vector.broadcast %ge3A_734 : f32 to vector<16xf32>
      %ge3A_736 = arith.cmpf oge, %add3A_694, %ge3A_735 : vector<16xf32>
      %convert_element_type3A_737 = arith.extui %ge3A_736 : vector<16xi1> to vector<16xi32>
      %add3A_738 = arith.addi %convert_element_type3A_733, %convert_element_type3A_737 : vector<16xi32>
      %ge3A_739 = arith.constant 5.625000e-01 : f32
      %ge3A_740 = vector.broadcast %ge3A_739 : f32 to vector<16xf32>
      %ge3A_741 = arith.cmpf oge, %add3A_694, %ge3A_740 : vector<16xf32>
      %convert_element_type3A_742 = arith.extui %ge3A_741 : vector<16xi1> to vector<16xi32>
      %add3A_743 = arith.addi %add3A_738, %convert_element_type3A_742 : vector<16xi32>
      %ge3A_744 = arith.constant 1.000000e+00 : f32
      %ge3A_745 = vector.broadcast %ge3A_744 : f32 to vector<16xf32>
      %ge3A_746 = arith.cmpf oge, %add3A_694, %ge3A_745 : vector<16xf32>
      %convert_element_type3A_747 = arith.extui %ge3A_746 : vector<16xi1> to vector<16xi32>
      %add3A_748 = arith.addi %add3A_743, %convert_element_type3A_747 : vector<16xi32>
      %ge3A_749 = arith.constant 1.562500e+00 : f32
      %ge3A_750 = vector.broadcast %ge3A_749 : f32 to vector<16xf32>
      %ge3A_751 = arith.cmpf oge, %add3A_694, %ge3A_750 : vector<16xf32>
      %convert_element_type3A_752 = arith.extui %ge3A_751 : vector<16xi1> to vector<16xi32>
      %add3A_753 = arith.addi %add3A_748, %convert_element_type3A_752 : vector<16xi32>
      %ge3A_754 = arith.constant 2.250000e+00 : f32
      %ge3A_755 = vector.broadcast %ge3A_754 : f32 to vector<16xf32>
      %ge3A_756 = arith.cmpf oge, %add3A_694, %ge3A_755 : vector<16xf32>
      %convert_element_type3A_757 = arith.extui %ge3A_756 : vector<16xi1> to vector<16xi32>
      %add3A_758 = arith.addi %add3A_753, %convert_element_type3A_757 : vector<16xi32>
      %ge3A_759 = arith.constant 3.062500e+00 : f32
      %ge3A_760 = vector.broadcast %ge3A_759 : f32 to vector<16xf32>
      %ge3A_761 = arith.cmpf oge, %add3A_694, %ge3A_760 : vector<16xf32>
      %convert_element_type3A_762 = arith.extui %ge3A_761 : vector<16xi1> to vector<16xi32>
      %add3A_763 = arith.addi %add3A_758, %convert_element_type3A_762 : vector<16xi32>
      %le3A_764 = arith.constant 4.000000e+00 : f32
      %le3A_765 = vector.broadcast %le3A_764 : f32 to vector<16xf32>
      %le3A_766 = arith.cmpf ole, %add3A_694, %le3A_765 : vector<16xf32>
      %mul3A_767 = arith.constant 8 : i32
      %mul3A_768 = vector.broadcast %mul3A_767 : i32 to vector<16xi32>
      %mul3A_769 = arith.muli %add3A_763, %mul3A_768 : vector<16xi32>
      %add3A_770 = arith.addi %mul3A_769, %select_n3A : vector<16xi32>
      %jit3A = arith.constant 64 : i32
      %broadcast_in_dim3A_771 = vector.broadcast %jit3A : i32 to vector<16xi32>
      %select_n3A_772 = arith.select %le3A_766, %add3A_770, %broadcast_in_dim3A_771 : vector<16xi1>, vector<16xi32>
      %swap3A = arith.index_cast %scan3A_684 : i32 to index
      %swap3A_773 = arith.constant 0 : index
      %swap3A_774 = tpu.vector_load %arg13[%swap3A, %swap3A_773] {strides = array<i32>} : memref<14x112xi32, #tpu.memory_space<vmem>>, vector<16xi32>,
      tpu.vector_store %arg13[%swap3A, %swap3A_773], %select_n3A_772 {strides = array<i32>} : memref<14x112xi32, #tpu.memory_space<vmem>>, vector<16xi32>,
      tpu.vector_store_idx %arg15[%select_n3A_772], %broadcast_in_dim3A_170 {add = true} : memref<80xf32, #tpu.memory_space<vmem>>[vector<16xi32>], vector<16xf32>,
      %mul3A_775 = arith.constant 112 : i32
      %mul3A_776 = arith.muli %scan3A_684, %mul3A_775 : i32
      %add3A_777 = arith.constant 16 : i32
      %add3A_778 = arith.addi %mul3A_776, %add3A_777 : i32
      %get3A_779 = arith.index_cast %add3A_778 : i32 to index
      %get3A_780 = tpu.vector_load %arg10[%get3A_779] {strides = array<i32>} : memref<1568xf32, #tpu.memory_space<vmem>>, vector<16xf32>,
      %get3A_781 = arith.index_cast %add3A_778 : i32 to index
      %get3A_782 = tpu.vector_load %arg11[%get3A_781] {strides = array<i32>} : memref<1568xf32, #tpu.memory_space<vmem>>, vector<16xf32>,
      %mul3A_783 = arith.mulf %get3A_780, %get3A_780 : vector<16xf32>
      %mul3A_784 = arith.mulf %get3A_782, %get3A_782 : vector<16xf32>
      %add3A_785 = arith.addf %mul3A_783, %mul3A_784 : vector<16xf32>
      %lt3A_786 = arith.cmpf olt, %get3A_780, %get3A_782 : vector<16xf32>
      %convert_element_type3A_787 = arith.extui %lt3A_786 : vector<16xi1> to vector<16xi32>
      %le3A_788 = arith.constant 0.000000e+00 : f32
      %le3A_789 = vector.broadcast %le3A_788 : f32 to vector<16xf32>
      %le3A_790 = arith.cmpf ole, %get3A_780, %le3A_789 : vector<16xf32>
      %convert_element_type3A_791 = arith.extui %le3A_790 : vector<16xi1> to vector<16xi32>
      %lt3A_792 = arith.constant 0.000000e+00 : f32
      %lt3A_793 = vector.broadcast %lt3A_792 : f32 to vector<16xf32>
      %lt3A_794 = arith.cmpf olt, %get3A_780, %lt3A_793 : vector<16xf32>
      %convert_element_type3A_795 = arith.extui %lt3A_794 : vector<16xi1> to vector<16xi32>
      %neg3A_796 = arith.constant 0.000000e+00 : f32
      %neg3A_797 = vector.broadcast %neg3A_796 : f32 to vector<16xf32>
      %neg3A_798 = arith.subf %neg3A_797, %get3A_782 : vector<16xf32>
      %le3A_799 = arith.cmpf ole, %get3A_780, %neg3A_798 : vector<16xf32>
      %convert_element_type3A_800 = arith.extui %le3A_799 : vector<16xi1> to vector<16xi32>
      %neg3A_801 = arith.constant 0.000000e+00 : f32
      %neg3A_802 = vector.broadcast %neg3A_801 : f32 to vector<16xf32>
      %neg3A_803 = arith.subf %neg3A_802, %get3A_782 : vector<16xf32>
      %lt3A_804 = arith.cmpf olt, %get3A_780, %neg3A_803 : vector<16xf32>
      %convert_element_type3A_805 = arith.extui %lt3A_804 : vector<16xi1> to vector<16xi32>
      %lt3A_806 = arith.constant 0.000000e+00 : f32
      %lt3A_807 = vector.broadcast %lt3A_806 : f32 to vector<16xf32>
      %lt3A_808 = arith.cmpf olt, %get3A_780, %lt3A_807 : vector<16xf32>
      %mul3A_809 = arith.mulf %get3A_780, %get3A_780 : vector<16xf32>
      %mul3A_810 = arith.constant 1.00000012 : f32
      %mul3A_811 = vector.broadcast %mul3A_810 : f32 to vector<16xf32>
      %mul3A_812 = arith.mulf %mul3A_809, %mul3A_811 : vector<16xf32>
      %le3A_813 = arith.cmpf ole, %add3A_785, %mul3A_812 : vector<16xf32>
      %and3A_814 = arith.andi %lt3A_808, %le3A_813 : vector<16xi1>
      %convert_element_type3A_815 = arith.extui %and3A_814 : vector<16xi1> to vector<16xi32>
      %lt3A_816 = arith.constant 0.000000e+00 : f32
      %lt3A_817 = vector.broadcast %lt3A_816 : f32 to vector<16xf32>
      %lt3A_818 = arith.cmpf olt, %get3A_782, %lt3A_817 : vector<16xf32>
      %add3A_819 = arith.addi %convert_element_type3A_805, %convert_element_type3A_795 : vector<16xi32>
      %add3A_820 = arith.addi %add3A_819, %convert_element_type3A_787 : vector<16xi32>
      %sub3A_821 = arith.constant 7 : i32
      %sub3A_822 = vector.broadcast %sub3A_821 : i32 to vector<16xi32>
      %sub3A_823 = arith.subi %sub3A_822, %add3A_820 : vector<16xi32>
      %add3A_824 = arith.addi %convert_element_type3A_787, %convert_element_type3A_791 : vector<16xi32>
      %add3A_825 = arith.addi %add3A_824, %convert_element_type3A_800 : vector<16xi32>
      %add3A_826 = arith.addi %add3A_825, %convert_element_type3A_815 : vector<16xi32>
      %select_n3A_827 = arith.select %lt3A_818, %sub3A_823, %add3A_826 : vector<16xi1>, vector<16xi32>
      %ge3A_828 = arith.constant 6.250000e-02 : f32
      %ge3A_829 = vector.broadcast %ge3A_828 : f32 to vector<16xf32>
      %ge3A_830 = arith.cmpf oge, %add3A_785, %ge3A_829 : vector<16xf32>
      %convert_element_type3A_831 = arith.extui %ge3A_830 : vector<16xi1> to vector<16xi32>
      %ge3A_832 = arith.constant 2.500000e-01 : f32
      %ge3A_833 = vector.broadcast %ge3A_832 : f32 to vector<16xf32>
      %ge3A_834 = arith.cmpf oge, %add3A_785, %ge3A_833 : vector<16xf32>
      %convert_element_type3A_835 = arith.extui %ge3A_834 : vector<16xi1> to vector<16xi32>
      %add3A_836 = arith.addi %convert_element_type3A_831, %convert_element_type3A_835 : vector<16xi32>
      %ge3A_837 = arith.constant 5.625000e-01 : f32
      %ge3A_838 = vector.broadcast %ge3A_837 : f32 to vector<16xf32>
      %ge3A_839 = arith.cmpf oge, %add3A_785, %ge3A_838 : vector<16xf32>
      %convert_element_type3A_840 = arith.extui %ge3A_839 : vector<16xi1> to vector<16xi32>
      %add3A_841 = arith.addi %add3A_836, %convert_element_type3A_840 : vector<16xi32>
      %ge3A_842 = arith.constant 1.000000e+00 : f32
      %ge3A_843 = vector.broadcast %ge3A_842 : f32 to vector<16xf32>
      %ge3A_844 = arith.cmpf oge, %add3A_785, %ge3A_843 : vector<16xf32>
      %convert_element_type3A_845 = arith.extui %ge3A_844 : vector<16xi1> to vector<16xi32>
      %add3A_846 = arith.addi %add3A_841, %convert_element_type3A_845 : vector<16xi32>
      %ge3A_847 = arith.constant 1.562500e+00 : f32
      %ge3A_848 = vector.broadcast %ge3A_847 : f32 to vector<16xf32>
      %ge3A_849 = arith.cmpf oge, %add3A_785, %ge3A_848 : vector<16xf32>
      %convert_element_type3A_850 = arith.extui %ge3A_849 : vector<16xi1> to vector<16xi32>
      %add3A_851 = arith.addi %add3A_846, %convert_element_type3A_850 : vector<16xi32>
      %ge3A_852 = arith.constant 2.250000e+00 : f32
      %ge3A_853 = vector.broadcast %ge3A_852 : f32 to vector<16xf32>
      %ge3A_854 = arith.cmpf oge, %add3A_785, %ge3A_853 : vector<16xf32>
      %convert_element_type3A_855 = arith.extui %ge3A_854 : vector<16xi1> to vector<16xi32>
      %add3A_856 = arith.addi %add3A_851, %convert_element_type3A_855 : vector<16xi32>
      %ge3A_857 = arith.constant 3.062500e+00 : f32
      %ge3A_858 = vector.broadcast %ge3A_857 : f32 to vector<16xf32>
      %ge3A_859 = arith.cmpf oge, %add3A_785, %ge3A_858 : vector<16xf32>
      %convert_element_type3A_860 = arith.extui %ge3A_859 : vector<16xi1> to vector<16xi32>
      %add3A_861 = arith.addi %add3A_856, %convert_element_type3A_860 : vector<16xi32>
      %le3A_862 = arith.constant 4.000000e+00 : f32
      %le3A_863 = vector.broadcast %le3A_862 : f32 to vector<16xf32>
      %le3A_864 = arith.cmpf ole, %add3A_785, %le3A_863 : vector<16xf32>
      %mul3A_865 = arith.constant 8 : i32
      %mul3A_866 = vector.broadcast %mul3A_865 : i32 to vector<16xi32>
      %mul3A_867 = arith.muli %add3A_861, %mul3A_866 : vector<16xi32>
      %add3A_868 = arith.addi %mul3A_867, %select_n3A_827 : vector<16xi32>
      %jit3A_869 = arith.constant 64 : i32
      %broadcast_in_dim3A_870 = vector.broadcast %jit3A_869 : i32 to vector<16xi32>
      %select_n3A_871 = arith.select %le3A_864, %add3A_868, %broadcast_in_dim3A_870 : vector<16xi1>, vector<16xi32>
      %swap3A_872 = arith.index_cast %scan3A_684 : i32 to index
      %swap3A_873 = arith.constant 16 : index
      %swap3A_874 = tpu.vector_load %arg13[%swap3A_872, %swap3A_873] {strides = array<i32>} : memref<14x112xi32, #tpu.memory_space<vmem>>, vector<16xi32>,
      tpu.vector_store %arg13[%swap3A_872, %swap3A_873], %select_n3A_871 {strides = array<i32>} : memref<14x112xi32, #tpu.memory_space<vmem>>, vector<16xi32>,
      tpu.vector_store_idx %arg15[%select_n3A_871], %broadcast_in_dim3A_170 {add = true} : memref<80xf32, #tpu.memory_space<vmem>>[vector<16xi32>], vector<16xf32>,
      %mul3A_875 = arith.constant 112 : i32
      %mul3A_876 = arith.muli %scan3A_684, %mul3A_875 : i32
      %add3A_877 = arith.constant 32 : i32
      %add3A_878 = arith.addi %mul3A_876, %add3A_877 : i32
      %get3A_879 = arith.index_cast %add3A_878 : i32 to index
      %get3A_880 = tpu.vector_load %arg10[%get3A_879] {strides = array<i32>} : memref<1568xf32, #tpu.memory_space<vmem>>, vector<16xf32>,
      %get3A_881 = arith.index_cast %add3A_878 : i32 to index
      %get3A_882 = tpu.vector_load %arg11[%get3A_881] {strides = array<i32>} : memref<1568xf32, #tpu.memory_space<vmem>>, vector<16xf32>,
      %mul3A_883 = arith.mulf %get3A_880, %get3A_880 : vector<16xf32>
      %mul3A_884 = arith.mulf %get3A_882, %get3A_882 : vector<16xf32>
      %add3A_885 = arith.addf %mul3A_883, %mul3A_884 : vector<16xf32>
      %lt3A_886 = arith.cmpf olt, %get3A_880, %get3A_882 : vector<16xf32>
      %convert_element_type3A_887 = arith.extui %lt3A_886 : vector<16xi1> to vector<16xi32>
      %le3A_888 = arith.constant 0.000000e+00 : f32
      %le3A_889 = vector.broadcast %le3A_888 : f32 to vector<16xf32>
      %le3A_890 = arith.cmpf ole, %get3A_880, %le3A_889 : vector<16xf32>
      %convert_element_type3A_891 = arith.extui %le3A_890 : vector<16xi1> to vector<16xi32>
      %lt3A_892 = arith.constant 0.000000e+00 : f32
      %lt3A_893 = vector.broadcast %lt3A_892 : f32 to vector<16xf32>
      %lt3A_894 = arith.cmpf olt, %get3A_880, %lt3A_893 : vector<16xf32>
      %convert_element_type3A_895 = arith.extui %lt3A_894 : vector<16xi1> to vector<16xi32>
      %neg3A_896 = arith.constant 0.000000e+00 : f32
      %neg3A_897 = vector.broadcast %neg3A_896 : f32 to vector<16xf32>
      %neg3A_898 = arith.subf %neg3A_897, %get3A_882 : vector<16xf32>
      %le3A_899 = arith.cmpf ole, %get3A_880, %neg3A_898 : vector<16xf32>
      %convert_element_type3A_900 = arith.extui %le3A_899 : vector<16xi1> to vector<16xi32>
      %neg3A_901 = arith.constant 0.000000e+00 : f32
      %neg3A_902 = vector.broadcast %neg3A_901 : f32 to vector<16xf32>
      %neg3A_903 = arith.subf %neg3A_902, %get3A_882 : vector<16xf32>
      %lt3A_904 = arith.cmpf olt, %get3A_880, %neg3A_903 : vector<16xf32>
      %convert_element_type3A_905 = arith.extui %lt3A_904 : vector<16xi1> to vector<16xi32>
      %lt3A_906 = arith.constant 0.000000e+00 : f32
      %lt3A_907 = vector.broadcast %lt3A_906 : f32 to vector<16xf32>
      %lt3A_908 = arith.cmpf olt, %get3A_880, %lt3A_907 : vector<16xf32>
      %mul3A_909 = arith.mulf %get3A_880, %get3A_880 : vector<16xf32>
      %mul3A_910 = arith.constant 1.00000012 : f32
      %mul3A_911 = vector.broadcast %mul3A_910 : f32 to vector<16xf32>
      %mul3A_912 = arith.mulf %mul3A_909, %mul3A_911 : vector<16xf32>
      %le3A_913 = arith.cmpf ole, %add3A_885, %mul3A_912 : vector<16xf32>
      %and3A_914 = arith.andi %lt3A_908, %le3A_913 : vector<16xi1>
      %convert_element_type3A_915 = arith.extui %and3A_914 : vector<16xi1> to vector<16xi32>
      %lt3A_916 = arith.constant 0.000000e+00 : f32
      %lt3A_917 = vector.broadcast %lt3A_916 : f32 to vector<16xf32>
      %lt3A_918 = arith.cmpf olt, %get3A_882, %lt3A_917 : vector<16xf32>
      %add3A_919 = arith.addi %convert_element_type3A_905, %convert_element_type3A_895 : vector<16xi32>
      %add3A_920 = arith.addi %add3A_919, %convert_element_type3A_887 : vector<16xi32>
      %sub3A_921 = arith.constant 7 : i32
      %sub3A_922 = vector.broadcast %sub3A_921 : i32 to vector<16xi32>
      %sub3A_923 = arith.subi %sub3A_922, %add3A_920 : vector<16xi32>
      %add3A_924 = arith.addi %convert_element_type3A_887, %convert_element_type3A_891 : vector<16xi32>
      %add3A_925 = arith.addi %add3A_924, %convert_element_type3A_900 : vector<16xi32>
      %add3A_926 = arith.addi %add3A_925, %convert_element_type3A_915 : vector<16xi32>
      %select_n3A_927 = arith.select %lt3A_918, %sub3A_923, %add3A_926 : vector<16xi1>, vector<16xi32>
      %ge3A_928 = arith.constant 6.250000e-02 : f32
      %ge3A_929 = vector.broadcast %ge3A_928 : f32 to vector<16xf32>
      %ge3A_930 = arith.cmpf oge, %add3A_885, %ge3A_929 : vector<16xf32>
      %convert_element_type3A_931 = arith.extui %ge3A_930 : vector<16xi1> to vector<16xi32>
      %ge3A_932 = arith.constant 2.500000e-01 : f32
      %ge3A_933 = vector.broadcast %ge3A_932 : f32 to vector<16xf32>
      %ge3A_934 = arith.cmpf oge, %add3A_885, %ge3A_933 : vector<16xf32>
      %convert_element_type3A_935 = arith.extui %ge3A_934 : vector<16xi1> to vector<16xi32>
      %add3A_936 = arith.addi %convert_element_type3A_931, %convert_element_type3A_935 : vector<16xi32>
      %ge3A_937 = arith.constant 5.625000e-01 : f32
      %ge3A_938 = vector.broadcast %ge3A_937 : f32 to vector<16xf32>
      %ge3A_939 = arith.cmpf oge, %add3A_885, %ge3A_938 : vector<16xf32>
      %convert_element_type3A_940 = arith.extui %ge3A_939 : vector<16xi1> to vector<16xi32>
      %add3A_941 = arith.addi %add3A_936, %convert_element_type3A_940 : vector<16xi32>
      %ge3A_942 = arith.constant 1.000000e+00 : f32
      %ge3A_943 = vector.broadcast %ge3A_942 : f32 to vector<16xf32>
      %ge3A_944 = arith.cmpf oge, %add3A_885, %ge3A_943 : vector<16xf32>
      %convert_element_type3A_945 = arith.extui %ge3A_944 : vector<16xi1> to vector<16xi32>
      %add3A_946 = arith.addi %add3A_941, %convert_element_type3A_945 : vector<16xi32>
      %ge3A_947 = arith.constant 1.562500e+00 : f32
      %ge3A_948 = vector.broadcast %ge3A_947 : f32 to vector<16xf32>
      %ge3A_949 = arith.cmpf oge, %add3A_885, %ge3A_948 : vector<16xf32>
      %convert_element_type3A_950 = arith.extui %ge3A_949 : vector<16xi1> to vector<16xi32>
      %add3A_951 = arith.addi %add3A_946, %convert_element_type3A_950 : vector<16xi32>
      %ge3A_952 = arith.constant 2.250000e+00 : f32
      %ge3A_953 = vector.broadcast %ge3A_952 : f32 to vector<16xf32>
      %ge3A_954 = arith.cmpf oge, %add3A_885, %ge3A_953 : vector<16xf32>
      %convert_element_type3A_955 = arith.extui %ge3A_954 : vector<16xi1> to vector<16xi32>
      %add3A_956 = arith.addi %add3A_951, %convert_element_type3A_955 : vector<16xi32>
      %ge3A_957 = arith.constant 3.062500e+00 : f32
      %ge3A_958 = vector.broadcast %ge3A_957 : f32 to vector<16xf32>
      %ge3A_959 = arith.cmpf oge, %add3A_885, %ge3A_958 : vector<16xf32>
      %convert_element_type3A_960 = arith.extui %ge3A_959 : vector<16xi1> to vector<16xi32>
      %add3A_961 = arith.addi %add3A_956, %convert_element_type3A_960 : vector<16xi32>
      %le3A_962 = arith.constant 4.000000e+00 : f32
      %le3A_963 = vector.broadcast %le3A_962 : f32 to vector<16xf32>
      %le3A_964 = arith.cmpf ole, %add3A_885, %le3A_963 : vector<16xf32>
      %mul3A_965 = arith.constant 8 : i32
      %mul3A_966 = vector.broadcast %mul3A_965 : i32 to vector<16xi32>
      %mul3A_967 = arith.muli %add3A_961, %mul3A_966 : vector<16xi32>
      %add3A_968 = arith.addi %mul3A_967, %select_n3A_927 : vector<16xi32>
      %jit3A_969 = arith.constant 64 : i32
      %broadcast_in_dim3A_970 = vector.broadcast %jit3A_969 : i32 to vector<16xi32>
      %select_n3A_971 = arith.select %le3A_964, %add3A_968, %broadcast_in_dim3A_970 : vector<16xi1>, vector<16xi32>
      %swap3A_972 = arith.index_cast %scan3A_684 : i32 to index
      %swap3A_973 = arith.constant 32 : index
      %swap3A_974 = tpu.vector_load %arg13[%swap3A_972, %swap3A_973] {strides = array<i32>} : memref<14x112xi32, #tpu.memory_space<vmem>>, vector<16xi32>,
      tpu.vector_store %arg13[%swap3A_972, %swap3A_973], %select_n3A_971 {strides = array<i32>} : memref<14x112xi32, #tpu.memory_space<vmem>>, vector<16xi32>,
      tpu.vector_store_idx %arg15[%select_n3A_971], %broadcast_in_dim3A_170 {add = true} : memref<80xf32, #tpu.memory_space<vmem>>[vector<16xi32>], vector<16xf32>,
      %mul3A_975 = arith.constant 112 : i32
      %mul3A_976 = arith.muli %scan3A_684, %mul3A_975 : i32
      %add3A_977 = arith.constant 48 : i32
      %add3A_978 = arith.addi %mul3A_976, %add3A_977 : i32
      %get3A_979 = arith.index_cast %add3A_978 : i32 to index
      %get3A_980 = tpu.vector_load %arg10[%get3A_979] {strides = array<i32>} : memref<1568xf32, #tpu.memory_space<vmem>>, vector<16xf32>,
      %get3A_981 = arith.index_cast %add3A_978 : i32 to index
      %get3A_982 = tpu.vector_load %arg11[%get3A_981] {strides = array<i32>} : memref<1568xf32, #tpu.memory_space<vmem>>, vector<16xf32>,
      %mul3A_983 = arith.mulf %get3A_980, %get3A_980 : vector<16xf32>
      %mul3A_984 = arith.mulf %get3A_982, %get3A_982 : vector<16xf32>
      %add3A_985 = arith.addf %mul3A_983, %mul3A_984 : vector<16xf32>
      %lt3A_986 = arith.cmpf olt, %get3A_980, %get3A_982 : vector<16xf32>
      %convert_element_type3A_987 = arith.extui %lt3A_986 : vector<16xi1> to vector<16xi32>
      %le3A_988 = arith.constant 0.000000e+00 : f32
      %le3A_989 = vector.broadcast %le3A_988 : f32 to vector<16xf32>
      %le3A_990 = arith.cmpf ole, %get3A_980, %le3A_989 : vector<16xf32>
      %convert_element_type3A_991 = arith.extui %le3A_990 : vector<16xi1> to vector<16xi32>
      %lt3A_992 = arith.constant 0.000000e+00 : f32
      %lt3A_993 = vector.broadcast %lt3A_992 : f32 to vector<16xf32>
      %lt3A_994 = arith.cmpf olt, %get3A_980, %lt3A_993 : vector<16xf32>
      %convert_element_type3A_995 = arith.extui %lt3A_994 : vector<16xi1> to vector<16xi32>
      %neg3A_996 = arith.constant 0.000000e+00 : f32
      %neg3A_997 = vector.broadcast %neg3A_996 : f32 to vector<16xf32>
      %neg3A_998 = arith.subf %neg3A_997, %get3A_982 : vector<16xf32>
      %le3A_999 = arith.cmpf ole, %get3A_980, %neg3A_998 : vector<16xf32>
      %convert_element_type3A_1000 = arith.extui %le3A_999 : vector<16xi1> to vector<16xi32>
      %neg3A_1001 = arith.constant 0.000000e+00 : f32
      %neg3A_1002 = vector.broadcast %neg3A_1001 : f32 to vector<16xf32>
      %neg3A_1003 = arith.subf %neg3A_1002, %get3A_982 : vector<16xf32>
      %lt3A_1004 = arith.cmpf olt, %get3A_980, %neg3A_1003 : vector<16xf32>
      %convert_element_type3A_1005 = arith.extui %lt3A_1004 : vector<16xi1> to vector<16xi32>
      %lt3A_1006 = arith.constant 0.000000e+00 : f32
      %lt3A_1007 = vector.broadcast %lt3A_1006 : f32 to vector<16xf32>
      %lt3A_1008 = arith.cmpf olt, %get3A_980, %lt3A_1007 : vector<16xf32>
      %mul3A_1009 = arith.mulf %get3A_980, %get3A_980 : vector<16xf32>
      %mul3A_1010 = arith.constant 1.00000012 : f32
      %mul3A_1011 = vector.broadcast %mul3A_1010 : f32 to vector<16xf32>
      %mul3A_1012 = arith.mulf %mul3A_1009, %mul3A_1011 : vector<16xf32>
      %le3A_1013 = arith.cmpf ole, %add3A_985, %mul3A_1012 : vector<16xf32>
      %and3A_1014 = arith.andi %lt3A_1008, %le3A_1013 : vector<16xi1>
      %convert_element_type3A_1015 = arith.extui %and3A_1014 : vector<16xi1> to vector<16xi32>
      %lt3A_1016 = arith.constant 0.000000e+00 : f32
      %lt3A_1017 = vector.broadcast %lt3A_1016 : f32 to vector<16xf32>
      %lt3A_1018 = arith.cmpf olt, %get3A_982, %lt3A_1017 : vector<16xf32>
      %add3A_1019 = arith.addi %convert_element_type3A_1005, %convert_element_type3A_995 : vector<16xi32>
      %add3A_1020 = arith.addi %add3A_1019, %convert_element_type3A_987 : vector<16xi32>
      %sub3A_1021 = arith.constant 7 : i32
      %sub3A_1022 = vector.broadcast %sub3A_1021 : i32 to vector<16xi32>
      %sub3A_1023 = arith.subi %sub3A_1022, %add3A_1020 : vector<16xi32>
      %add3A_1024 = arith.addi %convert_element_type3A_987, %convert_element_type3A_991 : vector<16xi32>
      %add3A_1025 = arith.addi %add3A_1024, %convert_element_type3A_1000 : vector<16xi32>
      %add3A_1026 = arith.addi %add3A_1025, %convert_element_type3A_1015 : vector<16xi32>
      %select_n3A_1027 = arith.select %lt3A_1018, %sub3A_1023, %add3A_1026 : vector<16xi1>, vector<16xi32>
      %ge3A_1028 = arith.constant 6.250000e-02 : f32
      %ge3A_1029 = vector.broadcast %ge3A_1028 : f32 to vector<16xf32>
      %ge3A_1030 = arith.cmpf oge, %add3A_985, %ge3A_1029 : vector<16xf32>
      %convert_element_type3A_1031 = arith.extui %ge3A_1030 : vector<16xi1> to vector<16xi32>
      %ge3A_1032 = arith.constant 2.500000e-01 : f32
      %ge3A_1033 = vector.broadcast %ge3A_1032 : f32 to vector<16xf32>
      %ge3A_1034 = arith.cmpf oge, %add3A_985, %ge3A_1033 : vector<16xf32>
      %convert_element_type3A_1035 = arith.extui %ge3A_1034 : vector<16xi1> to vector<16xi32>
      %add3A_1036 = arith.addi %convert_element_type3A_1031, %convert_element_type3A_1035 : vector<16xi32>
      %ge3A_1037 = arith.constant 5.625000e-01 : f32
      %ge3A_1038 = vector.broadcast %ge3A_1037 : f32 to vector<16xf32>
      %ge3A_1039 = arith.cmpf oge, %add3A_985, %ge3A_1038 : vector<16xf32>
      %convert_element_type3A_1040 = arith.extui %ge3A_1039 : vector<16xi1> to vector<16xi32>
      %add3A_1041 = arith.addi %add3A_1036, %convert_element_type3A_1040 : vector<16xi32>
      %ge3A_1042 = arith.constant 1.000000e+00 : f32
      %ge3A_1043 = vector.broadcast %ge3A_1042 : f32 to vector<16xf32>
      %ge3A_1044 = arith.cmpf oge, %add3A_985, %ge3A_1043 : vector<16xf32>
      %convert_element_type3A_1045 = arith.extui %ge3A_1044 : vector<16xi1> to vector<16xi32>
      %add3A_1046 = arith.addi %add3A_1041, %convert_element_type3A_1045 : vector<16xi32>
      %ge3A_1047 = arith.constant 1.562500e+00 : f32
      %ge3A_1048 = vector.broadcast %ge3A_1047 : f32 to vector<16xf32>
      %ge3A_1049 = arith.cmpf oge, %add3A_985, %ge3A_1048 : vector<16xf32>
      %convert_element_type3A_1050 = arith.extui %ge3A_1049 : vector<16xi1> to vector<16xi32>
      %add3A_1051 = arith.addi %add3A_1046, %convert_element_type3A_1050 : vector<16xi32>
      %ge3A_1052 = arith.constant 2.250000e+00 : f32
      %ge3A_1053 = vector.broadcast %ge3A_1052 : f32 to vector<16xf32>
      %ge3A_1054 = arith.cmpf oge, %add3A_985, %ge3A_1053 : vector<16xf32>
      %convert_element_type3A_1055 = arith.extui %ge3A_1054 : vector<16xi1> to vector<16xi32>
      %add3A_1056 = arith.addi %add3A_1051, %convert_element_type3A_1055 : vector<16xi32>
      %ge3A_1057 = arith.constant 3.062500e+00 : f32
      %ge3A_1058 = vector.broadcast %ge3A_1057 : f32 to vector<16xf32>
      %ge3A_1059 = arith.cmpf oge, %add3A_985, %ge3A_1058 : vector<16xf32>
      %convert_element_type3A_1060 = arith.extui %ge3A_1059 : vector<16xi1> to vector<16xi32>
      %add3A_1061 = arith.addi %add3A_1056, %convert_element_type3A_1060 : vector<16xi32>
      %le3A_1062 = arith.constant 4.000000e+00 : f32
      %le3A_1063 = vector.broadcast %le3A_1062 : f32 to vector<16xf32>
      %le3A_1064 = arith.cmpf ole, %add3A_985, %le3A_1063 : vector<16xf32>
      %mul3A_1065 = arith.constant 8 : i32
      %mul3A_1066 = vector.broadcast %mul3A_1065 : i32 to vector<16xi32>
      %mul3A_1067 = arith.muli %add3A_1061, %mul3A_1066 : vector<16xi32>
      %add3A_1068 = arith.addi %mul3A_1067, %select_n3A_1027 : vector<16xi32>
      %jit3A_1069 = arith.constant 64 : i32
      %broadcast_in_dim3A_1070 = vector.broadcast %jit3A_1069 : i32 to vector<16xi32>
      %select_n3A_1071 = arith.select %le3A_1064, %add3A_1068, %broadcast_in_dim3A_1070 : vector<16xi1>, vector<16xi32>
      %swap3A_1072 = arith.index_cast %scan3A_684 : i32 to index
      %swap3A_1073 = arith.constant 48 : index
      %swap3A_1074 = tpu.vector_load %arg13[%swap3A_1072, %swap3A_1073] {strides = array<i32>} : memref<14x112xi32, #tpu.memory_space<vmem>>, vector<16xi32>,
      tpu.vector_store %arg13[%swap3A_1072, %swap3A_1073], %select_n3A_1071 {strides = array<i32>} : memref<14x112xi32, #tpu.memory_space<vmem>>, vector<16xi32>,
      tpu.vector_store_idx %arg15[%select_n3A_1071], %broadcast_in_dim3A_170 {add = true} : memref<80xf32, #tpu.memory_space<vmem>>[vector<16xi32>], vector<16xf32>,
      %mul3A_1075 = arith.constant 112 : i32
      %mul3A_1076 = arith.muli %scan3A_684, %mul3A_1075 : i32
      %add3A_1077 = arith.constant 64 : i32
      %add3A_1078 = arith.addi %mul3A_1076, %add3A_1077 : i32
      %get3A_1079 = arith.index_cast %add3A_1078 : i32 to index
      %get3A_1080 = tpu.vector_load %arg10[%get3A_1079] {strides = array<i32>} : memref<1568xf32, #tpu.memory_space<vmem>>, vector<16xf32>,
      %get3A_1081 = arith.index_cast %add3A_1078 : i32 to index
      %get3A_1082 = tpu.vector_load %arg11[%get3A_1081] {strides = array<i32>} : memref<1568xf32, #tpu.memory_space<vmem>>, vector<16xf32>,
      %mul3A_1083 = arith.mulf %get3A_1080, %get3A_1080 : vector<16xf32>
      %mul3A_1084 = arith.mulf %get3A_1082, %get3A_1082 : vector<16xf32>
      %add3A_1085 = arith.addf %mul3A_1083, %mul3A_1084 : vector<16xf32>
      %lt3A_1086 = arith.cmpf olt, %get3A_1080, %get3A_1082 : vector<16xf32>
      %convert_element_type3A_1087 = arith.extui %lt3A_1086 : vector<16xi1> to vector<16xi32>
      %le3A_1088 = arith.constant 0.000000e+00 : f32
      %le3A_1089 = vector.broadcast %le3A_1088 : f32 to vector<16xf32>
      %le3A_1090 = arith.cmpf ole, %get3A_1080, %le3A_1089 : vector<16xf32>
      %convert_element_type3A_1091 = arith.extui %le3A_1090 : vector<16xi1> to vector<16xi32>
      %lt3A_1092 = arith.constant 0.000000e+00 : f32
      %lt3A_1093 = vector.broadcast %lt3A_1092 : f32 to vector<16xf32>
      %lt3A_1094 = arith.cmpf olt, %get3A_1080, %lt3A_1093 : vector<16xf32>
      %convert_element_type3A_1095 = arith.extui %lt3A_1094 : vector<16xi1> to vector<16xi32>
      %neg3A_1096 = arith.constant 0.000000e+00 : f32
      %neg3A_1097 = vector.broadcast %neg3A_1096 : f32 to vector<16xf32>
      %neg3A_1098 = arith.subf %neg3A_1097, %get3A_1082 : vector<16xf32>
      %le3A_1099 = arith.cmpf ole, %get3A_1080, %neg3A_1098 : vector<16xf32>
      %convert_element_type3A_1100 = arith.extui %le3A_1099 : vector<16xi1> to vector<16xi32>
      %neg3A_1101 = arith.constant 0.000000e+00 : f32
      %neg3A_1102 = vector.broadcast %neg3A_1101 : f32 to vector<16xf32>
      %neg3A_1103 = arith.subf %neg3A_1102, %get3A_1082 : vector<16xf32>
      %lt3A_1104 = arith.cmpf olt, %get3A_1080, %neg3A_1103 : vector<16xf32>
      %convert_element_type3A_1105 = arith.extui %lt3A_1104 : vector<16xi1> to vector<16xi32>
      %lt3A_1106 = arith.constant 0.000000e+00 : f32
      %lt3A_1107 = vector.broadcast %lt3A_1106 : f32 to vector<16xf32>
      %lt3A_1108 = arith.cmpf olt, %get3A_1080, %lt3A_1107 : vector<16xf32>
      %mul3A_1109 = arith.mulf %get3A_1080, %get3A_1080 : vector<16xf32>
      %mul3A_1110 = arith.constant 1.00000012 : f32
      %mul3A_1111 = vector.broadcast %mul3A_1110 : f32 to vector<16xf32>
      %mul3A_1112 = arith.mulf %mul3A_1109, %mul3A_1111 : vector<16xf32>
      %le3A_1113 = arith.cmpf ole, %add3A_1085, %mul3A_1112 : vector<16xf32>
      %and3A_1114 = arith.andi %lt3A_1108, %le3A_1113 : vector<16xi1>
      %convert_element_type3A_1115 = arith.extui %and3A_1114 : vector<16xi1> to vector<16xi32>
      %lt3A_1116 = arith.constant 0.000000e+00 : f32
      %lt3A_1117 = vector.broadcast %lt3A_1116 : f32 to vector<16xf32>
      %lt3A_1118 = arith.cmpf olt, %get3A_1082, %lt3A_1117 : vector<16xf32>
      %add3A_1119 = arith.addi %convert_element_type3A_1105, %convert_element_type3A_1095 : vector<16xi32>
      %add3A_1120 = arith.addi %add3A_1119, %convert_element_type3A_1087 : vector<16xi32>
      %sub3A_1121 = arith.constant 7 : i32
      %sub3A_1122 = vector.broadcast %sub3A_1121 : i32 to vector<16xi32>
      %sub3A_1123 = arith.subi %sub3A_1122, %add3A_1120 : vector<16xi32>
      %add3A_1124 = arith.addi %convert_element_type3A_1087, %convert_element_type3A_1091 : vector<16xi32>
      %add3A_1125 = arith.addi %add3A_1124, %convert_element_type3A_1100 : vector<16xi32>
      %add3A_1126 = arith.addi %add3A_1125, %convert_element_type3A_1115 : vector<16xi32>
      %select_n3A_1127 = arith.select %lt3A_1118, %sub3A_1123, %add3A_1126 : vector<16xi1>, vector<16xi32>
      %ge3A_1128 = arith.constant 6.250000e-02 : f32
      %ge3A_1129 = vector.broadcast %ge3A_1128 : f32 to vector<16xf32>
      %ge3A_1130 = arith.cmpf oge, %add3A_1085, %ge3A_1129 : vector<16xf32>
      %convert_element_type3A_1131 = arith.extui %ge3A_1130 : vector<16xi1> to vector<16xi32>
      %ge3A_1132 = arith.constant 2.500000e-01 : f32
      %ge3A_1133 = vector.broadcast %ge3A_1132 : f32 to vector<16xf32>
      %ge3A_1134 = arith.cmpf oge, %add3A_1085, %ge3A_1133 : vector<16xf32>
      %convert_element_type3A_1135 = arith.extui %ge3A_1134 : vector<16xi1> to vector<16xi32>
      %add3A_1136 = arith.addi %convert_element_type3A_1131, %convert_element_type3A_1135 : vector<16xi32>
      %ge3A_1137 = arith.constant 5.625000e-01 : f32
      %ge3A_1138 = vector.broadcast %ge3A_1137 : f32 to vector<16xf32>
      %ge3A_1139 = arith.cmpf oge, %add3A_1085, %ge3A_1138 : vector<16xf32>
      %convert_element_type3A_1140 = arith.extui %ge3A_1139 : vector<16xi1> to vector<16xi32>
      %add3A_1141 = arith.addi %add3A_1136, %convert_element_type3A_1140 : vector<16xi32>
      %ge3A_1142 = arith.constant 1.000000e+00 : f32
      %ge3A_1143 = vector.broadcast %ge3A_1142 : f32 to vector<16xf32>
      %ge3A_1144 = arith.cmpf oge, %add3A_1085, %ge3A_1143 : vector<16xf32>
      %convert_element_type3A_1145 = arith.extui %ge3A_1144 : vector<16xi1> to vector<16xi32>
      %add3A_1146 = arith.addi %add3A_1141, %convert_element_type3A_1145 : vector<16xi32>
      %ge3A_1147 = arith.constant 1.562500e+00 : f32
      %ge3A_1148 = vector.broadcast %ge3A_1147 : f32 to vector<16xf32>
      %ge3A_1149 = arith.cmpf oge, %add3A_1085, %ge3A_1148 : vector<16xf32>
      %convert_element_type3A_1150 = arith.extui %ge3A_1149 : vector<16xi1> to vector<16xi32>
      %add3A_1151 = arith.addi %add3A_1146, %convert_element_type3A_1150 : vector<16xi32>
      %ge3A_1152 = arith.constant 2.250000e+00 : f32
      %ge3A_1153 = vector.broadcast %ge3A_1152 : f32 to vector<16xf32>
      %ge3A_1154 = arith.cmpf oge, %add3A_1085, %ge3A_1153 : vector<16xf32>
      %convert_element_type3A_1155 = arith.extui %ge3A_1154 : vector<16xi1> to vector<16xi32>
      %add3A_1156 = arith.addi %add3A_1151, %convert_element_type3A_1155 : vector<16xi32>
      %ge3A_1157 = arith.constant 3.062500e+00 : f32
      %ge3A_1158 = vector.broadcast %ge3A_1157 : f32 to vector<16xf32>
      %ge3A_1159 = arith.cmpf oge, %add3A_1085, %ge3A_1158 : vector<16xf32>
      %convert_element_type3A_1160 = arith.extui %ge3A_1159 : vector<16xi1> to vector<16xi32>
      %add3A_1161 = arith.addi %add3A_1156, %convert_element_type3A_1160 : vector<16xi32>
      %le3A_1162 = arith.constant 4.000000e+00 : f32
      %le3A_1163 = vector.broadcast %le3A_1162 : f32 to vector<16xf32>
      %le3A_1164 = arith.cmpf ole, %add3A_1085, %le3A_1163 : vector<16xf32>
      %mul3A_1165 = arith.constant 8 : i32
      %mul3A_1166 = vector.broadcast %mul3A_1165 : i32 to vector<16xi32>
      %mul3A_1167 = arith.muli %add3A_1161, %mul3A_1166 : vector<16xi32>
      %add3A_1168 = arith.addi %mul3A_1167, %select_n3A_1127 : vector<16xi32>
      %jit3A_1169 = arith.constant 64 : i32
      %broadcast_in_dim3A_1170 = vector.broadcast %jit3A_1169 : i32 to vector<16xi32>
      %select_n3A_1171 = arith.select %le3A_1164, %add3A_1168, %broadcast_in_dim3A_1170 : vector<16xi1>, vector<16xi32>
      %swap3A_1172 = arith.index_cast %scan3A_684 : i32 to index
      %swap3A_1173 = arith.constant 64 : index
      %swap3A_1174 = tpu.vector_load %arg13[%swap3A_1172, %swap3A_1173] {strides = array<i32>} : memref<14x112xi32, #tpu.memory_space<vmem>>, vector<16xi32>,
      tpu.vector_store %arg13[%swap3A_1172, %swap3A_1173], %select_n3A_1171 {strides = array<i32>} : memref<14x112xi32, #tpu.memory_space<vmem>>, vector<16xi32>,
      tpu.vector_store_idx %arg15[%select_n3A_1171], %broadcast_in_dim3A_170 {add = true} : memref<80xf32, #tpu.memory_space<vmem>>[vector<16xi32>], vector<16xf32>,
      %mul3A_1175 = arith.constant 112 : i32
      %mul3A_1176 = arith.muli %scan3A_684, %mul3A_1175 : i32
      %add3A_1177 = arith.constant 80 : i32
      %add3A_1178 = arith.addi %mul3A_1176, %add3A_1177 : i32
      %get3A_1179 = arith.index_cast %add3A_1178 : i32 to index
      %get3A_1180 = tpu.vector_load %arg10[%get3A_1179] {strides = array<i32>} : memref<1568xf32, #tpu.memory_space<vmem>>, vector<16xf32>,
      %get3A_1181 = arith.index_cast %add3A_1178 : i32 to index
      %get3A_1182 = tpu.vector_load %arg11[%get3A_1181] {strides = array<i32>} : memref<1568xf32, #tpu.memory_space<vmem>>, vector<16xf32>,
      %mul3A_1183 = arith.mulf %get3A_1180, %get3A_1180 : vector<16xf32>
      %mul3A_1184 = arith.mulf %get3A_1182, %get3A_1182 : vector<16xf32>
      %add3A_1185 = arith.addf %mul3A_1183, %mul3A_1184 : vector<16xf32>
      %lt3A_1186 = arith.cmpf olt, %get3A_1180, %get3A_1182 : vector<16xf32>
      %convert_element_type3A_1187 = arith.extui %lt3A_1186 : vector<16xi1> to vector<16xi32>
      %le3A_1188 = arith.constant 0.000000e+00 : f32
      %le3A_1189 = vector.broadcast %le3A_1188 : f32 to vector<16xf32>
      %le3A_1190 = arith.cmpf ole, %get3A_1180, %le3A_1189 : vector<16xf32>
      %convert_element_type3A_1191 = arith.extui %le3A_1190 : vector<16xi1> to vector<16xi32>
      %lt3A_1192 = arith.constant 0.000000e+00 : f32
      %lt3A_1193 = vector.broadcast %lt3A_1192 : f32 to vector<16xf32>
      %lt3A_1194 = arith.cmpf olt, %get3A_1180, %lt3A_1193 : vector<16xf32>
      %convert_element_type3A_1195 = arith.extui %lt3A_1194 : vector<16xi1> to vector<16xi32>
      %neg3A_1196 = arith.constant 0.000000e+00 : f32
      %neg3A_1197 = vector.broadcast %neg3A_1196 : f32 to vector<16xf32>
      %neg3A_1198 = arith.subf %neg3A_1197, %get3A_1182 : vector<16xf32>
      %le3A_1199 = arith.cmpf ole, %get3A_1180, %neg3A_1198 : vector<16xf32>
      %convert_element_type3A_1200 = arith.extui %le3A_1199 : vector<16xi1> to vector<16xi32>
      %neg3A_1201 = arith.constant 0.000000e+00 : f32
      %neg3A_1202 = vector.broadcast %neg3A_1201 : f32 to vector<16xf32>
      %neg3A_1203 = arith.subf %neg3A_1202, %get3A_1182 : vector<16xf32>
      %lt3A_1204 = arith.cmpf olt, %get3A_1180, %neg3A_1203 : vector<16xf32>
      %convert_element_type3A_1205 = arith.extui %lt3A_1204 : vector<16xi1> to vector<16xi32>
      %lt3A_1206 = arith.constant 0.000000e+00 : f32
      %lt3A_1207 = vector.broadcast %lt3A_1206 : f32 to vector<16xf32>
      %lt3A_1208 = arith.cmpf olt, %get3A_1180, %lt3A_1207 : vector<16xf32>
      %mul3A_1209 = arith.mulf %get3A_1180, %get3A_1180 : vector<16xf32>
      %mul3A_1210 = arith.constant 1.00000012 : f32
      %mul3A_1211 = vector.broadcast %mul3A_1210 : f32 to vector<16xf32>
      %mul3A_1212 = arith.mulf %mul3A_1209, %mul3A_1211 : vector<16xf32>
      %le3A_1213 = arith.cmpf ole, %add3A_1185, %mul3A_1212 : vector<16xf32>
      %and3A_1214 = arith.andi %lt3A_1208, %le3A_1213 : vector<16xi1>
      %convert_element_type3A_1215 = arith.extui %and3A_1214 : vector<16xi1> to vector<16xi32>
      %lt3A_1216 = arith.constant 0.000000e+00 : f32
      %lt3A_1217 = vector.broadcast %lt3A_1216 : f32 to vector<16xf32>
      %lt3A_1218 = arith.cmpf olt, %get3A_1182, %lt3A_1217 : vector<16xf32>
      %add3A_1219 = arith.addi %convert_element_type3A_1205, %convert_element_type3A_1195 : vector<16xi32>
      %add3A_1220 = arith.addi %add3A_1219, %convert_element_type3A_1187 : vector<16xi32>
      %sub3A_1221 = arith.constant 7 : i32
      %sub3A_1222 = vector.broadcast %sub3A_1221 : i32 to vector<16xi32>
      %sub3A_1223 = arith.subi %sub3A_1222, %add3A_1220 : vector<16xi32>
      %add3A_1224 = arith.addi %convert_element_type3A_1187, %convert_element_type3A_1191 : vector<16xi32>
      %add3A_1225 = arith.addi %add3A_1224, %convert_element_type3A_1200 : vector<16xi32>
      %add3A_1226 = arith.addi %add3A_1225, %convert_element_type3A_1215 : vector<16xi32>
      %select_n3A_1227 = arith.select %lt3A_1218, %sub3A_1223, %add3A_1226 : vector<16xi1>, vector<16xi32>
      %ge3A_1228 = arith.constant 6.250000e-02 : f32
      %ge3A_1229 = vector.broadcast %ge3A_1228 : f32 to vector<16xf32>
      %ge3A_1230 = arith.cmpf oge, %add3A_1185, %ge3A_1229 : vector<16xf32>
      %convert_element_type3A_1231 = arith.extui %ge3A_1230 : vector<16xi1> to vector<16xi32>
      %ge3A_1232 = arith.constant 2.500000e-01 : f32
      %ge3A_1233 = vector.broadcast %ge3A_1232 : f32 to vector<16xf32>
      %ge3A_1234 = arith.cmpf oge, %add3A_1185, %ge3A_1233 : vector<16xf32>
      %convert_element_type3A_1235 = arith.extui %ge3A_1234 : vector<16xi1> to vector<16xi32>
      %add3A_1236 = arith.addi %convert_element_type3A_1231, %convert_element_type3A_1235 : vector<16xi32>
      %ge3A_1237 = arith.constant 5.625000e-01 : f32
      %ge3A_1238 = vector.broadcast %ge3A_1237 : f32 to vector<16xf32>
      %ge3A_1239 = arith.cmpf oge, %add3A_1185, %ge3A_1238 : vector<16xf32>
      %convert_element_type3A_1240 = arith.extui %ge3A_1239 : vector<16xi1> to vector<16xi32>
      %add3A_1241 = arith.addi %add3A_1236, %convert_element_type3A_1240 : vector<16xi32>
      %ge3A_1242 = arith.constant 1.000000e+00 : f32
      %ge3A_1243 = vector.broadcast %ge3A_1242 : f32 to vector<16xf32>
      %ge3A_1244 = arith.cmpf oge, %add3A_1185, %ge3A_1243 : vector<16xf32>
      %convert_element_type3A_1245 = arith.extui %ge3A_1244 : vector<16xi1> to vector<16xi32>
      %add3A_1246 = arith.addi %add3A_1241, %convert_element_type3A_1245 : vector<16xi32>
      %ge3A_1247 = arith.constant 1.562500e+00 : f32
      %ge3A_1248 = vector.broadcast %ge3A_1247 : f32 to vector<16xf32>
      %ge3A_1249 = arith.cmpf oge, %add3A_1185, %ge3A_1248 : vector<16xf32>
      %convert_element_type3A_1250 = arith.extui %ge3A_1249 : vector<16xi1> to vector<16xi32>
      %add3A_1251 = arith.addi %add3A_1246, %convert_element_type3A_1250 : vector<16xi32>
      %ge3A_1252 = arith.constant 2.250000e+00 : f32
      %ge3A_1253 = vector.broadcast %ge3A_1252 : f32 to vector<16xf32>
      %ge3A_1254 = arith.cmpf oge, %add3A_1185, %ge3A_1253 : vector<16xf32>
      %convert_element_type3A_1255 = arith.extui %ge3A_1254 : vector<16xi1> to vector<16xi32>
      %add3A_1256 = arith.addi %add3A_1251, %convert_element_type3A_1255 : vector<16xi32>
      %ge3A_1257 = arith.constant 3.062500e+00 : f32
      %ge3A_1258 = vector.broadcast %ge3A_1257 : f32 to vector<16xf32>
      %ge3A_1259 = arith.cmpf oge, %add3A_1185, %ge3A_1258 : vector<16xf32>
      %convert_element_type3A_1260 = arith.extui %ge3A_1259 : vector<16xi1> to vector<16xi32>
      %add3A_1261 = arith.addi %add3A_1256, %convert_element_type3A_1260 : vector<16xi32>
      %le3A_1262 = arith.constant 4.000000e+00 : f32
      %le3A_1263 = vector.broadcast %le3A_1262 : f32 to vector<16xf32>
      %le3A_1264 = arith.cmpf ole, %add3A_1185, %le3A_1263 : vector<16xf32>
      %mul3A_1265 = arith.constant 8 : i32
      %mul3A_1266 = vector.broadcast %mul3A_1265 : i32 to vector<16xi32>
      %mul3A_1267 = arith.muli %add3A_1261, %mul3A_1266 : vector<16xi32>
      %add3A_1268 = arith.addi %mul3A_1267, %select_n3A_1227 : vector<16xi32>
      %jit3A_1269 = arith.constant 64 : i32
      %broadcast_in_dim3A_1270 = vector.broadcast %jit3A_1269 : i32 to vector<16xi32>
      %select_n3A_1271 = arith.select %le3A_1264, %add3A_1268, %broadcast_in_dim3A_1270 : vector<16xi1>, vector<16xi32>
      %swap3A_1272 = arith.index_cast %scan3A_684 : i32 to index
      %swap3A_1273 = arith.constant 80 : index
      %swap3A_1274 = tpu.vector_load %arg13[%swap3A_1272, %swap3A_1273] {strides = array<i32>} : memref<14x112xi32, #tpu.memory_space<vmem>>, vector<16xi32>,
      tpu.vector_store %arg13[%swap3A_1272, %swap3A_1273], %select_n3A_1271 {strides = array<i32>} : memref<14x112xi32, #tpu.memory_space<vmem>>, vector<16xi32>,
      tpu.vector_store_idx %arg15[%select_n3A_1271], %broadcast_in_dim3A_170 {add = true} : memref<80xf32, #tpu.memory_space<vmem>>[vector<16xi32>], vector<16xf32>,
      %mul3A_1275 = arith.constant 112 : i32
      %mul3A_1276 = arith.muli %scan3A_684, %mul3A_1275 : i32
      %add3A_1277 = arith.constant 96 : i32
      %add3A_1278 = arith.addi %mul3A_1276, %add3A_1277 : i32
      %get3A_1279 = arith.index_cast %add3A_1278 : i32 to index
      %get3A_1280 = tpu.vector_load %arg10[%get3A_1279] {strides = array<i32>} : memref<1568xf32, #tpu.memory_space<vmem>>, vector<16xf32>,
      %get3A_1281 = arith.index_cast %add3A_1278 : i32 to index
      %get3A_1282 = tpu.vector_load %arg11[%get3A_1281] {strides = array<i32>} : memref<1568xf32, #tpu.memory_space<vmem>>, vector<16xf32>,
      %mul3A_1283 = arith.mulf %get3A_1280, %get3A_1280 : vector<16xf32>
      %mul3A_1284 = arith.mulf %get3A_1282, %get3A_1282 : vector<16xf32>
      %add3A_1285 = arith.addf %mul3A_1283, %mul3A_1284 : vector<16xf32>
      %lt3A_1286 = arith.cmpf olt, %get3A_1280, %get3A_1282 : vector<16xf32>
      %convert_element_type3A_1287 = arith.extui %lt3A_1286 : vector<16xi1> to vector<16xi32>
      %le3A_1288 = arith.constant 0.000000e+00 : f32
      %le3A_1289 = vector.broadcast %le3A_1288 : f32 to vector<16xf32>
      %le3A_1290 = arith.cmpf ole, %get3A_1280, %le3A_1289 : vector<16xf32>
      %convert_element_type3A_1291 = arith.extui %le3A_1290 : vector<16xi1> to vector<16xi32>
      %lt3A_1292 = arith.constant 0.000000e+00 : f32
      %lt3A_1293 = vector.broadcast %lt3A_1292 : f32 to vector<16xf32>
      %lt3A_1294 = arith.cmpf olt, %get3A_1280, %lt3A_1293 : vector<16xf32>
      %convert_element_type3A_1295 = arith.extui %lt3A_1294 : vector<16xi1> to vector<16xi32>
      %neg3A_1296 = arith.constant 0.000000e+00 : f32
      %neg3A_1297 = vector.broadcast %neg3A_1296 : f32 to vector<16xf32>
      %neg3A_1298 = arith.subf %neg3A_1297, %get3A_1282 : vector<16xf32>
      %le3A_1299 = arith.cmpf ole, %get3A_1280, %neg3A_1298 : vector<16xf32>
      %convert_element_type3A_1300 = arith.extui %le3A_1299 : vector<16xi1> to vector<16xi32>
      %neg3A_1301 = arith.constant 0.000000e+00 : f32
      %neg3A_1302 = vector.broadcast %neg3A_1301 : f32 to vector<16xf32>
      %neg3A_1303 = arith.subf %neg3A_1302, %get3A_1282 : vector<16xf32>
      %lt3A_1304 = arith.cmpf olt, %get3A_1280, %neg3A_1303 : vector<16xf32>
      %convert_element_type3A_1305 = arith.extui %lt3A_1304 : vector<16xi1> to vector<16xi32>
      %lt3A_1306 = arith.constant 0.000000e+00 : f32
      %lt3A_1307 = vector.broadcast %lt3A_1306 : f32 to vector<16xf32>
      %lt3A_1308 = arith.cmpf olt, %get3A_1280, %lt3A_1307 : vector<16xf32>
      %mul3A_1309 = arith.mulf %get3A_1280, %get3A_1280 : vector<16xf32>
      %mul3A_1310 = arith.constant 1.00000012 : f32
      %mul3A_1311 = vector.broadcast %mul3A_1310 : f32 to vector<16xf32>
      %mul3A_1312 = arith.mulf %mul3A_1309, %mul3A_1311 : vector<16xf32>
      %le3A_1313 = arith.cmpf ole, %add3A_1285, %mul3A_1312 : vector<16xf32>
      %and3A_1314 = arith.andi %lt3A_1308, %le3A_1313 : vector<16xi1>
      %convert_element_type3A_1315 = arith.extui %and3A_1314 : vector<16xi1> to vector<16xi32>
      %lt3A_1316 = arith.constant 0.000000e+00 : f32
      %lt3A_1317 = vector.broadcast %lt3A_1316 : f32 to vector<16xf32>
      %lt3A_1318 = arith.cmpf olt, %get3A_1282, %lt3A_1317 : vector<16xf32>
      %add3A_1319 = arith.addi %convert_element_type3A_1305, %convert_element_type3A_1295 : vector<16xi32>
      %add3A_1320 = arith.addi %add3A_1319, %convert_element_type3A_1287 : vector<16xi32>
      %sub3A_1321 = arith.constant 7 : i32
      %sub3A_1322 = vector.broadcast %sub3A_1321 : i32 to vector<16xi32>
      %sub3A_1323 = arith.subi %sub3A_1322, %add3A_1320 : vector<16xi32>
      %add3A_1324 = arith.addi %convert_element_type3A_1287, %convert_element_type3A_1291 : vector<16xi32>
      %add3A_1325 = arith.addi %add3A_1324, %convert_element_type3A_1300 : vector<16xi32>
      %add3A_1326 = arith.addi %add3A_1325, %convert_element_type3A_1315 : vector<16xi32>
      %select_n3A_1327 = arith.select %lt3A_1318, %sub3A_1323, %add3A_1326 : vector<16xi1>, vector<16xi32>
      %ge3A_1328 = arith.constant 6.250000e-02 : f32
      %ge3A_1329 = vector.broadcast %ge3A_1328 : f32 to vector<16xf32>
      %ge3A_1330 = arith.cmpf oge, %add3A_1285, %ge3A_1329 : vector<16xf32>
      %convert_element_type3A_1331 = arith.extui %ge3A_1330 : vector<16xi1> to vector<16xi32>
      %ge3A_1332 = arith.constant 2.500000e-01 : f32
      %ge3A_1333 = vector.broadcast %ge3A_1332 : f32 to vector<16xf32>
      %ge3A_1334 = arith.cmpf oge, %add3A_1285, %ge3A_1333 : vector<16xf32>
      %convert_element_type3A_1335 = arith.extui %ge3A_1334 : vector<16xi1> to vector<16xi32>
      %add3A_1336 = arith.addi %convert_element_type3A_1331, %convert_element_type3A_1335 : vector<16xi32>
      %ge3A_1337 = arith.constant 5.625000e-01 : f32
      %ge3A_1338 = vector.broadcast %ge3A_1337 : f32 to vector<16xf32>
      %ge3A_1339 = arith.cmpf oge, %add3A_1285, %ge3A_1338 : vector<16xf32>
      %convert_element_type3A_1340 = arith.extui %ge3A_1339 : vector<16xi1> to vector<16xi32>
      %add3A_1341 = arith.addi %add3A_1336, %convert_element_type3A_1340 : vector<16xi32>
      %ge3A_1342 = arith.constant 1.000000e+00 : f32
      %ge3A_1343 = vector.broadcast %ge3A_1342 : f32 to vector<16xf32>
      %ge3A_1344 = arith.cmpf oge, %add3A_1285, %ge3A_1343 : vector<16xf32>
      %convert_element_type3A_1345 = arith.extui %ge3A_1344 : vector<16xi1> to vector<16xi32>
      %add3A_1346 = arith.addi %add3A_1341, %convert_element_type3A_1345 : vector<16xi32>
      %ge3A_1347 = arith.constant 1.562500e+00 : f32
      %ge3A_1348 = vector.broadcast %ge3A_1347 : f32 to vector<16xf32>
      %ge3A_1349 = arith.cmpf oge, %add3A_1285, %ge3A_1348 : vector<16xf32>
      %convert_element_type3A_1350 = arith.extui %ge3A_1349 : vector<16xi1> to vector<16xi32>
      %add3A_1351 = arith.addi %add3A_1346, %convert_element_type3A_1350 : vector<16xi32>
      %ge3A_1352 = arith.constant 2.250000e+00 : f32
      %ge3A_1353 = vector.broadcast %ge3A_1352 : f32 to vector<16xf32>
      %ge3A_1354 = arith.cmpf oge, %add3A_1285, %ge3A_1353 : vector<16xf32>
      %convert_element_type3A_1355 = arith.extui %ge3A_1354 : vector<16xi1> to vector<16xi32>
      %add3A_1356 = arith.addi %add3A_1351, %convert_element_type3A_1355 : vector<16xi32>
      %ge3A_1357 = arith.constant 3.062500e+00 : f32
      %ge3A_1358 = vector.broadcast %ge3A_1357 : f32 to vector<16xf32>
      %ge3A_1359 = arith.cmpf oge, %add3A_1285, %ge3A_1358 : vector<16xf32>
      %convert_element_type3A_1360 = arith.extui %ge3A_1359 : vector<16xi1> to vector<16xi32>
      %add3A_1361 = arith.addi %add3A_1356, %convert_element_type3A_1360 : vector<16xi32>
      %le3A_1362 = arith.constant 4.000000e+00 : f32
      %le3A_1363 = vector.broadcast %le3A_1362 : f32 to vector<16xf32>
      %le3A_1364 = arith.cmpf ole, %add3A_1285, %le3A_1363 : vector<16xf32>
      %mul3A_1365 = arith.constant 8 : i32
      %mul3A_1366 = vector.broadcast %mul3A_1365 : i32 to vector<16xi32>
      %mul3A_1367 = arith.muli %add3A_1361, %mul3A_1366 : vector<16xi32>
      %add3A_1368 = arith.addi %mul3A_1367, %select_n3A_1327 : vector<16xi32>
      %jit3A_1369 = arith.constant 64 : i32
      %broadcast_in_dim3A_1370 = vector.broadcast %jit3A_1369 : i32 to vector<16xi32>
      %select_n3A_1371 = arith.select %le3A_1364, %add3A_1368, %broadcast_in_dim3A_1370 : vector<16xi1>, vector<16xi32>
      %swap3A_1372 = arith.index_cast %scan3A_684 : i32 to index
      %swap3A_1373 = arith.constant 96 : index
      %swap3A_1374 = tpu.vector_load %arg13[%swap3A_1372, %swap3A_1373] {strides = array<i32>} : memref<14x112xi32, #tpu.memory_space<vmem>>, vector<16xi32>,
      tpu.vector_store %arg13[%swap3A_1372, %swap3A_1373], %select_n3A_1371 {strides = array<i32>} : memref<14x112xi32, #tpu.memory_space<vmem>>, vector<16xi32>,
      tpu.vector_store_idx %arg15[%select_n3A_1371], %broadcast_in_dim3A_170 {add = true} : memref<80xf32, #tpu.memory_space<vmem>>[vector<16xi32>], vector<16xf32>,
    }
    %scan3A_174 = arith.constant 14 : i32
    %barrier3A = arith.constant 0 : index
    tpu.barrier barrier_id(%barrier3A)
    %dma_wait3A = arith.constant 0 : i32
    %dma_wait3A_175 = arith.constant 0 : i32
    %dma_wait3A_176 = arith.constant 0 : i32
    %dma_wait3A_177 = arith.constant 0 : i32
    %dma_wait3A_178 = tpu.memref_slice %arg14[%dma_wait3A_175, %dma_wait3A_176, %dma_wait3A_177] : memref<14x112x48xf32, #tpu.memory_space<vmem>> -> memref<1x112x48xf32, #tpu.memory_space<vmem>>
    %dma_wait3A_179 = tpu.memref_squeeze %dma_wait3A_178 : memref<1x112x48xf32, #tpu.memory_space<vmem>> -> memref<112x48xf32, #tpu.memory_space<vmem>>
    %dma_wait3A_180 = arith.constant 0 : i32
    %dma_wait3A_181 = tpu.memref_slice %arg12[%dma_wait3A, %dma_wait3A_180] : memref<14x112xi32, #tpu.memory_space<vmem>> -> memref<1x112xi32, #tpu.memory_space<vmem>>
    %dma_wait3A_182 = tpu.memref_squeeze %dma_wait3A_181 : memref<1x112xi32, #tpu.memory_space<vmem>> -> memref<112xi32, #tpu.memory_space<vmem>>
    %dma_wait3A_183 = arith.constant 0 : i32
    %dma_wait3A_184 = arith.constant 0 : i32
    %dma_wait3A_185 = tpu.memref_slice %arg5[%dma_wait3A_183, %dma_wait3A_184] : memref<50000x48xf32, #tpu.memory_space<hbm>> -> memref<50000x48xf32, #tpu.memory_space<hbm>>
    tpu.wait_indirect_dma semaphore(%arg17 : memref<!tpu.dma_semaphore, #tpu.memory_space<semaphore_mem>>) src(%dma_wait3A_185 : memref<50000x48xf32, #tpu.memory_space<hbm>>) dst(%dma_wait3A_179 : memref<112x48xf32, #tpu.memory_space<vmem>>)
    %dma_start3A_186 = arith.constant 0 : i32
    %dma_start3A_187 = arith.constant 0 : i32
    %dma_start3A_188 = arith.constant 0 : i32
    %dma_start3A_189 = arith.constant 0 : i32
    %dma_start3A_190 = tpu.memref_slice %arg14[%dma_start3A_186, %dma_start3A_188, %dma_start3A_189] : memref<14x112x48xf32, #tpu.memory_space<vmem>> -> memref<1x112x48xf32, #tpu.memory_space<vmem>>
    %dma_start3A_191 = tpu.memref_squeeze %dma_start3A_190 : memref<1x112x48xf32, #tpu.memory_space<vmem>> -> memref<112x48xf32, #tpu.memory_space<vmem>>
    %dma_start3A_192 = arith.constant 0 : i32
    %dma_start3A_193 = tpu.memref_slice %arg13[%dma_start3A_187, %dma_start3A_192] : memref<14x112xi32, #tpu.memory_space<vmem>> -> memref<1x112xi32, #tpu.memory_space<vmem>>
    %dma_start3A_194 = tpu.memref_squeeze %dma_start3A_193 : memref<1x112xi32, #tpu.memory_space<vmem>> -> memref<112xi32, #tpu.memory_space<vmem>>
    %dma_start3A_195 = arith.constant 0 : i32
    %dma_start3A_196 = arith.constant 0 : i32
    %dma_start3A_197 = tpu.memref_slice %arg16[%dma_start3A_195, %dma_start3A_196] : memref<65x48xf32, #tpu.memory_space<vmem_shared>> -> memref<65x48xf32, #tpu.memory_space<vmem_shared>>
    tpu.enqueue_indirect_dma source(%dma_start3A_191 : memref<112x48xf32, #tpu.memory_space<vmem>>) target(%dma_start3A_197 : memref<65x48xf32, #tpu.memory_space<vmem_shared>>) offsets(%dma_start3A_194 : memref<112xi32, #tpu.memory_space<vmem>>) semaphore(%arg18 : memref<!tpu.dma_semaphore, #tpu.memory_space<semaphore_mem>>) {add = true}
    %dma_wait3A_198 = arith.constant 1 : i32
    %dma_wait3A_199 = arith.constant 1 : i32
    %dma_wait3A_200 = arith.constant 0 : i32
    %dma_wait3A_201 = arith.constant 0 : i32
    %dma_wait3A_202 = tpu.memref_slice %arg14[%dma_wait3A_199, %dma_wait3A_200, %dma_wait3A_201] : memref<14x112x48xf32, #tpu.memory_space<vmem>> -> memref<1x112x48xf32, #tpu.memory_space<vmem>>
    %dma_wait3A_203 = tpu.memref_squeeze %dma_wait3A_202 : memref<1x112x48xf32, #tpu.memory_space<vmem>> -> memref<112x48xf32, #tpu.memory_space<vmem>>
    %dma_wait3A_204 = arith.constant 0 : i32
    %dma_wait3A_205 = tpu.memref_slice %arg12[%dma_wait3A_198, %dma_wait3A_204] : memref<14x112xi32, #tpu.memory_space<vmem>> -> memref<1x112xi32, #tpu.memory_space<vmem>>
    %dma_wait3A_206 = tpu.memref_squeeze %dma_wait3A_205 : memref<1x112xi32, #tpu.memory_space<vmem>> -> memref<112xi32, #tpu.memory_space<vmem>>
    %dma_wait3A_207 = arith.constant 0 : i32
    %dma_wait3A_208 = arith.constant 0 : i32
    %dma_wait3A_209 = tpu.memref_slice %arg5[%dma_wait3A_207, %dma_wait3A_208] : memref<50000x48xf32, #tpu.memory_space<hbm>> -> memref<50000x48xf32, #tpu.memory_space<hbm>>
    tpu.wait_indirect_dma semaphore(%arg17 : memref<!tpu.dma_semaphore, #tpu.memory_space<semaphore_mem>>) src(%dma_wait3A_209 : memref<50000x48xf32, #tpu.memory_space<hbm>>) dst(%dma_wait3A_203 : memref<112x48xf32, #tpu.memory_space<vmem>>)
    %dma_start3A_210 = arith.constant 1 : i32
    %dma_start3A_211 = arith.constant 1 : i32
    %dma_start3A_212 = arith.constant 0 : i32
    %dma_start3A_213 = arith.constant 0 : i32
    %dma_start3A_214 = tpu.memref_slice %arg14[%dma_start3A_210, %dma_start3A_212, %dma_start3A_213] : memref<14x112x48xf32, #tpu.memory_space<vmem>> -> memref<1x112x48xf32, #tpu.memory_space<vmem>>
    %dma_start3A_215 = tpu.memref_squeeze %dma_start3A_214 : memref<1x112x48xf32, #tpu.memory_space<vmem>> -> memref<112x48xf32, #tpu.memory_space<vmem>>
    %dma_start3A_216 = arith.constant 0 : i32
    %dma_start3A_217 = tpu.memref_slice %arg13[%dma_start3A_211, %dma_start3A_216] : memref<14x112xi32, #tpu.memory_space<vmem>> -> memref<1x112xi32, #tpu.memory_space<vmem>>
    %dma_start3A_218 = tpu.memref_squeeze %dma_start3A_217 : memref<1x112xi32, #tpu.memory_space<vmem>> -> memref<112xi32, #tpu.memory_space<vmem>>
    %dma_start3A_219 = arith.constant 0 : i32
    %dma_start3A_220 = arith.constant 0 : i32
    %dma_start3A_221 = tpu.memref_slice %arg16[%dma_start3A_219, %dma_start3A_220] : memref<65x48xf32, #tpu.memory_space<vmem_shared>> -> memref<65x48xf32, #tpu.memory_space<vmem_shared>>
    tpu.enqueue_indirect_dma source(%dma_start3A_215 : memref<112x48xf32, #tpu.memory_space<vmem>>) target(%dma_start3A_221 : memref<65x48xf32, #tpu.memory_space<vmem_shared>>) offsets(%dma_start3A_218 : memref<112xi32, #tpu.memory_space<vmem>>) semaphore(%arg18 : memref<!tpu.dma_semaphore, #tpu.memory_space<semaphore_mem>>) {add = true}
    %dma_wait3A_222 = arith.constant 2 : i32
    %dma_wait3A_223 = arith.constant 2 : i32
    %dma_wait3A_224 = arith.constant 0 : i32
    %dma_wait3A_225 = arith.constant 0 : i32
    %dma_wait3A_226 = tpu.memref_slice %arg14[%dma_wait3A_223, %dma_wait3A_224, %dma_wait3A_225] : memref<14x112x48xf32, #tpu.memory_space<vmem>> -> memref<1x112x48xf32, #tpu.memory_space<vmem>>
    %dma_wait3A_227 = tpu.memref_squeeze %dma_wait3A_226 : memref<1x112x48xf32, #tpu.memory_space<vmem>> -> memref<112x48xf32, #tpu.memory_space<vmem>>
    %dma_wait3A_228 = arith.constant 0 : i32
    %dma_wait3A_229 = tpu.memref_slice %arg12[%dma_wait3A_222, %dma_wait3A_228] : memref<14x112xi32, #tpu.memory_space<vmem>> -> memref<1x112xi32, #tpu.memory_space<vmem>>
    %dma_wait3A_230 = tpu.memref_squeeze %dma_wait3A_229 : memref<1x112xi32, #tpu.memory_space<vmem>> -> memref<112xi32, #tpu.memory_space<vmem>>
    %dma_wait3A_231 = arith.constant 0 : i32
    %dma_wait3A_232 = arith.constant 0 : i32
    %dma_wait3A_233 = tpu.memref_slice %arg5[%dma_wait3A_231, %dma_wait3A_232] : memref<50000x48xf32, #tpu.memory_space<hbm>> -> memref<50000x48xf32, #tpu.memory_space<hbm>>
    tpu.wait_indirect_dma semaphore(%arg17 : memref<!tpu.dma_semaphore, #tpu.memory_space<semaphore_mem>>) src(%dma_wait3A_233 : memref<50000x48xf32, #tpu.memory_space<hbm>>) dst(%dma_wait3A_227 : memref<112x48xf32, #tpu.memory_space<vmem>>)
    %dma_start3A_234 = arith.constant 2 : i32
    %dma_start3A_235 = arith.constant 2 : i32
    %dma_start3A_236 = arith.constant 0 : i32
    %dma_start3A_237 = arith.constant 0 : i32
    %dma_start3A_238 = tpu.memref_slice %arg14[%dma_start3A_234, %dma_start3A_236, %dma_start3A_237] : memref<14x112x48xf32, #tpu.memory_space<vmem>> -> memref<1x112x48xf32, #tpu.memory_space<vmem>>
    %dma_start3A_239 = tpu.memref_squeeze %dma_start3A_238 : memref<1x112x48xf32, #tpu.memory_space<vmem>> -> memref<112x48xf32, #tpu.memory_space<vmem>>
    %dma_start3A_240 = arith.constant 0 : i32
    %dma_start3A_241 = tpu.memref_slice %arg13[%dma_start3A_235, %dma_start3A_240] : memref<14x112xi32, #tpu.memory_space<vmem>> -> memref<1x112xi32, #tpu.memory_space<vmem>>
    %dma_start3A_242 = tpu.memref_squeeze %dma_start3A_241 : memref<1x112xi32, #tpu.memory_space<vmem>> -> memref<112xi32, #tpu.memory_space<vmem>>
    %dma_start3A_243 = arith.constant 0 : i32
    %dma_start3A_244 = arith.constant 0 : i32
    %dma_start3A_245 = tpu.memref_slice %arg16[%dma_start3A_243, %dma_start3A_244] : memref<65x48xf32, #tpu.memory_space<vmem_shared>> -> memref<65x48xf32, #tpu.memory_space<vmem_shared>>
    tpu.enqueue_indirect_dma source(%dma_start3A_239 : memref<112x48xf32, #tpu.memory_space<vmem>>) target(%dma_start3A_245 : memref<65x48xf32, #tpu.memory_space<vmem_shared>>) offsets(%dma_start3A_242 : memref<112xi32, #tpu.memory_space<vmem>>) semaphore(%arg18 : memref<!tpu.dma_semaphore, #tpu.memory_space<semaphore_mem>>) {add = true}
    %dma_wait3A_246 = arith.constant 3 : i32
    %dma_wait3A_247 = arith.constant 3 : i32
    %dma_wait3A_248 = arith.constant 0 : i32
    %dma_wait3A_249 = arith.constant 0 : i32
    %dma_wait3A_250 = tpu.memref_slice %arg14[%dma_wait3A_247, %dma_wait3A_248, %dma_wait3A_249] : memref<14x112x48xf32, #tpu.memory_space<vmem>> -> memref<1x112x48xf32, #tpu.memory_space<vmem>>
    %dma_wait3A_251 = tpu.memref_squeeze %dma_wait3A_250 : memref<1x112x48xf32, #tpu.memory_space<vmem>> -> memref<112x48xf32, #tpu.memory_space<vmem>>
    %dma_wait3A_252 = arith.constant 0 : i32
    %dma_wait3A_253 = tpu.memref_slice %arg12[%dma_wait3A_246, %dma_wait3A_252] : memref<14x112xi32, #tpu.memory_space<vmem>> -> memref<1x112xi32, #tpu.memory_space<vmem>>
    %dma_wait3A_254 = tpu.memref_squeeze %dma_wait3A_253 : memref<1x112xi32, #tpu.memory_space<vmem>> -> memref<112xi32, #tpu.memory_space<vmem>>
    %dma_wait3A_255 = arith.constant 0 : i32
    %dma_wait3A_256 = arith.constant 0 : i32
    %dma_wait3A_257 = tpu.memref_slice %arg5[%dma_wait3A_255, %dma_wait3A_256] : memref<50000x48xf32, #tpu.memory_space<hbm>> -> memref<50000x48xf32, #tpu.memory_space<hbm>>
    tpu.wait_indirect_dma semaphore(%arg17 : memref<!tpu.dma_semaphore, #tpu.memory_space<semaphore_mem>>) src(%dma_wait3A_257 : memref<50000x48xf32, #tpu.memory_space<hbm>>) dst(%dma_wait3A_251 : memref<112x48xf32, #tpu.memory_space<vmem>>)
    %dma_start3A_258 = arith.constant 3 : i32
    %dma_start3A_259 = arith.constant 3 : i32
    %dma_start3A_260 = arith.constant 0 : i32
    %dma_start3A_261 = arith.constant 0 : i32
    %dma_start3A_262 = tpu.memref_slice %arg14[%dma_start3A_258, %dma_start3A_260, %dma_start3A_261] : memref<14x112x48xf32, #tpu.memory_space<vmem>> -> memref<1x112x48xf32, #tpu.memory_space<vmem>>
    %dma_start3A_263 = tpu.memref_squeeze %dma_start3A_262 : memref<1x112x48xf32, #tpu.memory_space<vmem>> -> memref<112x48xf32, #tpu.memory_space<vmem>>
    %dma_start3A_264 = arith.constant 0 : i32
    %dma_start3A_265 = tpu.memref_slice %arg13[%dma_start3A_259, %dma_start3A_264] : memref<14x112xi32, #tpu.memory_space<vmem>> -> memref<1x112xi32, #tpu.memory_space<vmem>>
    %dma_start3A_266 = tpu.memref_squeeze %dma_start3A_265 : memref<1x112xi32, #tpu.memory_space<vmem>> -> memref<112xi32, #tpu.memory_space<vmem>>
    %dma_start3A_267 = arith.constant 0 : i32
    %dma_start3A_268 = arith.constant 0 : i32
    %dma_start3A_269 = tpu.memref_slice %arg16[%dma_start3A_267, %dma_start3A_268] : memref<65x48xf32, #tpu.memory_space<vmem_shared>> -> memref<65x48xf32, #tpu.memory_space<vmem_shared>>
    tpu.enqueue_indirect_dma source(%dma_start3A_263 : memref<112x48xf32, #tpu.memory_space<vmem>>) target(%dma_start3A_269 : memref<65x48xf32, #tpu.memory_space<vmem_shared>>) offsets(%dma_start3A_266 : memref<112xi32, #tpu.memory_space<vmem>>) semaphore(%arg18 : memref<!tpu.dma_semaphore, #tpu.memory_space<semaphore_mem>>) {add = true}
    %dma_wait3A_270 = arith.constant 4 : i32
    %dma_wait3A_271 = arith.constant 4 : i32
    %dma_wait3A_272 = arith.constant 0 : i32
    %dma_wait3A_273 = arith.constant 0 : i32
    %dma_wait3A_274 = tpu.memref_slice %arg14[%dma_wait3A_271, %dma_wait3A_272, %dma_wait3A_273] : memref<14x112x48xf32, #tpu.memory_space<vmem>> -> memref<1x112x48xf32, #tpu.memory_space<vmem>>
    %dma_wait3A_275 = tpu.memref_squeeze %dma_wait3A_274 : memref<1x112x48xf32, #tpu.memory_space<vmem>> -> memref<112x48xf32, #tpu.memory_space<vmem>>
    %dma_wait3A_276 = arith.constant 0 : i32
    %dma_wait3A_277 = tpu.memref_slice %arg12[%dma_wait3A_270, %dma_wait3A_276] : memref<14x112xi32, #tpu.memory_space<vmem>> -> memref<1x112xi32, #tpu.memory_space<vmem>>
    %dma_wait3A_278 = tpu.memref_squeeze %dma_wait3A_277 : memref<1x112xi32, #tpu.memory_space<vmem>> -> memref<112xi32, #tpu.memory_space<vmem>>
    %dma_wait3A_279 = arith.constant 0 : i32
    %dma_wait3A_280 = arith.constant 0 : i32
    %dma_wait3A_281 = tpu.memref_slice %arg5[%dma_wait3A_279, %dma_wait3A_280] : memref<50000x48xf32, #tpu.memory_space<hbm>> -> memref<50000x48xf32, #tpu.memory_space<hbm>>
    tpu.wait_indirect_dma semaphore(%arg17 : memref<!tpu.dma_semaphore, #tpu.memory_space<semaphore_mem>>) src(%dma_wait3A_281 : memref<50000x48xf32, #tpu.memory_space<hbm>>) dst(%dma_wait3A_275 : memref<112x48xf32, #tpu.memory_space<vmem>>)
    %dma_start3A_282 = arith.constant 4 : i32
    %dma_start3A_283 = arith.constant 4 : i32
    %dma_start3A_284 = arith.constant 0 : i32
    %dma_start3A_285 = arith.constant 0 : i32
    %dma_start3A_286 = tpu.memref_slice %arg14[%dma_start3A_282, %dma_start3A_284, %dma_start3A_285] : memref<14x112x48xf32, #tpu.memory_space<vmem>> -> memref<1x112x48xf32, #tpu.memory_space<vmem>>
    %dma_start3A_287 = tpu.memref_squeeze %dma_start3A_286 : memref<1x112x48xf32, #tpu.memory_space<vmem>> -> memref<112x48xf32, #tpu.memory_space<vmem>>
    %dma_start3A_288 = arith.constant 0 : i32
    %dma_start3A_289 = tpu.memref_slice %arg13[%dma_start3A_283, %dma_start3A_288] : memref<14x112xi32, #tpu.memory_space<vmem>> -> memref<1x112xi32, #tpu.memory_space<vmem>>
    %dma_start3A_290 = tpu.memref_squeeze %dma_start3A_289 : memref<1x112xi32, #tpu.memory_space<vmem>> -> memref<112xi32, #tpu.memory_space<vmem>>
    %dma_start3A_291 = arith.constant 0 : i32
    %dma_start3A_292 = arith.constant 0 : i32
    %dma_start3A_293 = tpu.memref_slice %arg16[%dma_start3A_291, %dma_start3A_292] : memref<65x48xf32, #tpu.memory_space<vmem_shared>> -> memref<65x48xf32, #tpu.memory_space<vmem_shared>>
    tpu.enqueue_indirect_dma source(%dma_start3A_287 : memref<112x48xf32, #tpu.memory_space<vmem>>) target(%dma_start3A_293 : memref<65x48xf32, #tpu.memory_space<vmem_shared>>) offsets(%dma_start3A_290 : memref<112xi32, #tpu.memory_space<vmem>>) semaphore(%arg18 : memref<!tpu.dma_semaphore, #tpu.memory_space<semaphore_mem>>) {add = true}
    %dma_wait3A_294 = arith.constant 5 : i32
    %dma_wait3A_295 = arith.constant 5 : i32
    %dma_wait3A_296 = arith.constant 0 : i32
    %dma_wait3A_297 = arith.constant 0 : i32
    %dma_wait3A_298 = tpu.memref_slice %arg14[%dma_wait3A_295, %dma_wait3A_296, %dma_wait3A_297] : memref<14x112x48xf32, #tpu.memory_space<vmem>> -> memref<1x112x48xf32, #tpu.memory_space<vmem>>
    %dma_wait3A_299 = tpu.memref_squeeze %dma_wait3A_298 : memref<1x112x48xf32, #tpu.memory_space<vmem>> -> memref<112x48xf32, #tpu.memory_space<vmem>>
    %dma_wait3A_300 = arith.constant 0 : i32
    %dma_wait3A_301 = tpu.memref_slice %arg12[%dma_wait3A_294, %dma_wait3A_300] : memref<14x112xi32, #tpu.memory_space<vmem>> -> memref<1x112xi32, #tpu.memory_space<vmem>>
    %dma_wait3A_302 = tpu.memref_squeeze %dma_wait3A_301 : memref<1x112xi32, #tpu.memory_space<vmem>> -> memref<112xi32, #tpu.memory_space<vmem>>
    %dma_wait3A_303 = arith.constant 0 : i32
    %dma_wait3A_304 = arith.constant 0 : i32
    %dma_wait3A_305 = tpu.memref_slice %arg5[%dma_wait3A_303, %dma_wait3A_304] : memref<50000x48xf32, #tpu.memory_space<hbm>> -> memref<50000x48xf32, #tpu.memory_space<hbm>>
    tpu.wait_indirect_dma semaphore(%arg17 : memref<!tpu.dma_semaphore, #tpu.memory_space<semaphore_mem>>) src(%dma_wait3A_305 : memref<50000x48xf32, #tpu.memory_space<hbm>>) dst(%dma_wait3A_299 : memref<112x48xf32, #tpu.memory_space<vmem>>)
    %dma_start3A_306 = arith.constant 5 : i32
    %dma_start3A_307 = arith.constant 5 : i32
    %dma_start3A_308 = arith.constant 0 : i32
    %dma_start3A_309 = arith.constant 0 : i32
    %dma_start3A_310 = tpu.memref_slice %arg14[%dma_start3A_306, %dma_start3A_308, %dma_start3A_309] : memref<14x112x48xf32, #tpu.memory_space<vmem>> -> memref<1x112x48xf32, #tpu.memory_space<vmem>>
    %dma_start3A_311 = tpu.memref_squeeze %dma_start3A_310 : memref<1x112x48xf32, #tpu.memory_space<vmem>> -> memref<112x48xf32, #tpu.memory_space<vmem>>
    %dma_start3A_312 = arith.constant 0 : i32
    %dma_start3A_313 = tpu.memref_slice %arg13[%dma_start3A_307, %dma_start3A_312] : memref<14x112xi32, #tpu.memory_space<vmem>> -> memref<1x112xi32, #tpu.memory_space<vmem>>
    %dma_start3A_314 = tpu.memref_squeeze %dma_start3A_313 : memref<1x112xi32, #tpu.memory_space<vmem>> -> memref<112xi32, #tpu.memory_space<vmem>>
    %dma_start3A_315 = arith.constant 0 : i32
    %dma_start3A_316 = arith.constant 0 : i32
    %dma_start3A_317 = tpu.memref_slice %arg16[%dma_start3A_315, %dma_start3A_316] : memref<65x48xf32, #tpu.memory_space<vmem_shared>> -> memref<65x48xf32, #tpu.memory_space<vmem_shared>>
    tpu.enqueue_indirect_dma source(%dma_start3A_311 : memref<112x48xf32, #tpu.memory_space<vmem>>) target(%dma_start3A_317 : memref<65x48xf32, #tpu.memory_space<vmem_shared>>) offsets(%dma_start3A_314 : memref<112xi32, #tpu.memory_space<vmem>>) semaphore(%arg18 : memref<!tpu.dma_semaphore, #tpu.memory_space<semaphore_mem>>) {add = true}
    %dma_wait3A_318 = arith.constant 6 : i32
    %dma_wait3A_319 = arith.constant 6 : i32
    %dma_wait3A_320 = arith.constant 0 : i32
    %dma_wait3A_321 = arith.constant 0 : i32
    %dma_wait3A_322 = tpu.memref_slice %arg14[%dma_wait3A_319, %dma_wait3A_320, %dma_wait3A_321] : memref<14x112x48xf32, #tpu.memory_space<vmem>> -> memref<1x112x48xf32, #tpu.memory_space<vmem>>
    %dma_wait3A_323 = tpu.memref_squeeze %dma_wait3A_322 : memref<1x112x48xf32, #tpu.memory_space<vmem>> -> memref<112x48xf32, #tpu.memory_space<vmem>>
    %dma_wait3A_324 = arith.constant 0 : i32
    %dma_wait3A_325 = tpu.memref_slice %arg12[%dma_wait3A_318, %dma_wait3A_324] : memref<14x112xi32, #tpu.memory_space<vmem>> -> memref<1x112xi32, #tpu.memory_space<vmem>>
    %dma_wait3A_326 = tpu.memref_squeeze %dma_wait3A_325 : memref<1x112xi32, #tpu.memory_space<vmem>> -> memref<112xi32, #tpu.memory_space<vmem>>
    %dma_wait3A_327 = arith.constant 0 : i32
    %dma_wait3A_328 = arith.constant 0 : i32
    %dma_wait3A_329 = tpu.memref_slice %arg5[%dma_wait3A_327, %dma_wait3A_328] : memref<50000x48xf32, #tpu.memory_space<hbm>> -> memref<50000x48xf32, #tpu.memory_space<hbm>>
    tpu.wait_indirect_dma semaphore(%arg17 : memref<!tpu.dma_semaphore, #tpu.memory_space<semaphore_mem>>) src(%dma_wait3A_329 : memref<50000x48xf32, #tpu.memory_space<hbm>>) dst(%dma_wait3A_323 : memref<112x48xf32, #tpu.memory_space<vmem>>)
    %dma_start3A_330 = arith.constant 6 : i32
    %dma_start3A_331 = arith.constant 6 : i32
    %dma_start3A_332 = arith.constant 0 : i32
    %dma_start3A_333 = arith.constant 0 : i32
    %dma_start3A_334 = tpu.memref_slice %arg14[%dma_start3A_330, %dma_start3A_332, %dma_start3A_333] : memref<14x112x48xf32, #tpu.memory_space<vmem>> -> memref<1x112x48xf32, #tpu.memory_space<vmem>>
    %dma_start3A_335 = tpu.memref_squeeze %dma_start3A_334 : memref<1x112x48xf32, #tpu.memory_space<vmem>> -> memref<112x48xf32, #tpu.memory_space<vmem>>
    %dma_start3A_336 = arith.constant 0 : i32
    %dma_start3A_337 = tpu.memref_slice %arg13[%dma_start3A_331, %dma_start3A_336] : memref<14x112xi32, #tpu.memory_space<vmem>> -> memref<1x112xi32, #tpu.memory_space<vmem>>
    %dma_start3A_338 = tpu.memref_squeeze %dma_start3A_337 : memref<1x112xi32, #tpu.memory_space<vmem>> -> memref<112xi32, #tpu.memory_space<vmem>>
    %dma_start3A_339 = arith.constant 0 : i32
    %dma_start3A_340 = arith.constant 0 : i32
    %dma_start3A_341 = tpu.memref_slice %arg16[%dma_start3A_339, %dma_start3A_340] : memref<65x48xf32, #tpu.memory_space<vmem_shared>> -> memref<65x48xf32, #tpu.memory_space<vmem_shared>>
    tpu.enqueue_indirect_dma source(%dma_start3A_335 : memref<112x48xf32, #tpu.memory_space<vmem>>) target(%dma_start3A_341 : memref<65x48xf32, #tpu.memory_space<vmem_shared>>) offsets(%dma_start3A_338 : memref<112xi32, #tpu.memory_space<vmem>>) semaphore(%arg18 : memref<!tpu.dma_semaphore, #tpu.memory_space<semaphore_mem>>) {add = true}
    %dma_wait3A_342 = arith.constant 7 : i32
    %dma_wait3A_343 = arith.constant 7 : i32
    %dma_wait3A_344 = arith.constant 0 : i32
    %dma_wait3A_345 = arith.constant 0 : i32
    %dma_wait3A_346 = tpu.memref_slice %arg14[%dma_wait3A_343, %dma_wait3A_344, %dma_wait3A_345] : memref<14x112x48xf32, #tpu.memory_space<vmem>> -> memref<1x112x48xf32, #tpu.memory_space<vmem>>
    %dma_wait3A_347 = tpu.memref_squeeze %dma_wait3A_346 : memref<1x112x48xf32, #tpu.memory_space<vmem>> -> memref<112x48xf32, #tpu.memory_space<vmem>>
    %dma_wait3A_348 = arith.constant 0 : i32
    %dma_wait3A_349 = tpu.memref_slice %arg12[%dma_wait3A_342, %dma_wait3A_348] : memref<14x112xi32, #tpu.memory_space<vmem>> -> memref<1x112xi32, #tpu.memory_space<vmem>>
    %dma_wait3A_350 = tpu.memref_squeeze %dma_wait3A_349 : memref<1x112xi32, #tpu.memory_space<vmem>> -> memref<112xi32, #tpu.memory_space<vmem>>
    %dma_wait3A_351 = arith.constant 0 : i32
    %dma_wait3A_352 = arith.constant 0 : i32
    %dma_wait3A_353 = tpu.memref_slice %arg5[%dma_wait3A_351, %dma_wait3A_352] : memref<50000x48xf32, #tpu.memory_space<hbm>> -> memref<50000x48xf32, #tpu.memory_space<hbm>>
    tpu.wait_indirect_dma semaphore(%arg17 : memref<!tpu.dma_semaphore, #tpu.memory_space<semaphore_mem>>) src(%dma_wait3A_353 : memref<50000x48xf32, #tpu.memory_space<hbm>>) dst(%dma_wait3A_347 : memref<112x48xf32, #tpu.memory_space<vmem>>)
    %dma_start3A_354 = arith.constant 7 : i32
    %dma_start3A_355 = arith.constant 7 : i32
    %dma_start3A_356 = arith.constant 0 : i32
    %dma_start3A_357 = arith.constant 0 : i32
    %dma_start3A_358 = tpu.memref_slice %arg14[%dma_start3A_354, %dma_start3A_356, %dma_start3A_357] : memref<14x112x48xf32, #tpu.memory_space<vmem>> -> memref<1x112x48xf32, #tpu.memory_space<vmem>>
    %dma_start3A_359 = tpu.memref_squeeze %dma_start3A_358 : memref<1x112x48xf32, #tpu.memory_space<vmem>> -> memref<112x48xf32, #tpu.memory_space<vmem>>
    %dma_start3A_360 = arith.constant 0 : i32
    %dma_start3A_361 = tpu.memref_slice %arg13[%dma_start3A_355, %dma_start3A_360] : memref<14x112xi32, #tpu.memory_space<vmem>> -> memref<1x112xi32, #tpu.memory_space<vmem>>
    %dma_start3A_362 = tpu.memref_squeeze %dma_start3A_361 : memref<1x112xi32, #tpu.memory_space<vmem>> -> memref<112xi32, #tpu.memory_space<vmem>>
    %dma_start3A_363 = arith.constant 0 : i32
    %dma_start3A_364 = arith.constant 0 : i32
    %dma_start3A_365 = tpu.memref_slice %arg16[%dma_start3A_363, %dma_start3A_364] : memref<65x48xf32, #tpu.memory_space<vmem_shared>> -> memref<65x48xf32, #tpu.memory_space<vmem_shared>>
    tpu.enqueue_indirect_dma source(%dma_start3A_359 : memref<112x48xf32, #tpu.memory_space<vmem>>) target(%dma_start3A_365 : memref<65x48xf32, #tpu.memory_space<vmem_shared>>) offsets(%dma_start3A_362 : memref<112xi32, #tpu.memory_space<vmem>>) semaphore(%arg18 : memref<!tpu.dma_semaphore, #tpu.memory_space<semaphore_mem>>) {add = true}
    %dma_wait3A_366 = arith.constant 8 : i32
    %dma_wait3A_367 = arith.constant 8 : i32
    %dma_wait3A_368 = arith.constant 0 : i32
    %dma_wait3A_369 = arith.constant 0 : i32
    %dma_wait3A_370 = tpu.memref_slice %arg14[%dma_wait3A_367, %dma_wait3A_368, %dma_wait3A_369] : memref<14x112x48xf32, #tpu.memory_space<vmem>> -> memref<1x112x48xf32, #tpu.memory_space<vmem>>
    %dma_wait3A_371 = tpu.memref_squeeze %dma_wait3A_370 : memref<1x112x48xf32, #tpu.memory_space<vmem>> -> memref<112x48xf32, #tpu.memory_space<vmem>>
    %dma_wait3A_372 = arith.constant 0 : i32
    %dma_wait3A_373 = tpu.memref_slice %arg12[%dma_wait3A_366, %dma_wait3A_372] : memref<14x112xi32, #tpu.memory_space<vmem>> -> memref<1x112xi32, #tpu.memory_space<vmem>>
    %dma_wait3A_374 = tpu.memref_squeeze %dma_wait3A_373 : memref<1x112xi32, #tpu.memory_space<vmem>> -> memref<112xi32, #tpu.memory_space<vmem>>
    %dma_wait3A_375 = arith.constant 0 : i32
    %dma_wait3A_376 = arith.constant 0 : i32
    %dma_wait3A_377 = tpu.memref_slice %arg5[%dma_wait3A_375, %dma_wait3A_376] : memref<50000x48xf32, #tpu.memory_space<hbm>> -> memref<50000x48xf32, #tpu.memory_space<hbm>>
    tpu.wait_indirect_dma semaphore(%arg17 : memref<!tpu.dma_semaphore, #tpu.memory_space<semaphore_mem>>) src(%dma_wait3A_377 : memref<50000x48xf32, #tpu.memory_space<hbm>>) dst(%dma_wait3A_371 : memref<112x48xf32, #tpu.memory_space<vmem>>)
    %dma_start3A_378 = arith.constant 8 : i32
    %dma_start3A_379 = arith.constant 8 : i32
    %dma_start3A_380 = arith.constant 0 : i32
    %dma_start3A_381 = arith.constant 0 : i32
    %dma_start3A_382 = tpu.memref_slice %arg14[%dma_start3A_378, %dma_start3A_380, %dma_start3A_381] : memref<14x112x48xf32, #tpu.memory_space<vmem>> -> memref<1x112x48xf32, #tpu.memory_space<vmem>>
    %dma_start3A_383 = tpu.memref_squeeze %dma_start3A_382 : memref<1x112x48xf32, #tpu.memory_space<vmem>> -> memref<112x48xf32, #tpu.memory_space<vmem>>
    %dma_start3A_384 = arith.constant 0 : i32
    %dma_start3A_385 = tpu.memref_slice %arg13[%dma_start3A_379, %dma_start3A_384] : memref<14x112xi32, #tpu.memory_space<vmem>> -> memref<1x112xi32, #tpu.memory_space<vmem>>
    %dma_start3A_386 = tpu.memref_squeeze %dma_start3A_385 : memref<1x112xi32, #tpu.memory_space<vmem>> -> memref<112xi32, #tpu.memory_space<vmem>>
    %dma_start3A_387 = arith.constant 0 : i32
    %dma_start3A_388 = arith.constant 0 : i32
    %dma_start3A_389 = tpu.memref_slice %arg16[%dma_start3A_387, %dma_start3A_388] : memref<65x48xf32, #tpu.memory_space<vmem_shared>> -> memref<65x48xf32, #tpu.memory_space<vmem_shared>>
    tpu.enqueue_indirect_dma source(%dma_start3A_383 : memref<112x48xf32, #tpu.memory_space<vmem>>) target(%dma_start3A_389 : memref<65x48xf32, #tpu.memory_space<vmem_shared>>) offsets(%dma_start3A_386 : memref<112xi32, #tpu.memory_space<vmem>>) semaphore(%arg18 : memref<!tpu.dma_semaphore, #tpu.memory_space<semaphore_mem>>) {add = true}
    %dma_wait3A_390 = arith.constant 9 : i32
    %dma_wait3A_391 = arith.constant 9 : i32
    %dma_wait3A_392 = arith.constant 0 : i32
    %dma_wait3A_393 = arith.constant 0 : i32
    %dma_wait3A_394 = tpu.memref_slice %arg14[%dma_wait3A_391, %dma_wait3A_392, %dma_wait3A_393] : memref<14x112x48xf32, #tpu.memory_space<vmem>> -> memref<1x112x48xf32, #tpu.memory_space<vmem>>
    %dma_wait3A_395 = tpu.memref_squeeze %dma_wait3A_394 : memref<1x112x48xf32, #tpu.memory_space<vmem>> -> memref<112x48xf32, #tpu.memory_space<vmem>>
    %dma_wait3A_396 = arith.constant 0 : i32
    %dma_wait3A_397 = tpu.memref_slice %arg12[%dma_wait3A_390, %dma_wait3A_396] : memref<14x112xi32, #tpu.memory_space<vmem>> -> memref<1x112xi32, #tpu.memory_space<vmem>>
    %dma_wait3A_398 = tpu.memref_squeeze %dma_wait3A_397 : memref<1x112xi32, #tpu.memory_space<vmem>> -> memref<112xi32, #tpu.memory_space<vmem>>
    %dma_wait3A_399 = arith.constant 0 : i32
    %dma_wait3A_400 = arith.constant 0 : i32
    %dma_wait3A_401 = tpu.memref_slice %arg5[%dma_wait3A_399, %dma_wait3A_400] : memref<50000x48xf32, #tpu.memory_space<hbm>> -> memref<50000x48xf32, #tpu.memory_space<hbm>>
    tpu.wait_indirect_dma semaphore(%arg17 : memref<!tpu.dma_semaphore, #tpu.memory_space<semaphore_mem>>) src(%dma_wait3A_401 : memref<50000x48xf32, #tpu.memory_space<hbm>>) dst(%dma_wait3A_395 : memref<112x48xf32, #tpu.memory_space<vmem>>)
    %dma_start3A_402 = arith.constant 9 : i32
    %dma_start3A_403 = arith.constant 9 : i32
    %dma_start3A_404 = arith.constant 0 : i32
    %dma_start3A_405 = arith.constant 0 : i32
    %dma_start3A_406 = tpu.memref_slice %arg14[%dma_start3A_402, %dma_start3A_404, %dma_start3A_405] : memref<14x112x48xf32, #tpu.memory_space<vmem>> -> memref<1x112x48xf32, #tpu.memory_space<vmem>>
    %dma_start3A_407 = tpu.memref_squeeze %dma_start3A_406 : memref<1x112x48xf32, #tpu.memory_space<vmem>> -> memref<112x48xf32, #tpu.memory_space<vmem>>
    %dma_start3A_408 = arith.constant 0 : i32
    %dma_start3A_409 = tpu.memref_slice %arg13[%dma_start3A_403, %dma_start3A_408] : memref<14x112xi32, #tpu.memory_space<vmem>> -> memref<1x112xi32, #tpu.memory_space<vmem>>
    %dma_start3A_410 = tpu.memref_squeeze %dma_start3A_409 : memref<1x112xi32, #tpu.memory_space<vmem>> -> memref<112xi32, #tpu.memory_space<vmem>>
    %dma_start3A_411 = arith.constant 0 : i32
    %dma_start3A_412 = arith.constant 0 : i32
    %dma_start3A_413 = tpu.memref_slice %arg16[%dma_start3A_411, %dma_start3A_412] : memref<65x48xf32, #tpu.memory_space<vmem_shared>> -> memref<65x48xf32, #tpu.memory_space<vmem_shared>>
    tpu.enqueue_indirect_dma source(%dma_start3A_407 : memref<112x48xf32, #tpu.memory_space<vmem>>) target(%dma_start3A_413 : memref<65x48xf32, #tpu.memory_space<vmem_shared>>) offsets(%dma_start3A_410 : memref<112xi32, #tpu.memory_space<vmem>>) semaphore(%arg18 : memref<!tpu.dma_semaphore, #tpu.memory_space<semaphore_mem>>) {add = true}
    %dma_wait3A_414 = arith.constant 10 : i32
    %dma_wait3A_415 = arith.constant 10 : i32
    %dma_wait3A_416 = arith.constant 0 : i32
    %dma_wait3A_417 = arith.constant 0 : i32
    %dma_wait3A_418 = tpu.memref_slice %arg14[%dma_wait3A_415, %dma_wait3A_416, %dma_wait3A_417] : memref<14x112x48xf32, #tpu.memory_space<vmem>> -> memref<1x112x48xf32, #tpu.memory_space<vmem>>
    %dma_wait3A_419 = tpu.memref_squeeze %dma_wait3A_418 : memref<1x112x48xf32, #tpu.memory_space<vmem>> -> memref<112x48xf32, #tpu.memory_space<vmem>>
    %dma_wait3A_420 = arith.constant 0 : i32
    %dma_wait3A_421 = tpu.memref_slice %arg12[%dma_wait3A_414, %dma_wait3A_420] : memref<14x112xi32, #tpu.memory_space<vmem>> -> memref<1x112xi32, #tpu.memory_space<vmem>>
    %dma_wait3A_422 = tpu.memref_squeeze %dma_wait3A_421 : memref<1x112xi32, #tpu.memory_space<vmem>> -> memref<112xi32, #tpu.memory_space<vmem>>
    %dma_wait3A_423 = arith.constant 0 : i32
    %dma_wait3A_424 = arith.constant 0 : i32
    %dma_wait3A_425 = tpu.memref_slice %arg5[%dma_wait3A_423, %dma_wait3A_424] : memref<50000x48xf32, #tpu.memory_space<hbm>> -> memref<50000x48xf32, #tpu.memory_space<hbm>>
    tpu.wait_indirect_dma semaphore(%arg17 : memref<!tpu.dma_semaphore, #tpu.memory_space<semaphore_mem>>) src(%dma_wait3A_425 : memref<50000x48xf32, #tpu.memory_space<hbm>>) dst(%dma_wait3A_419 : memref<112x48xf32, #tpu.memory_space<vmem>>)
    %dma_start3A_426 = arith.constant 10 : i32
    %dma_start3A_427 = arith.constant 10 : i32
    %dma_start3A_428 = arith.constant 0 : i32
    %dma_start3A_429 = arith.constant 0 : i32
    %dma_start3A_430 = tpu.memref_slice %arg14[%dma_start3A_426, %dma_start3A_428, %dma_start3A_429] : memref<14x112x48xf32, #tpu.memory_space<vmem>> -> memref<1x112x48xf32, #tpu.memory_space<vmem>>
    %dma_start3A_431 = tpu.memref_squeeze %dma_start3A_430 : memref<1x112x48xf32, #tpu.memory_space<vmem>> -> memref<112x48xf32, #tpu.memory_space<vmem>>
    %dma_start3A_432 = arith.constant 0 : i32
    %dma_start3A_433 = tpu.memref_slice %arg13[%dma_start3A_427, %dma_start3A_432] : memref<14x112xi32, #tpu.memory_space<vmem>> -> memref<1x112xi32, #tpu.memory_space<vmem>>
    %dma_start3A_434 = tpu.memref_squeeze %dma_start3A_433 : memref<1x112xi32, #tpu.memory_space<vmem>> -> memref<112xi32, #tpu.memory_space<vmem>>
    %dma_start3A_435 = arith.constant 0 : i32
    %dma_start3A_436 = arith.constant 0 : i32
    %dma_start3A_437 = tpu.memref_slice %arg16[%dma_start3A_435, %dma_start3A_436] : memref<65x48xf32, #tpu.memory_space<vmem_shared>> -> memref<65x48xf32, #tpu.memory_space<vmem_shared>>
    tpu.enqueue_indirect_dma source(%dma_start3A_431 : memref<112x48xf32, #tpu.memory_space<vmem>>) target(%dma_start3A_437 : memref<65x48xf32, #tpu.memory_space<vmem_shared>>) offsets(%dma_start3A_434 : memref<112xi32, #tpu.memory_space<vmem>>) semaphore(%arg18 : memref<!tpu.dma_semaphore, #tpu.memory_space<semaphore_mem>>) {add = true}
    %dma_wait3A_438 = arith.constant 11 : i32
    %dma_wait3A_439 = arith.constant 11 : i32
    %dma_wait3A_440 = arith.constant 0 : i32
    %dma_wait3A_441 = arith.constant 0 : i32
    %dma_wait3A_442 = tpu.memref_slice %arg14[%dma_wait3A_439, %dma_wait3A_440, %dma_wait3A_441] : memref<14x112x48xf32, #tpu.memory_space<vmem>> -> memref<1x112x48xf32, #tpu.memory_space<vmem>>
    %dma_wait3A_443 = tpu.memref_squeeze %dma_wait3A_442 : memref<1x112x48xf32, #tpu.memory_space<vmem>> -> memref<112x48xf32, #tpu.memory_space<vmem>>
    %dma_wait3A_444 = arith.constant 0 : i32
    %dma_wait3A_445 = tpu.memref_slice %arg12[%dma_wait3A_438, %dma_wait3A_444] : memref<14x112xi32, #tpu.memory_space<vmem>> -> memref<1x112xi32, #tpu.memory_space<vmem>>
    %dma_wait3A_446 = tpu.memref_squeeze %dma_wait3A_445 : memref<1x112xi32, #tpu.memory_space<vmem>> -> memref<112xi32, #tpu.memory_space<vmem>>
    %dma_wait3A_447 = arith.constant 0 : i32
    %dma_wait3A_448 = arith.constant 0 : i32
    %dma_wait3A_449 = tpu.memref_slice %arg5[%dma_wait3A_447, %dma_wait3A_448] : memref<50000x48xf32, #tpu.memory_space<hbm>> -> memref<50000x48xf32, #tpu.memory_space<hbm>>
    tpu.wait_indirect_dma semaphore(%arg17 : memref<!tpu.dma_semaphore, #tpu.memory_space<semaphore_mem>>) src(%dma_wait3A_449 : memref<50000x48xf32, #tpu.memory_space<hbm>>) dst(%dma_wait3A_443 : memref<112x48xf32, #tpu.memory_space<vmem>>)
    %dma_start3A_450 = arith.constant 11 : i32
    %dma_start3A_451 = arith.constant 11 : i32
    %dma_start3A_452 = arith.constant 0 : i32
    %dma_start3A_453 = arith.constant 0 : i32
    %dma_start3A_454 = tpu.memref_slice %arg14[%dma_start3A_450, %dma_start3A_452, %dma_start3A_453] : memref<14x112x48xf32, #tpu.memory_space<vmem>> -> memref<1x112x48xf32, #tpu.memory_space<vmem>>
    %dma_start3A_455 = tpu.memref_squeeze %dma_start3A_454 : memref<1x112x48xf32, #tpu.memory_space<vmem>> -> memref<112x48xf32, #tpu.memory_space<vmem>>
    %dma_start3A_456 = arith.constant 0 : i32
    %dma_start3A_457 = tpu.memref_slice %arg13[%dma_start3A_451, %dma_start3A_456] : memref<14x112xi32, #tpu.memory_space<vmem>> -> memref<1x112xi32, #tpu.memory_space<vmem>>
    %dma_start3A_458 = tpu.memref_squeeze %dma_start3A_457 : memref<1x112xi32, #tpu.memory_space<vmem>> -> memref<112xi32, #tpu.memory_space<vmem>>
    %dma_start3A_459 = arith.constant 0 : i32
    %dma_start3A_460 = arith.constant 0 : i32
    %dma_start3A_461 = tpu.memref_slice %arg16[%dma_start3A_459, %dma_start3A_460] : memref<65x48xf32, #tpu.memory_space<vmem_shared>> -> memref<65x48xf32, #tpu.memory_space<vmem_shared>>
    tpu.enqueue_indirect_dma source(%dma_start3A_455 : memref<112x48xf32, #tpu.memory_space<vmem>>) target(%dma_start3A_461 : memref<65x48xf32, #tpu.memory_space<vmem_shared>>) offsets(%dma_start3A_458 : memref<112xi32, #tpu.memory_space<vmem>>) semaphore(%arg18 : memref<!tpu.dma_semaphore, #tpu.memory_space<semaphore_mem>>) {add = true}
    %dma_wait3A_462 = arith.constant 12 : i32
    %dma_wait3A_463 = arith.constant 12 : i32
    %dma_wait3A_464 = arith.constant 0 : i32
    %dma_wait3A_465 = arith.constant 0 : i32
    %dma_wait3A_466 = tpu.memref_slice %arg14[%dma_wait3A_463, %dma_wait3A_464, %dma_wait3A_465] : memref<14x112x48xf32, #tpu.memory_space<vmem>> -> memref<1x112x48xf32, #tpu.memory_space<vmem>>
    %dma_wait3A_467 = tpu.memref_squeeze %dma_wait3A_466 : memref<1x112x48xf32, #tpu.memory_space<vmem>> -> memref<112x48xf32, #tpu.memory_space<vmem>>
    %dma_wait3A_468 = arith.constant 0 : i32
    %dma_wait3A_469 = tpu.memref_slice %arg12[%dma_wait3A_462, %dma_wait3A_468] : memref<14x112xi32, #tpu.memory_space<vmem>> -> memref<1x112xi32, #tpu.memory_space<vmem>>
    %dma_wait3A_470 = tpu.memref_squeeze %dma_wait3A_469 : memref<1x112xi32, #tpu.memory_space<vmem>> -> memref<112xi32, #tpu.memory_space<vmem>>
    %dma_wait3A_471 = arith.constant 0 : i32
    %dma_wait3A_472 = arith.constant 0 : i32
    %dma_wait3A_473 = tpu.memref_slice %arg5[%dma_wait3A_471, %dma_wait3A_472] : memref<50000x48xf32, #tpu.memory_space<hbm>> -> memref<50000x48xf32, #tpu.memory_space<hbm>>
    tpu.wait_indirect_dma semaphore(%arg17 : memref<!tpu.dma_semaphore, #tpu.memory_space<semaphore_mem>>) src(%dma_wait3A_473 : memref<50000x48xf32, #tpu.memory_space<hbm>>) dst(%dma_wait3A_467 : memref<112x48xf32, #tpu.memory_space<vmem>>)
    %dma_start3A_474 = arith.constant 12 : i32
    %dma_start3A_475 = arith.constant 12 : i32
    %dma_start3A_476 = arith.constant 0 : i32
    %dma_start3A_477 = arith.constant 0 : i32
    %dma_start3A_478 = tpu.memref_slice %arg14[%dma_start3A_474, %dma_start3A_476, %dma_start3A_477] : memref<14x112x48xf32, #tpu.memory_space<vmem>> -> memref<1x112x48xf32, #tpu.memory_space<vmem>>
    %dma_start3A_479 = tpu.memref_squeeze %dma_start3A_478 : memref<1x112x48xf32, #tpu.memory_space<vmem>> -> memref<112x48xf32, #tpu.memory_space<vmem>>
    %dma_start3A_480 = arith.constant 0 : i32
    %dma_start3A_481 = tpu.memref_slice %arg13[%dma_start3A_475, %dma_start3A_480] : memref<14x112xi32, #tpu.memory_space<vmem>> -> memref<1x112xi32, #tpu.memory_space<vmem>>
    %dma_start3A_482 = tpu.memref_squeeze %dma_start3A_481 : memref<1x112xi32, #tpu.memory_space<vmem>> -> memref<112xi32, #tpu.memory_space<vmem>>
    %dma_start3A_483 = arith.constant 0 : i32
    %dma_start3A_484 = arith.constant 0 : i32
    %dma_start3A_485 = tpu.memref_slice %arg16[%dma_start3A_483, %dma_start3A_484] : memref<65x48xf32, #tpu.memory_space<vmem_shared>> -> memref<65x48xf32, #tpu.memory_space<vmem_shared>>
    tpu.enqueue_indirect_dma source(%dma_start3A_479 : memref<112x48xf32, #tpu.memory_space<vmem>>) target(%dma_start3A_485 : memref<65x48xf32, #tpu.memory_space<vmem_shared>>) offsets(%dma_start3A_482 : memref<112xi32, #tpu.memory_space<vmem>>) semaphore(%arg18 : memref<!tpu.dma_semaphore, #tpu.memory_space<semaphore_mem>>) {add = true}
    %dma_wait3A_486 = arith.constant 13 : i32
    %dma_wait3A_487 = arith.constant 13 : i32
    %dma_wait3A_488 = arith.constant 0 : i32
    %dma_wait3A_489 = arith.constant 0 : i32
    %dma_wait3A_490 = tpu.memref_slice %arg14[%dma_wait3A_487, %dma_wait3A_488, %dma_wait3A_489] : memref<14x112x48xf32, #tpu.memory_space<vmem>> -> memref<1x112x48xf32, #tpu.memory_space<vmem>>
    %dma_wait3A_491 = tpu.memref_squeeze %dma_wait3A_490 : memref<1x112x48xf32, #tpu.memory_space<vmem>> -> memref<112x48xf32, #tpu.memory_space<vmem>>
    %dma_wait3A_492 = arith.constant 0 : i32
    %dma_wait3A_493 = tpu.memref_slice %arg12[%dma_wait3A_486, %dma_wait3A_492] : memref<14x112xi32, #tpu.memory_space<vmem>> -> memref<1x112xi32, #tpu.memory_space<vmem>>
    %dma_wait3A_494 = tpu.memref_squeeze %dma_wait3A_493 : memref<1x112xi32, #tpu.memory_space<vmem>> -> memref<112xi32, #tpu.memory_space<vmem>>
    %dma_wait3A_495 = arith.constant 0 : i32
    %dma_wait3A_496 = arith.constant 0 : i32
    %dma_wait3A_497 = tpu.memref_slice %arg5[%dma_wait3A_495, %dma_wait3A_496] : memref<50000x48xf32, #tpu.memory_space<hbm>> -> memref<50000x48xf32, #tpu.memory_space<hbm>>
    tpu.wait_indirect_dma semaphore(%arg17 : memref<!tpu.dma_semaphore, #tpu.memory_space<semaphore_mem>>) src(%dma_wait3A_497 : memref<50000x48xf32, #tpu.memory_space<hbm>>) dst(%dma_wait3A_491 : memref<112x48xf32, #tpu.memory_space<vmem>>)
    %dma_start3A_498 = arith.constant 13 : i32
    %dma_start3A_499 = arith.constant 13 : i32
    %dma_start3A_500 = arith.constant 0 : i32
    %dma_start3A_501 = arith.constant 0 : i32
    %dma_start3A_502 = tpu.memref_slice %arg14[%dma_start3A_498, %dma_start3A_500, %dma_start3A_501] : memref<14x112x48xf32, #tpu.memory_space<vmem>> -> memref<1x112x48xf32, #tpu.memory_space<vmem>>
    %dma_start3A_503 = tpu.memref_squeeze %dma_start3A_502 : memref<1x112x48xf32, #tpu.memory_space<vmem>> -> memref<112x48xf32, #tpu.memory_space<vmem>>
    %dma_start3A_504 = arith.constant 0 : i32
    %dma_start3A_505 = tpu.memref_slice %arg13[%dma_start3A_499, %dma_start3A_504] : memref<14x112xi32, #tpu.memory_space<vmem>> -> memref<1x112xi32, #tpu.memory_space<vmem>>
    %dma_start3A_506 = tpu.memref_squeeze %dma_start3A_505 : memref<1x112xi32, #tpu.memory_space<vmem>> -> memref<112xi32, #tpu.memory_space<vmem>>
    %dma_start3A_507 = arith.constant 0 : i32
    %dma_start3A_508 = arith.constant 0 : i32
    %dma_start3A_509 = tpu.memref_slice %arg16[%dma_start3A_507, %dma_start3A_508] : memref<65x48xf32, #tpu.memory_space<vmem_shared>> -> memref<65x48xf32, #tpu.memory_space<vmem_shared>>
    tpu.enqueue_indirect_dma source(%dma_start3A_503 : memref<112x48xf32, #tpu.memory_space<vmem>>) target(%dma_start3A_509 : memref<65x48xf32, #tpu.memory_space<vmem_shared>>) offsets(%dma_start3A_506 : memref<112xi32, #tpu.memory_space<vmem>>) semaphore(%arg18 : memref<!tpu.dma_semaphore, #tpu.memory_space<semaphore_mem>>) {add = true}
    %dma_wait3A_510 = arith.constant 0 : i32
    %dma_wait3A_511 = arith.constant 0 : i32
    %dma_wait3A_512 = arith.constant 0 : i32
    %dma_wait3A_513 = arith.constant 0 : i32
    %dma_wait3A_514 = tpu.memref_slice %arg14[%dma_wait3A_510, %dma_wait3A_512, %dma_wait3A_513] : memref<14x112x48xf32, #tpu.memory_space<vmem>> -> memref<1x112x48xf32, #tpu.memory_space<vmem>>
    %dma_wait3A_515 = tpu.memref_squeeze %dma_wait3A_514 : memref<1x112x48xf32, #tpu.memory_space<vmem>> -> memref<112x48xf32, #tpu.memory_space<vmem>>
    %dma_wait3A_516 = arith.constant 0 : i32
    %dma_wait3A_517 = tpu.memref_slice %arg13[%dma_wait3A_511, %dma_wait3A_516] : memref<14x112xi32, #tpu.memory_space<vmem>> -> memref<1x112xi32, #tpu.memory_space<vmem>>
    %dma_wait3A_518 = tpu.memref_squeeze %dma_wait3A_517 : memref<1x112xi32, #tpu.memory_space<vmem>> -> memref<112xi32, #tpu.memory_space<vmem>>
    %dma_wait3A_519 = arith.constant 0 : i32
    %dma_wait3A_520 = arith.constant 0 : i32
    %dma_wait3A_521 = tpu.memref_slice %arg16[%dma_wait3A_519, %dma_wait3A_520] : memref<65x48xf32, #tpu.memory_space<vmem_shared>> -> memref<65x48xf32, #tpu.memory_space<vmem_shared>>
    tpu.wait_indirect_dma semaphore(%arg18 : memref<!tpu.dma_semaphore, #tpu.memory_space<semaphore_mem>>) src(%dma_wait3A_515 : memref<112x48xf32, #tpu.memory_space<vmem>>) dst(%dma_wait3A_521 : memref<65x48xf32, #tpu.memory_space<vmem_shared>>)
    %dma_wait3A_522 = arith.constant 1 : i32
    %dma_wait3A_523 = arith.constant 1 : i32
    %dma_wait3A_524 = arith.constant 0 : i32
    %dma_wait3A_525 = arith.constant 0 : i32
    %dma_wait3A_526 = tpu.memref_slice %arg14[%dma_wait3A_522, %dma_wait3A_524, %dma_wait3A_525] : memref<14x112x48xf32, #tpu.memory_space<vmem>> -> memref<1x112x48xf32, #tpu.memory_space<vmem>>
    %dma_wait3A_527 = tpu.memref_squeeze %dma_wait3A_526 : memref<1x112x48xf32, #tpu.memory_space<vmem>> -> memref<112x48xf32, #tpu.memory_space<vmem>>
    %dma_wait3A_528 = arith.constant 0 : i32
    %dma_wait3A_529 = tpu.memref_slice %arg13[%dma_wait3A_523, %dma_wait3A_528] : memref<14x112xi32, #tpu.memory_space<vmem>> -> memref<1x112xi32, #tpu.memory_space<vmem>>
    %dma_wait3A_530 = tpu.memref_squeeze %dma_wait3A_529 : memref<1x112xi32, #tpu.memory_space<vmem>> -> memref<112xi32, #tpu.memory_space<vmem>>
    %dma_wait3A_531 = arith.constant 0 : i32
    %dma_wait3A_532 = arith.constant 0 : i32
    %dma_wait3A_533 = tpu.memref_slice %arg16[%dma_wait3A_531, %dma_wait3A_532] : memref<65x48xf32, #tpu.memory_space<vmem_shared>> -> memref<65x48xf32, #tpu.memory_space<vmem_shared>>
    tpu.wait_indirect_dma semaphore(%arg18 : memref<!tpu.dma_semaphore, #tpu.memory_space<semaphore_mem>>) src(%dma_wait3A_527 : memref<112x48xf32, #tpu.memory_space<vmem>>) dst(%dma_wait3A_533 : memref<65x48xf32, #tpu.memory_space<vmem_shared>>)
    %dma_wait3A_534 = arith.constant 2 : i32
    %dma_wait3A_535 = arith.constant 2 : i32
    %dma_wait3A_536 = arith.constant 0 : i32
    %dma_wait3A_537 = arith.constant 0 : i32
    %dma_wait3A_538 = tpu.memref_slice %arg14[%dma_wait3A_534, %dma_wait3A_536, %dma_wait3A_537] : memref<14x112x48xf32, #tpu.memory_space<vmem>> -> memref<1x112x48xf32, #tpu.memory_space<vmem>>
    %dma_wait3A_539 = tpu.memref_squeeze %dma_wait3A_538 : memref<1x112x48xf32, #tpu.memory_space<vmem>> -> memref<112x48xf32, #tpu.memory_space<vmem>>
    %dma_wait3A_540 = arith.constant 0 : i32
    %dma_wait3A_541 = tpu.memref_slice %arg13[%dma_wait3A_535, %dma_wait3A_540] : memref<14x112xi32, #tpu.memory_space<vmem>> -> memref<1x112xi32, #tpu.memory_space<vmem>>
    %dma_wait3A_542 = tpu.memref_squeeze %dma_wait3A_541 : memref<1x112xi32, #tpu.memory_space<vmem>> -> memref<112xi32, #tpu.memory_space<vmem>>
    %dma_wait3A_543 = arith.constant 0 : i32
    %dma_wait3A_544 = arith.constant 0 : i32
    %dma_wait3A_545 = tpu.memref_slice %arg16[%dma_wait3A_543, %dma_wait3A_544] : memref<65x48xf32, #tpu.memory_space<vmem_shared>> -> memref<65x48xf32, #tpu.memory_space<vmem_shared>>
    tpu.wait_indirect_dma semaphore(%arg18 : memref<!tpu.dma_semaphore, #tpu.memory_space<semaphore_mem>>) src(%dma_wait3A_539 : memref<112x48xf32, #tpu.memory_space<vmem>>) dst(%dma_wait3A_545 : memref<65x48xf32, #tpu.memory_space<vmem_shared>>)
    %dma_wait3A_546 = arith.constant 3 : i32
    %dma_wait3A_547 = arith.constant 3 : i32
    %dma_wait3A_548 = arith.constant 0 : i32
    %dma_wait3A_549 = arith.constant 0 : i32
    %dma_wait3A_550 = tpu.memref_slice %arg14[%dma_wait3A_546, %dma_wait3A_548, %dma_wait3A_549] : memref<14x112x48xf32, #tpu.memory_space<vmem>> -> memref<1x112x48xf32, #tpu.memory_space<vmem>>
    %dma_wait3A_551 = tpu.memref_squeeze %dma_wait3A_550 : memref<1x112x48xf32, #tpu.memory_space<vmem>> -> memref<112x48xf32, #tpu.memory_space<vmem>>
    %dma_wait3A_552 = arith.constant 0 : i32
    %dma_wait3A_553 = tpu.memref_slice %arg13[%dma_wait3A_547, %dma_wait3A_552] : memref<14x112xi32, #tpu.memory_space<vmem>> -> memref<1x112xi32, #tpu.memory_space<vmem>>
    %dma_wait3A_554 = tpu.memref_squeeze %dma_wait3A_553 : memref<1x112xi32, #tpu.memory_space<vmem>> -> memref<112xi32, #tpu.memory_space<vmem>>
    %dma_wait3A_555 = arith.constant 0 : i32
    %dma_wait3A_556 = arith.constant 0 : i32
    %dma_wait3A_557 = tpu.memref_slice %arg16[%dma_wait3A_555, %dma_wait3A_556] : memref<65x48xf32, #tpu.memory_space<vmem_shared>> -> memref<65x48xf32, #tpu.memory_space<vmem_shared>>
    tpu.wait_indirect_dma semaphore(%arg18 : memref<!tpu.dma_semaphore, #tpu.memory_space<semaphore_mem>>) src(%dma_wait3A_551 : memref<112x48xf32, #tpu.memory_space<vmem>>) dst(%dma_wait3A_557 : memref<65x48xf32, #tpu.memory_space<vmem_shared>>)
    %dma_wait3A_558 = arith.constant 4 : i32
    %dma_wait3A_559 = arith.constant 4 : i32
    %dma_wait3A_560 = arith.constant 0 : i32
    %dma_wait3A_561 = arith.constant 0 : i32
    %dma_wait3A_562 = tpu.memref_slice %arg14[%dma_wait3A_558, %dma_wait3A_560, %dma_wait3A_561] : memref<14x112x48xf32, #tpu.memory_space<vmem>> -> memref<1x112x48xf32, #tpu.memory_space<vmem>>
    %dma_wait3A_563 = tpu.memref_squeeze %dma_wait3A_562 : memref<1x112x48xf32, #tpu.memory_space<vmem>> -> memref<112x48xf32, #tpu.memory_space<vmem>>
    %dma_wait3A_564 = arith.constant 0 : i32
    %dma_wait3A_565 = tpu.memref_slice %arg13[%dma_wait3A_559, %dma_wait3A_564] : memref<14x112xi32, #tpu.memory_space<vmem>> -> memref<1x112xi32, #tpu.memory_space<vmem>>
    %dma_wait3A_566 = tpu.memref_squeeze %dma_wait3A_565 : memref<1x112xi32, #tpu.memory_space<vmem>> -> memref<112xi32, #tpu.memory_space<vmem>>
    %dma_wait3A_567 = arith.constant 0 : i32
    %dma_wait3A_568 = arith.constant 0 : i32
    %dma_wait3A_569 = tpu.memref_slice %arg16[%dma_wait3A_567, %dma_wait3A_568] : memref<65x48xf32, #tpu.memory_space<vmem_shared>> -> memref<65x48xf32, #tpu.memory_space<vmem_shared>>
    tpu.wait_indirect_dma semaphore(%arg18 : memref<!tpu.dma_semaphore, #tpu.memory_space<semaphore_mem>>) src(%dma_wait3A_563 : memref<112x48xf32, #tpu.memory_space<vmem>>) dst(%dma_wait3A_569 : memref<65x48xf32, #tpu.memory_space<vmem_shared>>)
    %dma_wait3A_570 = arith.constant 5 : i32
    %dma_wait3A_571 = arith.constant 5 : i32
    %dma_wait3A_572 = arith.constant 0 : i32
    %dma_wait3A_573 = arith.constant 0 : i32
    %dma_wait3A_574 = tpu.memref_slice %arg14[%dma_wait3A_570, %dma_wait3A_572, %dma_wait3A_573] : memref<14x112x48xf32, #tpu.memory_space<vmem>> -> memref<1x112x48xf32, #tpu.memory_space<vmem>>
    %dma_wait3A_575 = tpu.memref_squeeze %dma_wait3A_574 : memref<1x112x48xf32, #tpu.memory_space<vmem>> -> memref<112x48xf32, #tpu.memory_space<vmem>>
    %dma_wait3A_576 = arith.constant 0 : i32
    %dma_wait3A_577 = tpu.memref_slice %arg13[%dma_wait3A_571, %dma_wait3A_576] : memref<14x112xi32, #tpu.memory_space<vmem>> -> memref<1x112xi32, #tpu.memory_space<vmem>>
    %dma_wait3A_578 = tpu.memref_squeeze %dma_wait3A_577 : memref<1x112xi32, #tpu.memory_space<vmem>> -> memref<112xi32, #tpu.memory_space<vmem>>
    %dma_wait3A_579 = arith.constant 0 : i32
    %dma_wait3A_580 = arith.constant 0 : i32
    %dma_wait3A_581 = tpu.memref_slice %arg16[%dma_wait3A_579, %dma_wait3A_580] : memref<65x48xf32, #tpu.memory_space<vmem_shared>> -> memref<65x48xf32, #tpu.memory_space<vmem_shared>>
    tpu.wait_indirect_dma semaphore(%arg18 : memref<!tpu.dma_semaphore, #tpu.memory_space<semaphore_mem>>) src(%dma_wait3A_575 : memref<112x48xf32, #tpu.memory_space<vmem>>) dst(%dma_wait3A_581 : memref<65x48xf32, #tpu.memory_space<vmem_shared>>)
    %dma_wait3A_582 = arith.constant 6 : i32
    %dma_wait3A_583 = arith.constant 6 : i32
    %dma_wait3A_584 = arith.constant 0 : i32
    %dma_wait3A_585 = arith.constant 0 : i32
    %dma_wait3A_586 = tpu.memref_slice %arg14[%dma_wait3A_582, %dma_wait3A_584, %dma_wait3A_585] : memref<14x112x48xf32, #tpu.memory_space<vmem>> -> memref<1x112x48xf32, #tpu.memory_space<vmem>>
    %dma_wait3A_587 = tpu.memref_squeeze %dma_wait3A_586 : memref<1x112x48xf32, #tpu.memory_space<vmem>> -> memref<112x48xf32, #tpu.memory_space<vmem>>
    %dma_wait3A_588 = arith.constant 0 : i32
    %dma_wait3A_589 = tpu.memref_slice %arg13[%dma_wait3A_583, %dma_wait3A_588] : memref<14x112xi32, #tpu.memory_space<vmem>> -> memref<1x112xi32, #tpu.memory_space<vmem>>
    %dma_wait3A_590 = tpu.memref_squeeze %dma_wait3A_589 : memref<1x112xi32, #tpu.memory_space<vmem>> -> memref<112xi32, #tpu.memory_space<vmem>>
    %dma_wait3A_591 = arith.constant 0 : i32
    %dma_wait3A_592 = arith.constant 0 : i32
    %dma_wait3A_593 = tpu.memref_slice %arg16[%dma_wait3A_591, %dma_wait3A_592] : memref<65x48xf32, #tpu.memory_space<vmem_shared>> -> memref<65x48xf32, #tpu.memory_space<vmem_shared>>
    tpu.wait_indirect_dma semaphore(%arg18 : memref<!tpu.dma_semaphore, #tpu.memory_space<semaphore_mem>>) src(%dma_wait3A_587 : memref<112x48xf32, #tpu.memory_space<vmem>>) dst(%dma_wait3A_593 : memref<65x48xf32, #tpu.memory_space<vmem_shared>>)
    %dma_wait3A_594 = arith.constant 7 : i32
    %dma_wait3A_595 = arith.constant 7 : i32
    %dma_wait3A_596 = arith.constant 0 : i32
    %dma_wait3A_597 = arith.constant 0 : i32
    %dma_wait3A_598 = tpu.memref_slice %arg14[%dma_wait3A_594, %dma_wait3A_596, %dma_wait3A_597] : memref<14x112x48xf32, #tpu.memory_space<vmem>> -> memref<1x112x48xf32, #tpu.memory_space<vmem>>
    %dma_wait3A_599 = tpu.memref_squeeze %dma_wait3A_598 : memref<1x112x48xf32, #tpu.memory_space<vmem>> -> memref<112x48xf32, #tpu.memory_space<vmem>>
    %dma_wait3A_600 = arith.constant 0 : i32
    %dma_wait3A_601 = tpu.memref_slice %arg13[%dma_wait3A_595, %dma_wait3A_600] : memref<14x112xi32, #tpu.memory_space<vmem>> -> memref<1x112xi32, #tpu.memory_space<vmem>>
    %dma_wait3A_602 = tpu.memref_squeeze %dma_wait3A_601 : memref<1x112xi32, #tpu.memory_space<vmem>> -> memref<112xi32, #tpu.memory_space<vmem>>
    %dma_wait3A_603 = arith.constant 0 : i32
    %dma_wait3A_604 = arith.constant 0 : i32
    %dma_wait3A_605 = tpu.memref_slice %arg16[%dma_wait3A_603, %dma_wait3A_604] : memref<65x48xf32, #tpu.memory_space<vmem_shared>> -> memref<65x48xf32, #tpu.memory_space<vmem_shared>>
    tpu.wait_indirect_dma semaphore(%arg18 : memref<!tpu.dma_semaphore, #tpu.memory_space<semaphore_mem>>) src(%dma_wait3A_599 : memref<112x48xf32, #tpu.memory_space<vmem>>) dst(%dma_wait3A_605 : memref<65x48xf32, #tpu.memory_space<vmem_shared>>)
    %dma_wait3A_606 = arith.constant 8 : i32
    %dma_wait3A_607 = arith.constant 8 : i32
    %dma_wait3A_608 = arith.constant 0 : i32
    %dma_wait3A_609 = arith.constant 0 : i32
    %dma_wait3A_610 = tpu.memref_slice %arg14[%dma_wait3A_606, %dma_wait3A_608, %dma_wait3A_609] : memref<14x112x48xf32, #tpu.memory_space<vmem>> -> memref<1x112x48xf32, #tpu.memory_space<vmem>>
    %dma_wait3A_611 = tpu.memref_squeeze %dma_wait3A_610 : memref<1x112x48xf32, #tpu.memory_space<vmem>> -> memref<112x48xf32, #tpu.memory_space<vmem>>
    %dma_wait3A_612 = arith.constant 0 : i32
    %dma_wait3A_613 = tpu.memref_slice %arg13[%dma_wait3A_607, %dma_wait3A_612] : memref<14x112xi32, #tpu.memory_space<vmem>> -> memref<1x112xi32, #tpu.memory_space<vmem>>
    %dma_wait3A_614 = tpu.memref_squeeze %dma_wait3A_613 : memref<1x112xi32, #tpu.memory_space<vmem>> -> memref<112xi32, #tpu.memory_space<vmem>>
    %dma_wait3A_615 = arith.constant 0 : i32
    %dma_wait3A_616 = arith.constant 0 : i32
    %dma_wait3A_617 = tpu.memref_slice %arg16[%dma_wait3A_615, %dma_wait3A_616] : memref<65x48xf32, #tpu.memory_space<vmem_shared>> -> memref<65x48xf32, #tpu.memory_space<vmem_shared>>
    tpu.wait_indirect_dma semaphore(%arg18 : memref<!tpu.dma_semaphore, #tpu.memory_space<semaphore_mem>>) src(%dma_wait3A_611 : memref<112x48xf32, #tpu.memory_space<vmem>>) dst(%dma_wait3A_617 : memref<65x48xf32, #tpu.memory_space<vmem_shared>>)
    %dma_wait3A_618 = arith.constant 9 : i32
    %dma_wait3A_619 = arith.constant 9 : i32
    %dma_wait3A_620 = arith.constant 0 : i32
    %dma_wait3A_621 = arith.constant 0 : i32
    %dma_wait3A_622 = tpu.memref_slice %arg14[%dma_wait3A_618, %dma_wait3A_620, %dma_wait3A_621] : memref<14x112x48xf32, #tpu.memory_space<vmem>> -> memref<1x112x48xf32, #tpu.memory_space<vmem>>
    %dma_wait3A_623 = tpu.memref_squeeze %dma_wait3A_622 : memref<1x112x48xf32, #tpu.memory_space<vmem>> -> memref<112x48xf32, #tpu.memory_space<vmem>>
    %dma_wait3A_624 = arith.constant 0 : i32
    %dma_wait3A_625 = tpu.memref_slice %arg13[%dma_wait3A_619, %dma_wait3A_624] : memref<14x112xi32, #tpu.memory_space<vmem>> -> memref<1x112xi32, #tpu.memory_space<vmem>>
    %dma_wait3A_626 = tpu.memref_squeeze %dma_wait3A_625 : memref<1x112xi32, #tpu.memory_space<vmem>> -> memref<112xi32, #tpu.memory_space<vmem>>
    %dma_wait3A_627 = arith.constant 0 : i32
    %dma_wait3A_628 = arith.constant 0 : i32
    %dma_wait3A_629 = tpu.memref_slice %arg16[%dma_wait3A_627, %dma_wait3A_628] : memref<65x48xf32, #tpu.memory_space<vmem_shared>> -> memref<65x48xf32, #tpu.memory_space<vmem_shared>>
    tpu.wait_indirect_dma semaphore(%arg18 : memref<!tpu.dma_semaphore, #tpu.memory_space<semaphore_mem>>) src(%dma_wait3A_623 : memref<112x48xf32, #tpu.memory_space<vmem>>) dst(%dma_wait3A_629 : memref<65x48xf32, #tpu.memory_space<vmem_shared>>)
    %dma_wait3A_630 = arith.constant 10 : i32
    %dma_wait3A_631 = arith.constant 10 : i32
    %dma_wait3A_632 = arith.constant 0 : i32
    %dma_wait3A_633 = arith.constant 0 : i32
    %dma_wait3A_634 = tpu.memref_slice %arg14[%dma_wait3A_630, %dma_wait3A_632, %dma_wait3A_633] : memref<14x112x48xf32, #tpu.memory_space<vmem>> -> memref<1x112x48xf32, #tpu.memory_space<vmem>>
    %dma_wait3A_635 = tpu.memref_squeeze %dma_wait3A_634 : memref<1x112x48xf32, #tpu.memory_space<vmem>> -> memref<112x48xf32, #tpu.memory_space<vmem>>
    %dma_wait3A_636 = arith.constant 0 : i32
    %dma_wait3A_637 = tpu.memref_slice %arg13[%dma_wait3A_631, %dma_wait3A_636] : memref<14x112xi32, #tpu.memory_space<vmem>> -> memref<1x112xi32, #tpu.memory_space<vmem>>
    %dma_wait3A_638 = tpu.memref_squeeze %dma_wait3A_637 : memref<1x112xi32, #tpu.memory_space<vmem>> -> memref<112xi32, #tpu.memory_space<vmem>>
    %dma_wait3A_639 = arith.constant 0 : i32
    %dma_wait3A_640 = arith.constant 0 : i32
    %dma_wait3A_641 = tpu.memref_slice %arg16[%dma_wait3A_639, %dma_wait3A_640] : memref<65x48xf32, #tpu.memory_space<vmem_shared>> -> memref<65x48xf32, #tpu.memory_space<vmem_shared>>
    tpu.wait_indirect_dma semaphore(%arg18 : memref<!tpu.dma_semaphore, #tpu.memory_space<semaphore_mem>>) src(%dma_wait3A_635 : memref<112x48xf32, #tpu.memory_space<vmem>>) dst(%dma_wait3A_641 : memref<65x48xf32, #tpu.memory_space<vmem_shared>>)
    %dma_wait3A_642 = arith.constant 11 : i32
    %dma_wait3A_643 = arith.constant 11 : i32
    %dma_wait3A_644 = arith.constant 0 : i32
    %dma_wait3A_645 = arith.constant 0 : i32
    %dma_wait3A_646 = tpu.memref_slice %arg14[%dma_wait3A_642, %dma_wait3A_644, %dma_wait3A_645] : memref<14x112x48xf32, #tpu.memory_space<vmem>> -> memref<1x112x48xf32, #tpu.memory_space<vmem>>
    %dma_wait3A_647 = tpu.memref_squeeze %dma_wait3A_646 : memref<1x112x48xf32, #tpu.memory_space<vmem>> -> memref<112x48xf32, #tpu.memory_space<vmem>>
    %dma_wait3A_648 = arith.constant 0 : i32
    %dma_wait3A_649 = tpu.memref_slice %arg13[%dma_wait3A_643, %dma_wait3A_648] : memref<14x112xi32, #tpu.memory_space<vmem>> -> memref<1x112xi32, #tpu.memory_space<vmem>>
    %dma_wait3A_650 = tpu.memref_squeeze %dma_wait3A_649 : memref<1x112xi32, #tpu.memory_space<vmem>> -> memref<112xi32, #tpu.memory_space<vmem>>
    %dma_wait3A_651 = arith.constant 0 : i32
    %dma_wait3A_652 = arith.constant 0 : i32
    %dma_wait3A_653 = tpu.memref_slice %arg16[%dma_wait3A_651, %dma_wait3A_652] : memref<65x48xf32, #tpu.memory_space<vmem_shared>> -> memref<65x48xf32, #tpu.memory_space<vmem_shared>>
    tpu.wait_indirect_dma semaphore(%arg18 : memref<!tpu.dma_semaphore, #tpu.memory_space<semaphore_mem>>) src(%dma_wait3A_647 : memref<112x48xf32, #tpu.memory_space<vmem>>) dst(%dma_wait3A_653 : memref<65x48xf32, #tpu.memory_space<vmem_shared>>)
    %dma_wait3A_654 = arith.constant 12 : i32
    %dma_wait3A_655 = arith.constant 12 : i32
    %dma_wait3A_656 = arith.constant 0 : i32
    %dma_wait3A_657 = arith.constant 0 : i32
    %dma_wait3A_658 = tpu.memref_slice %arg14[%dma_wait3A_654, %dma_wait3A_656, %dma_wait3A_657] : memref<14x112x48xf32, #tpu.memory_space<vmem>> -> memref<1x112x48xf32, #tpu.memory_space<vmem>>
    %dma_wait3A_659 = tpu.memref_squeeze %dma_wait3A_658 : memref<1x112x48xf32, #tpu.memory_space<vmem>> -> memref<112x48xf32, #tpu.memory_space<vmem>>
    %dma_wait3A_660 = arith.constant 0 : i32
    %dma_wait3A_661 = tpu.memref_slice %arg13[%dma_wait3A_655, %dma_wait3A_660] : memref<14x112xi32, #tpu.memory_space<vmem>> -> memref<1x112xi32, #tpu.memory_space<vmem>>
    %dma_wait3A_662 = tpu.memref_squeeze %dma_wait3A_661 : memref<1x112xi32, #tpu.memory_space<vmem>> -> memref<112xi32, #tpu.memory_space<vmem>>
    %dma_wait3A_663 = arith.constant 0 : i32
    %dma_wait3A_664 = arith.constant 0 : i32
    %dma_wait3A_665 = tpu.memref_slice %arg16[%dma_wait3A_663, %dma_wait3A_664] : memref<65x48xf32, #tpu.memory_space<vmem_shared>> -> memref<65x48xf32, #tpu.memory_space<vmem_shared>>
    tpu.wait_indirect_dma semaphore(%arg18 : memref<!tpu.dma_semaphore, #tpu.memory_space<semaphore_mem>>) src(%dma_wait3A_659 : memref<112x48xf32, #tpu.memory_space<vmem>>) dst(%dma_wait3A_665 : memref<65x48xf32, #tpu.memory_space<vmem_shared>>)
    %dma_wait3A_666 = arith.constant 13 : i32
    %dma_wait3A_667 = arith.constant 13 : i32
    %dma_wait3A_668 = arith.constant 0 : i32
    %dma_wait3A_669 = arith.constant 0 : i32
    %dma_wait3A_670 = tpu.memref_slice %arg14[%dma_wait3A_666, %dma_wait3A_668, %dma_wait3A_669] : memref<14x112x48xf32, #tpu.memory_space<vmem>> -> memref<1x112x48xf32, #tpu.memory_space<vmem>>
    %dma_wait3A_671 = tpu.memref_squeeze %dma_wait3A_670 : memref<1x112x48xf32, #tpu.memory_space<vmem>> -> memref<112x48xf32, #tpu.memory_space<vmem>>
    %dma_wait3A_672 = arith.constant 0 : i32
    %dma_wait3A_673 = tpu.memref_slice %arg13[%dma_wait3A_667, %dma_wait3A_672] : memref<14x112xi32, #tpu.memory_space<vmem>> -> memref<1x112xi32, #tpu.memory_space<vmem>>
    %dma_wait3A_674 = tpu.memref_squeeze %dma_wait3A_673 : memref<1x112xi32, #tpu.memory_space<vmem>> -> memref<112xi32, #tpu.memory_space<vmem>>
    %dma_wait3A_675 = arith.constant 0 : i32
    %dma_wait3A_676 = arith.constant 0 : i32
    %dma_wait3A_677 = tpu.memref_slice %arg16[%dma_wait3A_675, %dma_wait3A_676] : memref<65x48xf32, #tpu.memory_space<vmem_shared>> -> memref<65x48xf32, #tpu.memory_space<vmem_shared>>
    tpu.wait_indirect_dma semaphore(%arg18 : memref<!tpu.dma_semaphore, #tpu.memory_space<semaphore_mem>>) src(%dma_wait3A_671 : memref<112x48xf32, #tpu.memory_space<vmem>>) dst(%dma_wait3A_677 : memref<65x48xf32, #tpu.memory_space<vmem_shared>>)
    "tpu.region"() ({
      %run_scoped3A = tpu.sem_alloc : memref<!tpu.dma_semaphore, #tpu.memory_space<semaphore_mem>>
      %dma_start3A_684 = arith.constant 0 : i32
      %dma_start3A_685 = tpu.memref_slice %arg9[%add3A, %dma_start3A_684] : memref<32x80xf32, #tpu.memory_space<hbm>> -> memref<1x80xf32, #tpu.memory_space<hbm>>
      %dma_start3A_686 = tpu.memref_squeeze %dma_start3A_685 : memref<1x80xf32, #tpu.memory_space<hbm>> -> memref<80xf32, #tpu.memory_space<hbm>>
      %dma_start3A_687 = arith.constant 0 : i32
      %dma_start3A_688 = tpu.memref_slice %arg9[%add3A, %dma_start3A_687] : memref<32x80xf32, #tpu.memory_space<hbm>> -> memref<1x80xf32, #tpu.memory_space<hbm>>
      %dma_start3A_689 = tpu.memref_squeeze %dma_start3A_688 : memref<1x80xf32, #tpu.memory_space<hbm>> -> memref<80xf32, #tpu.memory_space<hbm>>
      tpu.enqueue_dma source(%arg15 : memref<80xf32, #tpu.memory_space<vmem>>) target(%dma_start3A_689 : memref<80xf32, #tpu.memory_space<hbm>>) target_semaphore(%run_scoped3A : memref<!tpu.dma_semaphore, #tpu.memory_space<semaphore_mem>>)
      %dma_wait3A_690 = arith.constant 0 : i32
      %dma_wait3A_691 = tpu.memref_slice %arg9[%add3A, %dma_wait3A_690] : memref<32x80xf32, #tpu.memory_space<hbm>> -> memref<1x80xf32, #tpu.memory_space<hbm>>
      %dma_wait3A_692 = tpu.memref_squeeze %dma_wait3A_691 : memref<1x80xf32, #tpu.memory_space<hbm>> -> memref<80xf32, #tpu.memory_space<hbm>>
      %dma_wait3A_693 = arith.constant 0 : i32
      %dma_wait3A_694 = tpu.memref_slice %arg9[%add3A, %dma_wait3A_693] : memref<32x80xf32, #tpu.memory_space<hbm>> -> memref<1x80xf32, #tpu.memory_space<hbm>>
      %dma_wait3A_695 = tpu.memref_squeeze %dma_wait3A_694 : memref<1x80xf32, #tpu.memory_space<hbm>> -> memref<80xf32, #tpu.memory_space<hbm>>
      tpu.wait_dma2 semaphore(%run_scoped3A : memref<!tpu.dma_semaphore, #tpu.memory_space<semaphore_mem>>) src(%arg15 : memref<80xf32, #tpu.memory_space<vmem>>) dst(%dma_wait3A_695 : memref<80xf32, #tpu.memory_space<hbm>>)
      tpu.yield
    }) : () -> ()
    %barrier3A_678 = arith.constant 0 : index
    tpu.barrier barrier_id(%barrier3A_678)
    %eq3A_679 = arith.constant 0 : i32
    %eq3A_680 = arith.cmpi eq, %arg1, %eq3A_679 : i32
    %convert_element_type3A_681 = arith.extui %eq3A_680 : i1 to i32
    %cond3A_682 = arith.constant 0 : i32
    %cond3A_683 = arith.cmpi ne, %convert_element_type3A_681, %cond3A_682 : i32
    scf.if %cond3A_683 {
      "tpu.region"() ({
        %run_scoped3A = tpu.sem_alloc : memref<!tpu.dma_semaphore, #tpu.memory_space<semaphore_mem>>
        %dma_start3A_684 = arith.constant 0 : i32
        %dma_start3A_685 = arith.constant 0 : i32
        %dma_start3A_686 = tpu.memref_slice %arg8[%arg0, %dma_start3A_684, %dma_start3A_685] : memref<2x65x48xf32, #tpu.memory_space<hbm>> -> memref<1x65x48xf32, #tpu.memory_space<hbm>>
        %dma_start3A_687 = tpu.memref_squeeze %dma_start3A_686 : memref<1x65x48xf32, #tpu.memory_space<hbm>> -> memref<65x48xf32, #tpu.memory_space<hbm>>
        tpu.enqueue_dma source(%arg16 : memref<65x48xf32, #tpu.memory_space<vmem_shared>>) target(%dma_start3A_687 : memref<65x48xf32, #tpu.memory_space<hbm>>) target_semaphore(%run_scoped3A : memref<!tpu.dma_semaphore, #tpu.memory_space<semaphore_mem>>)
        %dma_wait3A_688 = arith.constant 0 : i32
        %dma_wait3A_689 = arith.constant 0 : i32
        %dma_wait3A_690 = tpu.memref_slice %arg8[%arg0, %dma_wait3A_688, %dma_wait3A_689] : memref<2x65x48xf32, #tpu.memory_space<hbm>> -> memref<1x65x48xf32, #tpu.memory_space<hbm>>
        %dma_wait3A_691 = tpu.memref_squeeze %dma_wait3A_690 : memref<1x65x48xf32, #tpu.memory_space<hbm>> -> memref<65x48xf32, #tpu.memory_space<hbm>>
        tpu.wait_dma2 semaphore(%run_scoped3A : memref<!tpu.dma_semaphore, #tpu.memory_space<semaphore_mem>>) src(%arg16 : memref<65x48xf32, #tpu.memory_space<vmem_shared>>) dst(%dma_wait3A_691 : memref<65x48xf32, #tpu.memory_space<hbm>>)
        tpu.yield
      }) : () -> ()
    } else {
    }
    return
  }
}

module attributes {stable_mosaic.version = 14 : i64} {
  func.func @_tail_body(%arg0: memref<2x3072xf32, #tpu.memory_space<vmem>>, %arg1: memref<32x80xf32, #tpu.memory_space<vmem>>, %arg2: memref<64x3072xf32, #tpu.memory_space<vmem>>, %arg3: memref<48x3072xf32, #tpu.memory_space<vmem>>, %arg4: memref<1x48xf32, #tpu.memory_space<vmem>>, %arg5: memref<1x32x80x80xf32, #tpu.memory_space<vmem>>, %arg6: memref<1x2xf32, #tpu.memory_space<vmem>>, %arg7: memref<1x16xf32, #tpu.memory_space<vmem>>, %arg8: memref<1x48xf32, #tpu.memory_space<vmem>>, %arg9: memref<32x1xf32, #tpu.memory_space<vmem>>, %arg10: memref<1x16xf32, #tpu.memory_space<vmem>>, %arg11: memref<1x48xf32, #tpu.memory_space<vmem>>, %arg12: memref<1x48xf32, #tpu.memory_space<vmem>>, %arg13: memref<1x1xf32, #tpu.memory_space<vmem>>, %arg14: memref<32x1xf32, #tpu.memory_space<vmem>>, %arg15: memref<1x16xf32, #tpu.memory_space<vmem>>, %arg16: memref<1x48xf32, #tpu.memory_space<vmem>>, %arg17: memref<1x48xf32, #tpu.memory_space<vmem>>, %arg18: memref<1x1xf32, #tpu.memory_space<vmem>>, %arg19: memref<1x48xf32, #tpu.memory_space<vmem>>) attributes {dimension_semantics = [], scalar_prefetch = 0 : i64, scratch_operands = 0 : i64, tpu.core_type = #tpu.core_type<tc>} {
    %get3A = arith.constant 0 : index
    %get3A_0 = arith.constant 0 : index
    %get3A_1 = vector.load %arg0[%get3A, %get3A_0] : memref<2x3072xf32, #tpu.memory_space<vmem>>, vector<2x3072xf32>
    %reduce_sum3A = arith.constant dense<0.000000e+00> : vector<3072xf32>
    %reduce_sum3A_2 = vector.multi_reduction <add>, %get3A_1, %reduce_sum3A [0] : vector<2x3072xf32> to vector<3072xf32>
    %broadcast_in_dim3A = vector.shape_cast %reduce_sum3A_2 : vector<3072xf32> to vector<1x3072xf32>
    %get3A_3 = arith.constant 0 : index
    %get3A_4 = arith.constant 0 : index
    %get3A_5 = vector.load %arg1[%get3A_3, %get3A_4] : memref<32x80xf32, #tpu.memory_space<vmem>>, vector<32x80xf32>
    %reduce_sum3A_6 = arith.constant dense<0.000000e+00> : vector<80xf32>
    %reduce_sum3A_7 = vector.multi_reduction <add>, %get3A_5, %reduce_sum3A_6 [0] : vector<32x80xf32> to vector<80xf32>
    %broadcast_in_dim3A_8 = vector.shape_cast %reduce_sum3A_7 : vector<80xf32> to vector<1x80xf32>
    %slice3A = vector.extract_strided_slice %broadcast_in_dim3A_8 {offsets = [0, 0], sizes = [1, 64], strides = [1, 1]} : vector<1x80xf32> to vector<1x64xf32>
    %get3A_9 = arith.constant 0 : index
    %get3A_10 = arith.constant 0 : index
    %get3A_11 = vector.load %arg2[%get3A_9, %get3A_10] : memref<64x3072xf32, #tpu.memory_space<vmem>>, vector<64x3072xf32>
    %dot_general3A = arith.constant dense<0.000000e+00> : vector<1x3072xf32>
    %dot_general3A_12 = tpu.matmul %slice3A, %get3A_11, %dot_general3A {dimension_numbers = #tpu.dot_dimension_numbers<[1], [0], [0], [1], [0, 0, 1, 1], [], []>, transpose_lhs_hint = false} : vector<1x64xf32>, vector<64x3072xf32>, vector<1x3072xf32> -> vector<1x3072xf32>
    %gt3A = arith.constant 1.000000e+00 : f32
    %gt3A_13 = vector.broadcast %gt3A : f32 to vector<1x3072xf32>
    %gt3A_14 = arith.cmpf ogt, %dot_general3A_12, %gt3A_13 : vector<1x3072xf32>
    %max3A = arith.constant 1.000000e+00 : f32
    %max3A_15 = vector.broadcast %max3A : f32 to vector<1x3072xf32>
    %max3A_16 = arith.maximumf %dot_general3A_12, %max3A_15 : vector<1x3072xf32>
    %div3A = arith.constant 1.000000e+00 : f32
    %div3A_17 = vector.broadcast %div3A : f32 to vector<1x3072xf32>
    %div3A_18 = arith.divf %div3A_17, %max3A_16 : vector<1x3072xf32>
    %jit3A = arith.constant 1.000000e+00 : f32
    %broadcast_in_dim3A_19 = vector.broadcast %jit3A : f32 to vector<1x3072xf32>
    %select_n3A = arith.select %gt3A_14, %div3A_18, %broadcast_in_dim3A_19 : vector<1x3072xi1>, vector<1x3072xf32>
    %mul3A = arith.mulf %broadcast_in_dim3A, %select_n3A : vector<1x3072xf32>
    %get3A_20 = arith.constant 0 : index
    %get3A_21 = arith.constant 0 : index
    %get3A_22 = vector.load %arg3[%get3A_20, %get3A_21] : memref<48x3072xf32, #tpu.memory_space<vmem>>, vector<48x3072xf32>
    %dot_general3A_23 = arith.constant dense<0.000000e+00> : vector<1x48xf32>
    %dot_general3A_24 = tpu.matmul %mul3A, %get3A_22, %dot_general3A_23 {dimension_numbers = #tpu.dot_dimension_numbers<[1], [1], [0], [0], [0, 0, 1, 0], [], []>, transpose_lhs_hint = false} : vector<1x3072xf32>, vector<48x3072xf32>, vector<1x48xf32> -> vector<1x48xf32>
    %get3A_25 = arith.constant 0 : index
    %get3A_26 = arith.constant 0 : index
    %get3A_27 = vector.load %arg4[%get3A_25, %get3A_26] : memref<1x48xf32, #tpu.memory_space<vmem>>, vector<1x48xf32>
    %add3A = arith.addf %dot_general3A_24, %get3A_27 : vector<1x48xf32>
    %max3A_28 = arith.constant 0.000000e+00 : f32
    %max3A_29 = vector.broadcast %max3A_28 : f32 to vector<1x48xf32>
    %max3A_30 = arith.maximumf %add3A, %max3A_29 : vector<1x48xf32>
    %get3A_31 = arith.constant 0 : index
    %get3A_32 = arith.constant 0 : index
    %get3A_33 = vector.load %arg6[%get3A_31, %get3A_32] : memref<1x2xf32, #tpu.memory_space<vmem>>, vector<1x2xf32>
    %slice3A_34 = vector.extract_strided_slice %get3A_33 {offsets = [0, 0], sizes = [1, 1], strides = [1, 1]} : vector<1x2xf32> to vector<1x1xf32>
    %squeeze3A = vector.extract %slice3A_34[0, 0] : f32 from vector<1x1xf32>
    %convert_element_type3A = arith.fptosi %squeeze3A : f32 to i32
    %slice3A_35 = vector.extract_strided_slice %get3A_33 {offsets = [0, 1], sizes = [1, 1], strides = [1, 1]} : vector<1x2xf32> to vector<1x1xf32>
    %squeeze3A_36 = vector.extract %slice3A_35[0, 0] : f32 from vector<1x1xf32>
    %convert_element_type3A_37 = arith.fptosi %squeeze3A_36 : f32 to i32
    %sub3A = arith.constant 40 : i32
    %sub3A_38 = arith.subi %sub3A, %convert_element_type3A_37 : i32
    %iota3A = tpu.iota {dimensions = array<i32: 0>} : vector<80x80xi32>
    %eq3A = vector.broadcast %sub3A_38 : i32 to vector<80x80xi32>
    %eq3A_39 = arith.cmpi eq, %iota3A, %eq3A : vector<80x80xi32>
    %iota3A_40 = tpu.iota {dimensions = array<i32: 1>} : vector<80x80xi32>
    %eq3A_41 = vector.broadcast %convert_element_type3A : i32 to vector<80x80xi32>
    %eq3A_42 = arith.cmpi eq, %iota3A_40, %eq3A_41 : vector<80x80xi32>
    %and3A = arith.andi %eq3A_39, %eq3A_42 : vector<80x80xi1>
    %convert_element_type3A_43 = arith.extui %and3A : vector<80x80xi1> to vector<80x80xi32>
    %convert_element_type3A_44 = arith.sitofp %convert_element_type3A_43 : vector<80x80xi32> to vector<80x80xf32>
    %get3A_45 = arith.constant 0 : index
    %get3A_46 = arith.constant 0 : index
    %get3A_47 = arith.constant 0 : index
    %get3A_48 = arith.constant 0 : index
    %get3A_49 = vector.load %arg5[%get3A_45, %get3A_46, %get3A_47, %get3A_48] : memref<1x32x80x80xf32, #tpu.memory_space<vmem>>, vector<1x32x80x80xf32>
    %get3A_50 = vector.shape_cast %get3A_49 : vector<1x32x80x80xf32> to vector<32x80x80xf32>
    %broadcast_in_dim3A_51 = vector.shape_cast %convert_element_type3A_44 : vector<80x80xf32> to vector<1x80x80xf32>
    %mul3A_52 = vector.broadcast %broadcast_in_dim3A_51 : vector<1x80x80xf32> to vector<32x80x80xf32>
    %mul3A_53 = arith.mulf %get3A_50, %mul3A_52 : vector<32x80x80xf32>
    %reduce_sum3A_54 = arith.constant dense<0.000000e+00> : vector<32x80xf32>
    %reduce_sum3A_55 = vector.multi_reduction <add>, %mul3A_53, %reduce_sum3A_54 [2] : vector<32x80x80xf32> to vector<32x80xf32>
    %reduce_sum3A_56 = arith.constant dense<0.000000e+00> : vector<32xf32>
    %reduce_sum3A_57 = vector.multi_reduction <add>, %reduce_sum3A_55, %reduce_sum3A_56 [1] : vector<32x80xf32> to vector<32xf32>
    %broadcast_in_dim3A_58 = vector.shape_cast %reduce_sum3A_57 : vector<32xf32> to vector<32x1xf32>
    %get3A_59 = arith.constant 0 : index
    %get3A_60 = arith.constant 0 : index
    %get3A_61 = vector.load %arg7[%get3A_59, %get3A_60] : memref<1x16xf32, #tpu.memory_space<vmem>>, vector<1x16xf32>
    %get3A_62 = arith.constant 0 : index
    %get3A_63 = arith.constant 0 : index
    %get3A_64 = vector.load %arg8[%get3A_62, %get3A_63] : memref<1x48xf32, #tpu.memory_space<vmem>>, vector<1x48xf32>
    %get3A_65 = arith.constant 0 : index
    %get3A_66 = arith.constant 0 : index
    %get3A_67 = vector.load %arg9[%get3A_65, %get3A_66] : memref<32x1xf32, #tpu.memory_space<vmem>>, vector<32x1xf32>
    %mul3A_68 = arith.mulf %broadcast_in_dim3A_58, %get3A_67 : vector<32x1xf32>
    %reduce_sum3A_69 = vector.shape_cast %mul3A_68 : vector<32x1xf32> to vector<1x32x1xf32>
    %reduce_sum3A_70 = arith.constant dense<0.000000e+00> : vector<1xf32>
    %reduce_sum3A_71 = vector.multi_reduction <add>, %reduce_sum3A_69, %reduce_sum3A_70 [1, 2] : vector<1x32x1xf32> to vector<1xf32>
    %reduce_sum3A_72 = vector.shape_cast %reduce_sum3A_71 : vector<1xf32> to vector<1x1x1xf32>
    %reduce_sum3A_73 = vector.extract %reduce_sum3A_72[0, 0, 0] : f32 from vector<1x1x1xf32>
    %get3A_74 = arith.constant 0 : index
    %get3A_75 = arith.constant 0 : index
    %get3A_76 = vector.load %arg10[%get3A_74, %get3A_75] : memref<1x16xf32, #tpu.memory_space<vmem>>, vector<1x16xf32>
    %mul3A_77 = arith.mulf %get3A_61, %get3A_76 : vector<1x16xf32>
    %reduce_sum3A_78 = vector.shape_cast %mul3A_77 : vector<1x16xf32> to vector<1x1x16xf32>
    %reduce_sum3A_79 = arith.constant dense<0.000000e+00> : vector<1xf32>
    %reduce_sum3A_80 = vector.multi_reduction <add>, %reduce_sum3A_78, %reduce_sum3A_79 [1, 2] : vector<1x1x16xf32> to vector<1xf32>
    %reduce_sum3A_81 = vector.shape_cast %reduce_sum3A_80 : vector<1xf32> to vector<1x1x1xf32>
    %reduce_sum3A_82 = vector.extract %reduce_sum3A_81[0, 0, 0] : f32 from vector<1x1x1xf32>
    %add3A_83 = arith.addf %reduce_sum3A_73, %reduce_sum3A_82 : f32
    %get3A_84 = arith.constant 0 : index
    %get3A_85 = arith.constant 0 : index
    %get3A_86 = vector.load %arg11[%get3A_84, %get3A_85] : memref<1x48xf32, #tpu.memory_space<vmem>>, vector<1x48xf32>
    %mul3A_87 = arith.mulf %max3A_30, %get3A_86 : vector<1x48xf32>
    %reduce_sum3A_88 = vector.shape_cast %mul3A_87 : vector<1x48xf32> to vector<1x1x48xf32>
    %reduce_sum3A_89 = arith.constant dense<0.000000e+00> : vector<1xf32>
    %reduce_sum3A_90 = vector.multi_reduction <add>, %reduce_sum3A_88, %reduce_sum3A_89 [1, 2] : vector<1x1x48xf32> to vector<1xf32>
    %reduce_sum3A_91 = vector.shape_cast %reduce_sum3A_90 : vector<1xf32> to vector<1x1x1xf32>
    %reduce_sum3A_92 = vector.extract %reduce_sum3A_91[0, 0, 0] : f32 from vector<1x1x1xf32>
    %add3A_93 = arith.addf %add3A_83, %reduce_sum3A_92 : f32
    %get3A_94 = arith.constant 0 : index
    %get3A_95 = arith.constant 0 : index
    %get3A_96 = vector.load %arg12[%get3A_94, %get3A_95] : memref<1x48xf32, #tpu.memory_space<vmem>>, vector<1x48xf32>
    %mul3A_97 = arith.mulf %get3A_64, %get3A_96 : vector<1x48xf32>
    %reduce_sum3A_98 = vector.shape_cast %mul3A_97 : vector<1x48xf32> to vector<1x1x48xf32>
    %reduce_sum3A_99 = arith.constant dense<0.000000e+00> : vector<1xf32>
    %reduce_sum3A_100 = vector.multi_reduction <add>, %reduce_sum3A_98, %reduce_sum3A_99 [1, 2] : vector<1x1x48xf32> to vector<1xf32>
    %reduce_sum3A_101 = vector.shape_cast %reduce_sum3A_100 : vector<1xf32> to vector<1x1x1xf32>
    %reduce_sum3A_102 = vector.extract %reduce_sum3A_101[0, 0, 0] : f32 from vector<1x1x1xf32>
    %add3A_103 = arith.addf %add3A_93, %reduce_sum3A_102 : f32
    %get3A_104 = arith.constant 0 : index
    %get3A_105 = arith.constant 0 : index
    %get3A_106 = vector.load %arg13[%get3A_104, %get3A_105] : memref<1x1xf32, #tpu.memory_space<vmem>>, vector<1x1xf32>
    %get3A_107 = vector.extract %get3A_106[0, 0] : f32 from vector<1x1xf32>
    %add3A_108 = arith.addf %add3A_103, %get3A_107 : f32
    %get3A_109 = arith.constant 0 : index
    %get3A_110 = arith.constant 0 : index
    %get3A_111 = vector.load %arg14[%get3A_109, %get3A_110] : memref<32x1xf32, #tpu.memory_space<vmem>>, vector<32x1xf32>
    %mul3A_112 = arith.mulf %broadcast_in_dim3A_58, %get3A_111 : vector<32x1xf32>
    %reduce_sum3A_113 = vector.shape_cast %mul3A_112 : vector<32x1xf32> to vector<1x32x1xf32>
    %reduce_sum3A_114 = arith.constant dense<0.000000e+00> : vector<1xf32>
    %reduce_sum3A_115 = vector.multi_reduction <add>, %reduce_sum3A_113, %reduce_sum3A_114 [1, 2] : vector<1x32x1xf32> to vector<1xf32>
    %reduce_sum3A_116 = vector.shape_cast %reduce_sum3A_115 : vector<1xf32> to vector<1x1x1xf32>
    %reduce_sum3A_117 = vector.extract %reduce_sum3A_116[0, 0, 0] : f32 from vector<1x1x1xf32>
    %get3A_118 = arith.constant 0 : index
    %get3A_119 = arith.constant 0 : index
    %get3A_120 = vector.load %arg15[%get3A_118, %get3A_119] : memref<1x16xf32, #tpu.memory_space<vmem>>, vector<1x16xf32>
    %mul3A_121 = arith.mulf %get3A_61, %get3A_120 : vector<1x16xf32>
    %reduce_sum3A_122 = vector.shape_cast %mul3A_121 : vector<1x16xf32> to vector<1x1x16xf32>
    %reduce_sum3A_123 = arith.constant dense<0.000000e+00> : vector<1xf32>
    %reduce_sum3A_124 = vector.multi_reduction <add>, %reduce_sum3A_122, %reduce_sum3A_123 [1, 2] : vector<1x1x16xf32> to vector<1xf32>
    %reduce_sum3A_125 = vector.shape_cast %reduce_sum3A_124 : vector<1xf32> to vector<1x1x1xf32>
    %reduce_sum3A_126 = vector.extract %reduce_sum3A_125[0, 0, 0] : f32 from vector<1x1x1xf32>
    %add3A_127 = arith.addf %reduce_sum3A_117, %reduce_sum3A_126 : f32
    %get3A_128 = arith.constant 0 : index
    %get3A_129 = arith.constant 0 : index
    %get3A_130 = vector.load %arg16[%get3A_128, %get3A_129] : memref<1x48xf32, #tpu.memory_space<vmem>>, vector<1x48xf32>
    %mul3A_131 = arith.mulf %max3A_30, %get3A_130 : vector<1x48xf32>
    %reduce_sum3A_132 = vector.shape_cast %mul3A_131 : vector<1x48xf32> to vector<1x1x48xf32>
    %reduce_sum3A_133 = arith.constant dense<0.000000e+00> : vector<1xf32>
    %reduce_sum3A_134 = vector.multi_reduction <add>, %reduce_sum3A_132, %reduce_sum3A_133 [1, 2] : vector<1x1x48xf32> to vector<1xf32>
    %reduce_sum3A_135 = vector.shape_cast %reduce_sum3A_134 : vector<1xf32> to vector<1x1x1xf32>
    %reduce_sum3A_136 = vector.extract %reduce_sum3A_135[0, 0, 0] : f32 from vector<1x1x1xf32>
    %add3A_137 = arith.addf %add3A_127, %reduce_sum3A_136 : f32
    %get3A_138 = arith.constant 0 : index
    %get3A_139 = arith.constant 0 : index
    %get3A_140 = vector.load %arg17[%get3A_138, %get3A_139] : memref<1x48xf32, #tpu.memory_space<vmem>>, vector<1x48xf32>
    %mul3A_141 = arith.mulf %get3A_64, %get3A_140 : vector<1x48xf32>
    %reduce_sum3A_142 = vector.shape_cast %mul3A_141 : vector<1x48xf32> to vector<1x1x48xf32>
    %reduce_sum3A_143 = arith.constant dense<0.000000e+00> : vector<1xf32>
    %reduce_sum3A_144 = vector.multi_reduction <add>, %reduce_sum3A_142, %reduce_sum3A_143 [1, 2] : vector<1x1x48xf32> to vector<1xf32>
    %reduce_sum3A_145 = vector.shape_cast %reduce_sum3A_144 : vector<1xf32> to vector<1x1x1xf32>
    %reduce_sum3A_146 = vector.extract %reduce_sum3A_145[0, 0, 0] : f32 from vector<1x1x1xf32>
    %add3A_147 = arith.addf %add3A_137, %reduce_sum3A_146 : f32
    %get3A_148 = arith.constant 0 : index
    %get3A_149 = arith.constant 0 : index
    %get3A_150 = vector.load %arg18[%get3A_148, %get3A_149] : memref<1x1xf32, #tpu.memory_space<vmem>>, vector<1x1xf32>
    %get3A_151 = vector.extract %get3A_150[0, 0] : f32 from vector<1x1xf32>
    %add3A_152 = arith.addf %add3A_147, %get3A_151 : f32
    %neg3A = arith.constant 0.000000e+00 : f32
    %neg3A_153 = arith.subf %neg3A, %add3A_108 : f32
    %exp3A = math.exp %neg3A_153 : f32
    %add3A_154 = arith.constant 1.000000e+00 : f32
    %add3A_155 = arith.addf %add3A_154, %exp3A : f32
    %div3A_156 = arith.constant 1.000000e+00 : f32
    %div3A_157 = arith.divf %div3A_156, %add3A_155 : f32
    %tanh3A = math.tanh %add3A_152 : f32
    %sub3A_158 = arith.constant 1.000000e+00 : f32
    %sub3A_159 = arith.subf %sub3A_158, %div3A_157 : f32
    %mul3A_160 = arith.mulf %sub3A_159, %tanh3A : f32
    %mul3A_161 = vector.broadcast %div3A_157 : f32 to vector<1x48xf32>
    %mul3A_162 = arith.mulf %mul3A_161, %get3A_64 : vector<1x48xf32>
    %add3A_163 = vector.broadcast %mul3A_160 : f32 to vector<1x48xf32>
    %add3A_164 = arith.addf %add3A_163, %mul3A_162 : vector<1x48xf32>
    %swap3A = arith.constant 0 : index
    %swap3A_165 = arith.constant 0 : index
    %swap3A_166 = vector.load %arg19[%swap3A, %swap3A_165] : memref<1x48xf32, #tpu.memory_space<vmem>>, vector<1x48xf32>
    tpu.vector_store %arg19[%swap3A, %swap3A_165], %add3A_164 {strides = array<i32>} : memref<1x48xf32, #tpu.memory_space<vmem>>, vector<1x48xf32>,
    return
  }
}

</mosaic_0001>

<sc_bundles>
// kernel: kernel.4.cloned.1.call-start
scs
__scs_entry_jumppad:
0x0: {  	(pc) =	sbr.rel $0x88, $3  }
0x1: {  	(tag) =	ssettag $0x0;
	lr =	simm.s32 $0x1  }
0x2: {  	[smem:$0x3F90] =	sst lr;
	_ =	strace $0xD0000000  }
0x3: {  	_ = 	snop  }
0x4: {  	_ = 	snop  }
0x5: {  	_ = 	snop  }
0x6: {  	_ = 	snop  }
0x7: {  	_ = 	snop  }
__scs_overlays_trampoline_lowered:
0x8: {  	[smem:$0x3F9F] =	sst s0  }
0x9: {  	[smem:$0x3FA0] =	sst s1  }
0xa: {  	[smem:$0x3FA1] =	sst s2  }
0xb: {  	[smem:$0x3FA2] =	sst s3  }
0xc: {  	[smem:$0x3FA3] =	sst s4  }
0xd: {  	[smem:$0x3FA4] =	sst s5  }
0xe: {  	[smem:$0x3FA5] =	sst s6  }
0xf: {  	[smem:$0x3FA6] =	sst s7  }
0x10: {  	[smem:$0x3FA7] =	sst s8  }
0x11: {  	[smem:$0x3FA8] =	sst s9;
	s0 =	simm.s32 @!p0 $0x0  }
0x12: {  	s1 =	sld [smem:$0x3F8E];
	s0 =	simm.s32 @p0 $0x1  }
0x13: {  	[smem:$0x3FA9] =	sst s0;
	s0 =	simm.s32 @!p1 $0x0  }
0x14: {  	s2 =	sld [smem:$0x3F8D];
	s0 =	simm.s32 @p1 $0x1  }
0x15: {  	[smem:$0x3FAA] =	sst s0;
	s0 =	simm.s32 @!p2 $0x0  }
0x16: {  	s3 =	sld [smem:$0x3FDB];
	s0 =	simm.s32 @p2 $0x1  }
0x17: {  	s4 =	simm.s32 $0x1BF5;
	[smem:$0x3FAC] =	sst s0  }
0x18: {  	s0 =	sld [smem:$0x3F8F];
	_ =	swait.ge [sflag:s4], $0x0  }
0x19: {  	s7 =	sld [smem:$0x3F90]  }
0x1a: {  	s8 =	sadd.s32 $0xFFFFE003, lr  }
0x1b: {  	s9 =	sadd.s32 $0xFFFFFEF7, lr;
	s5 =	simm.s32 $0xFFFFFFFF;
	p2 =	slt.u32 s8, $0xFFFFF086  }
0x1c: {  	p1 =	slt.u32 s9, $0xF7A;
	s5 =	simm.s32 @!p2 $0x0  }
0x1d: {  	s5 =	simm.s32 @p1 $0x1;
	p0 =	seq.s32 s7, s2  }
0x1e: {  	s7 =	smul.u32 @!p0 $0xF7A, s2;
	p2 =	seq.s32 @!p0 s5, $0x0  }
0x1f: {  	s9 =	smul.u32 $0xF7A, s1;
	s8 =	simm.s32 @!p0 $0x1BF5;
	p2 =	por !p2, p0  }
0x20: {  	[sflag:s8] =	ssyncset.s32 @!p0 $0xFFFFF086;
	s6 =	sadd.s32 @!p0 s3, s7;
	s7 =	simm.s32 @!p0 $0x108  }
0x21: {  	s3 =	sadd.s32 s3, s9;
	s6 =	sadd.s32 @!p0 $0x88, s6;
	s7 =	simm.s32 @p2 $0x1082  }
0x22: {  	[simem:s7], [sflag:s8] =	dma.local @!p0 [hbm:s6], $0xF7A  }
0x23: {  	s9 =	sor.u32 $0xD0000000, s2;
	s6 =	simm.s32 $0x108;
	_ =	swait.ge @!p0 [sflag:s8], $0x0  }
0x24: {  	s3 =	sadd.s32 $0x88, s3;
	s6 =	simm.s32 @!p1 $0x1082;
	[sflag:s4] =	ssyncset.s32 $0xFFFFF086  }
0x25: {  	[simem:s6], [sflag:s4] =	dma.local [hbm:s3], $0xF7A  }
0x26: {  	[smem:$0x3F90] =	sst s1;
	(tag) =	ssettag s2;
	_ =	strace s9  }
0x27: {  	s1 =	sld [smem:$0x3FA0]  }
0x28: {  	s2 =	sld [smem:$0x3FA1]  }
0x29: {  	s4 =	sld [smem:$0x3FA3]  }
0x2a: {  	p0 =	seq.s32 s5, $0x0;
	s5 =	sld [smem:$0x3FA4]  }
0x2b: {  	s6 =	sld [smem:$0x3FA5]  }
0x2c: {  	s7 =	sld [smem:$0x3FA6]  }
0x2d: {  	s3 =	simm.s32 $0x108;
	s8 =	sld [smem:$0x3FA7]  }
0x2e: {  	s3 =	simm.s32 @!p0 $0x1082;
	s9 =	sld [smem:$0x3FA8]  }
0x2f: {  	lr =	sadd.s32 s0, s3;
	s0 =	sld [smem:$0x3F9F]  }
0x30: {  	s3 =	sld [smem:$0x3FA2]  }
0x31: {  	[smem:$0x3FAB] =	sst s10  }
0x32: {  	s10 =	sld [smem:$0x3FA9];
	_ =	sdelay $0x3  }
0x33: {  	p0 =	seq.s32 s10, $0x1;
	s10 =	sld [smem:$0x3FAB];
	_ =	sdelay $0x3  }
0x34: {  	[smem:$0x3FAB] =	sst s10  }
0x35: {  	s10 =	sld [smem:$0x3FAA];
	_ =	sdelay $0x3  }
0x36: {  	p1 =	seq.s32 s10, $0x1;
	s10 =	sld [smem:$0x3FAB];
	_ =	sdelay $0x3  }
0x37: {  	[smem:$0x3FAB] =	sst s10  }
0x38: {  	s10 =	sld [smem:$0x3FAC]  }
0x39: {  	_ = 	snop;
	(pc) =	sbr.ind lr, $3  }
0x3a: {  	_ = 	snop  }
0x3b: {  	_ = 	snop  }
0x3c: {  	p2 =	seq.s32 s10, $0x1;
	s10 =	sld [smem:$0x3FAB]  }
0x3d: {  	_ =	shalt  }
0x3e: {  	_ =	shalt  }
0x3f: {  	_ =	shalt  }
0x40: {  	_ =	shalt  }
0x41: {  	_ =	shalt  }
0x42: {  	_ =	shalt  }
0x43: {  	_ =	shalt  }
0x44: {  	_ =	shalt  }
0x45: {  	_ =	shalt  }
0x46: {  	_ =	shalt  }
0x47: {  	_ =	shalt  }
0x48: {  	_ =	shalt  }
0x49: {  	_ =	shalt  }
0x4a: {  	_ =	shalt  }
0x4b: {  	_ =	shalt  }
0x4c: {  	_ =	shalt  }
0x4d: {  	_ =	shalt  }
0x4e: {  	_ =	shalt  }
0x4f: {  	_ =	shalt  }
0x50: {  	_ =	shalt  }
0x51: {  	_ =	shalt  }
0x52: {  	_ =	shalt  }
0x53: {  	_ =	shalt  }
0x54: {  	_ =	shalt  }
0x55: {  	_ =	shalt  }
0x56: {  	_ =	shalt  }
0x57: {  	_ =	shalt  }
0x58: {  	_ =	shalt  }
0x59: {  	_ =	shalt  }
0x5a: {  	_ =	shalt  }
0x5b: {  	_ =	shalt  }
0x5c: {  	_ =	shalt  }
0x5d: {  	_ =	shalt  }
0x5e: {  	_ =	shalt  }
0x5f: {  	_ =	shalt  }
0x60: {  	_ =	shalt  }
0x61: {  	_ =	shalt  }
0x62: {  	_ =	shalt  }
0x63: {  	_ =	shalt  }
0x64: {  	_ =	shalt  }
0x65: {  	_ =	shalt  }
0x66: {  	_ =	shalt  }
0x67: {  	_ =	shalt  }
0x68: {  	_ =	shalt  }
0x69: {  	_ =	shalt  }
0x6a: {  	_ =	shalt  }
0x6b: {  	_ =	shalt  }
0x6c: {  	_ =	shalt  }
0x6d: {  	_ =	shalt  }
0x6e: {  	_ =	shalt  }
0x6f: {  	_ =	shalt  }
0x70: {  	_ =	shalt  }
0x71: {  	_ =	shalt  }
0x72: {  	_ =	shalt  }
0x73: {  	_ =	shalt  }
0x74: {  	_ =	shalt  }
0x75: {  	_ =	shalt  }
0x76: {  	_ =	shalt  }
0x77: {  	_ =	shalt  }
0x78: {  	_ =	shalt  }
0x79: {  	_ =	shalt  }
0x7a: {  	_ =	shalt  }
0x7b: {  	_ =	shalt  }
0x7c: {  	_ =	shalt  }
0x7d: {  	_ =	shalt  }
0x7e: {  	_ =	shalt  }
0x7f: {  	_ =	shalt  }
0x80: {  	_ =	shalt  }
0x81: {  	_ =	shalt  }
0x82: {  	_ =	shalt  }
0x83: {  	_ =	shalt  }
0x84: {  	_ =	shalt  }
0x85: {  	_ =	shalt  }
0x86: {  	_ =	shalt  }
0x87: {  	_ =	shalt  }
.Lfunc_end0:
.L_simem_size_0:
called_computation_lowered:
.L_overlay_start_0:
0x88: {  	s2 =	sld [smem:$0x3FD9]  }
0x89: {  	s3 =	sld [smem:$0x3FFE];
	_ =	sdelay $0x1  }
0x8a: {  	s1 =	srdreg.scid  }
0x8b: {  	s0 =	sand.u32 $0x1, s1  }
0x8c: {  	s17 =	sshll.u32 s0, $0xA;
	s2 =	sadd.s32 s3, s2  }
0x8d: {  	s2 =	sadd.s32 s2, s17  }
0x8e: {  	[smem:$0x3FB7] =	sst s2  }
0x8f: {  	_ = 	snop  }
0x90: {  	s2 =	sld [smem:$0x3FD0];
	(tm) =	ssettm $0x1  }
0x91: {  	s18 =	sld [smem:$0x3FFB];
	_ =	sdelay $0x3  }
0x92: {  	_ =	strace s18  }
0x93: {  	s3 =	sld [smem:$0x3FFC];
	_ =	sdelay $0x3  }
0x94: {  	_ =	strace s3  }
0x95: {  	s3 =	sld [smem:$0x3FFD];
	_ =	sdelay $0x3  }
0x96: {  	_ =	strace s3  }
0x97: {  	_ =	strace $0x8FFFFFFF  }
0x98: {  	s19 =	sld [smem:$0x3FDB];
	_ =	sdelay $0x1  }
0x99: {  	s4 =	simm.s32 $_scs_section_size  }
0x9a: {  	s5 =	simm.s32 $_size__tile_overlayer_lowered;
	s6 =	simm.s32 $_tile_overlayer_lowered  }
0x9b: {  	s22 =	simm.s32 $0x1BFF;
	s21 =	sshll.u32 s6, $0x1;
	s3 =	sadd.s32 s4, s19  }
0x9c: {  	s7 =	simm.s32 $0x0;
	s20 =	sshll.u32 s5, $0x1;
	s5 =	sadd.s32 s21, s3  }
0x9d: {  	[timem:s7], [sflag:s22] =	dma.local [hbm:s5], s20  }
0x9e: {  	_ =	swait.ge [sflag:s22], s20  }
0x9f: {  	s4 =	ssub.s32 $0x0, s20;
	[sflag:s22] =	ssyncset.done $0x0  }
0xa0: {  	[sflag:s22] =	ssyncadd.s32 s4;
	_ =	sdelay $0x1  }
0xa1: {  	s23 =	simm.s32 $0x1B8B  }
0xa2: {  	_ =	swait.ge [sflag:s23], $0x1  }
0xa3: {  	[sflag:s23] =	ssyncset.done $0x0  }
0xa4: {  	s25 =	simm.s32 $0x1B8E;
	s24 =	sld [smem:$0x3FFE];
	[sflag:s23] =	ssyncadd.s32 $0xFFFFFFFF  }
0xa5: {  	s26 =	simm.s32 $execute0_lowered;
	[smem:$0x3FD2] =	sst s25  }
0xa6: {  	s5 =	sshll.u32 s26, $0x1;
	_ =	strace $0x80000046;
	[dreg:$0x1] =	wrdreg $0xFFFFFFFF  }
0xa7: {  	s28 =	simm.s32 $_size_execute0_lowered;
	s3 =	sadd.s32 s3, s5;
	[dreg:$0x0] =	wrdreg $0x0  }
0xa8: {  	s5 =	sshll.u32 s28, $0x1;
	[dreg:$0x2] =	wrdreg s3  }
0xa9: {  	[dreg:$0x3] =	wrdreg s5  }
0xaa: {  	[dreg:$0x4] =	wrdreg $0xC0  }
0xab: {  	_ =	task [dreg:s7], $0x5FFFF  }
0xac: {  	[dreg:$0x1] =	wrdreg $0xFFFFFFFF  }
0xad: {  	[dreg:$0x0] =	wrdreg $0x60  }
0xae: {  	[dreg:$0x2] =	wrdreg s24  }
0xaf: {  	[dreg:$0x3] =	wrdreg s2  }
0xb0: {  	[dreg:$0x4] =	wrdreg $0x13ED00  }
0xb1: {  	[dreg:$0x5] =	wrdreg $0x9  }
0xb2: {  	_ =	task.clear_ibuf [dreg:s7], $0x6FFFF;
	_ =	strace $0x90000046  }
0xb3: {  	s29 =	simm.s32 $0x9;
	_ =	strace $0x80000048  }
0xb4: {  	_ =	swait.ge [sflag:s29], $0x1  }
0xb5: {  	[sflag:s29] =	ssyncadd.s32 $0xFFFFFFFF  }
0xb6: {  	_ =	strace $0x90000048  }
0xb7: {  	_ =	sfence  }
0xb8: {  	s30 =	sld [smem:$0x0];
	_ =	sdelay $0x2  }
0xb9: {  	s31 =	sshll.u32 s1, $0xD;
	s1 =	sshrl.u32 s1, $0x2  }
0xba: {  	s3 =	sand.u32 $0x4000, s31;
	s1 =	sadd.s32 s1, s30  }
0xbb: {  	s0 =	sor.u32 s3, s0;
	s1 =	sshll.u32 s1, $0x11  }
0xbc: {  	s0 =	sor.u32 s1, s0  }
0xbd: {  	s0 =	sadd.s32 $0x8F2B, s0  }
0xbe: {  	[sflag:s0] =	ssyncadd.remote.s32 $0x1  }
0xbf: {  	_ =	sfence.sel $0xFFFF  }
0xc0: {  	[dreg:$0x0] =	wrdreg $0xFFFFFFFF;
	(pc) =	sbr.abs _section_cstart, $3  }
0xc1: {  	[dreg:$0x1] =	wrdreg $0xFFFFFFFF  }
0xc2: {  	_ =	task.clear_ibuf [dreg:s7], $0x2FFFF;
	_ =	strace $0x9FFFFFFF  }
0xc3: {  	(tm) =	ssettm $0x7FFFFFFF  }
tec
execute0_lowered:
.L_overlay_start_1:
0x0: {  	(tag) =	ssettag $0x1  }
0x1: {  	s0 =	rddreg [dreg:$0x0];
	s1 =	srdreg.scid  }
0x2: {  	s5 =	stileid.u32;
	s2 =	rddreg [dreg:$0x2];
	s13 =	simm.s32 $0x3  }
0x3: {  	s14 =	simm.s32 $0x70;
	s15 =	simm.s32 $0x1880;
	s17 =	simm.s32 $0x2D80  }
0x4: {  	s19 =	simm.s32 $0x4280;
	s21 =	simm.s32 $0x5780;
	s23 =	simm.s32 $0x6C80  }
0x5: {  	s28 =	simm.s32 $0x9680;
	s30 =	simm.s32 $0xAB80;
	s16 =	simm.s32 $0xD580  }
0x6: {  	s20 =	simm.s32 $0xEA80;
	s24 =	simm.s32 $0xFF80;
	s29 =	simm.s32 $0x11480  }
0x7: {  	s22 =	simm.s32 $0x13E80;
	s31 =	simm.s32 $0x2;
	s18 =	simm.s32 $0x0  }
0x8: {  	s1 =	sand.u32 $0x1, s1;
	s3 =	sshll.u32 s5, $0x1;
	s9 =	sadd.s32 $0x50000, s0  }
0x9: {  	p0 =	sne.s32 s5, $0x0;
	s4 =	sor.u32 s1, s3;
	s7 =	smul.u32 $0x186, s1  }
0xa: {  	s3 =	simm.s32 $0x0;
	s1 =	ssub.s32 $0x2, s1;
	s6 =	smul.u32 $0xC4, s4  }
0xb: {  	[smem:$0x7FF] =	sst s3;
	s8 =	smul.u32 $0xA, s4;
	s4 =	sadd.s32 $0x5200, s0  }
0xc: {  	s25 =	sshrl.u32 s1, $0x1;
	_ =	strace $0x80000047;
	[dreg:$0x4] =	wrdreg s9  }
0xd: {  	s10 =	sadd.s32 s7, s0;
	s1 =	ssub.s32 s1, s25;
	s25 =	simm.s32 $0x8180  }
0xe: {  	s6 =	sadd.s32 s6, s0;
	s0 =	sadd.s32 s8, s0;
	s10 =	sadd.s32 $0x50200, s10  }
0xf: {  	s11 =	smax.u32 s1, $0x1;
	s1 =	simm.s32 $0x12980;
	s26 =	sadd.s32 $0x4E600, s6  }
0x10: {  	s7 =	sadd.s32 $0x3800, s6;
	s8 =	sadd.s32 $0x1E00, s6;
	s9 =	sadd.s32 $0x50600, s0  }
0x11: {  	v0 =	vimm.s32 $0x0;
	v1 =	vimm.f32 $1.000000000e+00;
	s0 =	simm.s32 $0xC080;
	[dreg:$0x5] =	wrdreg s26;
	s26 =	simm.s32 $0x1  }
.LBB2_1:
0x12: {  	s5 =	rddreg [dreg:$0x5];
	s6 =	simm.s32 $0xC40  }
0x13: {  	[tilespmem:s6], [sflag:$0x3] =	stream.linear.gather [hbm4b:s5+s3], $0x620, $0x38;
	[tilespmem:$0x13F98] =	vst v63  }
0x14: {  	_ =	swait.ge [sflag:s13], $0x620  }
0x15: {  	[sflag:s13] =	ssyncset.done $0x0  }
0x16: {  	[sflag:s13] =	ssyncadd.s32 $0xFFFFF9E0  }
0x17: {  	[tilespmem:s15], [sflag:$0x1] =	stream.indirect.gather [hbm4b:s4+s14], $0x30, s6, s14, $0xb8;
	[tilespmem:$0x13F98] =	vst v63  }
0x18: {  	s6 =	simm.s32 $0xCB0  }
0x19: {  	[tilespmem:s17], [sflag:$0x1] =	stream.indirect.gather [hbm4b:s4+s14], $0x30, s6, s14, $0xb8;
	[tilespmem:$0x13F98] =	vst v63  }
0x1a: {  	s12 =	simm.s32 $0xD20  }
0x1b: {  	[tilespmem:s19], [sflag:$0x1] =	stream.indirect.gather [hbm4b:s4+s14], $0x30, s12, s14, $0xb8;
	[tilespmem:$0x13F98] =	vst v63  }
0x1c: {  	s6 =	simm.s32 $0xD90  }
0x1d: {  	[tilespmem:s21], [sflag:$0x1] =	stream.indirect.gather [hbm4b:s4+s14], $0x30, s6, s14, $0xb8;
	[tilespmem:$0x13F98] =	vst v63  }
0x1e: {  	s12 =	simm.s32 $0xE00  }
0x1f: {  	[tilespmem:s23], [sflag:$0x1] =	stream.indirect.gather [hbm4b:s4+s14], $0x30, s12, s14, $0xb8;
	[tilespmem:$0x13F98] =	vst v63  }
0x20: {  	s6 =	simm.s32 $0xE70  }
0x21: {  	[tilespmem:s25], [sflag:$0x1] =	stream.indirect.gather [hbm4b:s4+s14], $0x30, s6, s14, $0xb8;
	[tilespmem:$0x13F98] =	vst v63  }
0x22: {  	s12 =	simm.s32 $0xEE0  }
0x23: {  	[tilespmem:s28], [sflag:$0x1] =	stream.indirect.gather [hbm4b:s4+s14], $0x30, s12, s14, $0xb8;
	[tilespmem:$0x13F98] =	vst v63  }
0x24: {  	s6 =	simm.s32 $0xF50  }
0x25: {  	[tilespmem:s30], [sflag:$0x1] =	stream.indirect.gather [hbm4b:s4+s14], $0x30, s6, s14, $0xb8;
	[tilespmem:$0x13F98] =	vst v63  }
0x26: {  	s12 =	simm.s32 $0xFC0  }
0x27: {  	[tilespmem:s0], [sflag:$0x1] =	stream.indirect.gather [hbm4b:s4+s14], $0x30, s12, s14, $0xb8;
	[tilespmem:$0x13F98] =	vst v63  }
0x28: {  	s6 =	simm.s32 $0x1030  }
0x29: {  	[tilespmem:s16], [sflag:$0x1] =	stream.indirect.gather [hbm4b:s4+s14], $0x30, s6, s14, $0xb8;
	[tilespmem:$0x13F98] =	vst v63  }
0x2a: {  	s12 =	simm.s32 $0x10A0  }
0x2b: {  	[tilespmem:s20], [sflag:$0x1] =	stream.indirect.gather [hbm4b:s4+s14], $0x30, s12, s14, $0xb8;
	[tilespmem:$0x13F98] =	vst v63  }
0x2c: {  	s6 =	simm.s32 $0x1110  }
0x2d: {  	[tilespmem:s24], [sflag:$0x1] =	stream.indirect.gather [hbm4b:s4+s14], $0x30, s6, s14, $0xb8;
	[tilespmem:$0x13F98] =	vst v63  }
0x2e: {  	s12 =	simm.s32 $0x1180  }
0x2f: {  	[tilespmem:s29], [sflag:$0x1] =	stream.indirect.gather [hbm4b:s4+s14], $0x30, s12, s14, $0xb8;
	[tilespmem:$0x13F98] =	vst v63  }
0x30: {  	s6 =	simm.s32 $0x11F0  }
0x31: {  	[tilespmem:s1], [sflag:$0x1] =	stream.indirect.gather [hbm4b:s4+s14], $0x30, s6, s14, $0xb8;
	[tilespmem:$0x13F98] =	vst v63  }
0x32: {  	s5 =	sshrl.u32 @!p0 s2, $0x3;
	s12 =	rddreg [dreg:$0x4];
	s6 =	simm.s32 @!p0 $0x1C03  }
0x33: {  	[spmem:s5], [sflag:s6] =	dma.local @!p0 [hbm:s12], $0x186  }
0x34: {  	s6 =	simm.s32 @!p0 $0x3  }
0x35: {  	_ =	swait.ge @!p0 [sflag:s6], $0x186  }
0x36: {  	[sflag:s6] =	ssyncset.done @!p0 $0x0  }
0x37: {  	[sflag:s6] =	ssyncadd.s32 @!p0 $0xFFFFFE7A  }
0x38: {  	[tilespmem:s3], [sflag:$0x3] =	stream.linear.gather [hbm4b:s7+s3], $0x620, $0x38;
	[tilespmem:$0x13F98] =	vst v63  }
0x39: {  	_ =	swait.ge [sflag:s13], $0x620  }
0x3a: {  	[sflag:s13] =	ssyncset.done $0x0  }
0x3b: {  	s12 =	simm.s32 $0x620;
	[sflag:s13] =	ssyncadd.s32 $0xFFFFF9E0  }
0x3c: {  	[tilespmem:s12], [sflag:$0x3] =	stream.linear.gather [hbm4b:s8+s3], $0x620, $0x38;
	[tilespmem:$0x13F98] =	vst v63  }
0x3d: {  	_ =	swait.ge [sflag:s13], $0x620  }
0x3e: {  	[sflag:s13] =	ssyncset.done $0x0  }
0x3f: {  	[sflag:s13] =	ssyncadd.s32 $0xFFFFF9E0  }
0x40: {  	s12 =	rddreg [dreg:$0x1]  }
0x41: {  	[tilespmem:s22], [sflag:$0x3] =	stream.linear.gather [hbm4b:s12+s3], $0x50, $0x38;
	[tilespmem:$0x13F98] =	vst v63  }
0x42: {  	_ =	swait.ge [sflag:s13], $0x50  }
0x43: {  	[sflag:s13] =	ssyncset.done $0x0  }
0x44: {  	s12 =	simm.s32 $0x0;
	[sflag:s13] =	ssyncadd.s32 $0xFFFFFFB0  }
.LBB2_2:
0x45: {  	s6 =	sshra.s32 s12, $0x2  }
0x46: {  	v2 =	vld [tilespmem:s6+$0x0]  }
0x47: {  	v3 =	vld [tilespmem:s6+$0x620];
	_ =	sdelay $0x4  }
0x48: {  	v4 =	vmul.f32 v2, v2;
	v5 =	vmul.f32 v3, v3;
	vm0 =	vlt.f32 v2, v3  }
0x49: {  	vm4 =	vle.f32 v2, $0.0e+00;
	vm1 =	vlt.f32 v2, $0.0e+00;
	v7 =	vxor.u32 $0x80000000, v3  }
0x4a: {  	vm8 =	vlt.f32 v3, $0.0e+00;
	v6 =	vsel vm0, $0x1, v0;
	v8 =	vsel vm4, $0x1, v0  }
0x4b: {  	v9 =	vsel vm1, $0x1, v0;
	vm5 =	vle.f32 v2, v7;
	vm6 =	vlt.f32 v2, v7  }
0x4c: {  	v5 =	vadd.f32 v5, v4;
	v4 =	vmul.f32 $1.000000120e+00, v4;
	v10 =	vsel vm5, $0x1, v0  }
0x4d: {  	v2 =	vsel vm6, $0x1, v0;
	v14 =	vadd.s32 v9, v6;
	v3 =	vadd.s32 v8, v6  }
0x4e: {  	v2 =	vadd.s32 v2, v14;
	v3 =	vadd.s32 v10, v3;
	vm2 =	vle.f32 v5, v4  }
0x4f: {  	vm9 =	vge.f32 v5, $6.250000000e-02;
	vm10 =	vge.f32 v5, $2.500000000e-01;
	vm11 =	vge.f32 v5, $5.625000000e-01  }
0x50: {  	vm12 =	vge.f32 v5, $1.000000000e+00;
	v16 =	vsel vm9, $0x1, v0;
	v17 =	vsel vm10, $0x1, v0  }
0x51: {  	vm13 =	vge.f32 v5, $1.562500000e+00;
	v18 =	vsel vm11, $0x1, v0;
	v4 =	vadd.s32 v17, v16  }
0x52: {  	vm14 =	vge.f32 v5, $2.250000000e+00;
	v19 =	vsel vm12, $0x1, v0;
	v4 =	vadd.s32 v18, v4  }
0x53: {  	vm15 =	vge.f32 v5, $3.062500000e+00;
	v20 =	vsel vm13, $0x1, v0;
	v4 =	vadd.s32 v19, v4  }
0x54: {  	vm7 =	vmand vm1, vm2;
	v21 =	vsel vm14, $0x1, v0;
	v4 =	vadd.s32 v20, v4  }
0x55: {  	v22 =	vsel vm15, $0x1, v0;
	v15 =	vsel vm7, $0x1, v0;
	v4 =	vadd.s32 v21, v4  }
0x56: {  	v2 =	vxor.u32 $0x7, v2;
	v3 =	vadd.s32 v15, v3;
	v4 =	vadd.s32 v22, v4  }
0x57: {  	v2 =	vsel vm8, v2, v3;
	v3 =	vshll.u32 v4, $0x3  }
0x58: {  	vm4 =	vle.f32 v5, $4.000000000e+00;
	v2 =	vadd.s32 v2, v3  }
0x59: {  	v2 =	vnsel vm4, $0x40, v2;
	_ =	sdelay $0x3  }
0x5a: {  	[tilespmem:s6+$0x1260] =	vst v2  }
0x5b: {  	[tilespmem:v2+s22+$0x0] =	vst.idx.add.f32.msk $0xffff, v1  }
0x5c: {  	v2 =	vld [tilespmem:s6+$0x10]  }
0x5d: {  	v3 =	vld [tilespmem:s6+$0x630];
	_ =	sdelay $0x4  }
0x5e: {  	v23 =	vmul.f32 v2, v2;
	v24 =	vmul.f32 v3, v3;
	vm5 =	vlt.f32 v2, v3  }
0x5f: {  	vm6 =	vle.f32 v2, $0.0e+00;
	vm7 =	vlt.f32 v2, $0.0e+00;
	v26 =	vxor.u32 $0x80000000, v3  }
0x60: {  	vm12 =	vlt.f32 v3, $0.0e+00;
	v25 =	vsel vm5, $0x1, v0;
	v27 =	vsel vm6, $0x1, v0  }
0x61: {  	v28 =	vsel vm7, $0x1, v0;
	vm8 =	vle.f32 v2, v26;
	vm9 =	vlt.f32 v2, v26  }
0x62: {  	v5 =	vadd.f32 v24, v23;
	v4 =	vmul.f32 $1.000000120e+00, v23;
	v29 =	vsel vm8, $0x1, v0  }
0x63: {  	v2 =	vsel vm9, $0x1, v0;
	v30 =	vadd.s32 v28, v25;
	v3 =	vadd.s32 v27, v25  }
0x64: {  	v2 =	vadd.s32 v2, v30;
	v3 =	vadd.s32 v29, v3;
	vm10 =	vle.f32 v5, v4  }
0x65: {  	vm13 =	vge.f32 v5, $6.250000000e-02;
	vm14 =	vge.f32 v5, $2.500000000e-01;
	vm15 =	vge.f32 v5, $5.625000000e-01  }
0x66: {  	vm4 =	vge.f32 v5, $1.000000000e+00;
	v32 =	vsel vm13, $0x1, v0;
	v33 =	vsel vm14, $0x1, v0  }
0x67: {  	vm5 =	vge.f32 v5, $1.562500000e+00;
	v34 =	vsel vm15, $0x1, v0;
	v4 =	vadd.s32 v33, v32  }
0x68: {  	vm6 =	vge.f32 v5, $2.250000000e+00;
	v35 =	vsel vm4, $0x1, v0;
	v4 =	vadd.s32 v34, v4  }
0x69: {  	vm11 =	vmand vm7, vm10;
	v36 =	vsel vm5, $0x1, v0;
	v4 =	vadd.s32 v35, v4  }
0x6a: {  	v37 =	vsel vm6, $0x1, v0;
	vm7 =	vge.f32 v5, $3.062500000e+00;
	v4 =	vadd.s32 v36, v4  }
0x6b: {  	v31 =	vsel vm11, $0x1, v0;
	v38 =	vsel vm7, $0x1, v0;
	v4 =	vadd.s32 v37, v4  }
0x6c: {  	v2 =	vxor.u32 $0x7, v2;
	v3 =	vadd.s32 v31, v3;
	v4 =	vadd.s32 v38, v4  }
0x6d: {  	v2 =	vsel vm12, v2, v3;
	v3 =	vshll.u32 v4, $0x3  }
0x6e: {  	vm8 =	vle.f32 v5, $4.000000000e+00;
	v2 =	vadd.s32 v2, v3  }
0x6f: {  	v2 =	vnsel vm8, $0x40, v2;
	_ =	sdelay $0x3  }
0x70: {  	[tilespmem:s6+$0x1270] =	vst v2  }
0x71: {  	[tilespmem:v2+s22+$0x0] =	vst.idx.add.f32.msk $0xffff, v1  }
0x72: {  	v2 =	vld [tilespmem:s6+$0x20]  }
0x73: {  	v3 =	vld [tilespmem:s6+$0x640];
	_ =	sdelay $0x4  }
0x74: {  	v39 =	vmul.f32 v2, v2;
	v40 =	vmul.f32 v3, v3;
	vm9 =	vlt.f32 v2, v3  }
0x75: {  	vm10 =	vle.f32 v2, $0.0e+00;
	vm11 =	vlt.f32 v2, $0.0e+00;
	v42 =	vxor.u32 $0x80000000, v3  }
0x76: {  	vm4 =	vlt.f32 v3, $0.0e+00;
	v41 =	vsel vm9, $0x1, v0;
	v43 =	vsel vm10, $0x1, v0  }
0x77: {  	v44 =	vsel vm11, $0x1, v0;
	vm12 =	vle.f32 v2, v42;
	vm13 =	vlt.f32 v2, v42  }
0x78: {  	v5 =	vadd.f32 v40, v39;
	v4 =	vmul.f32 $1.000000120e+00, v39;
	v45 =	vsel vm12, $0x1, v0  }
0x79: {  	v2 =	vsel vm13, $0x1, v0;
	v46 =	vadd.s32 v44, v41;
	v3 =	vadd.s32 v43, v41  }
0x7a: {  	v2 =	vadd.s32 v2, v46;
	v3 =	vadd.s32 v45, v3;
	vm14 =	vle.f32 v5, v4  }
0x7b: {  	vm5 =	vge.f32 v5, $6.250000000e-02;
	vm6 =	vge.f32 v5, $2.500000000e-01;
	vm7 =	vge.f32 v5, $5.625000000e-01  }
0x7c: {  	vm8 =	vge.f32 v5, $1.000000000e+00;
	v48 =	vsel vm5, $0x1, v0;
	v49 =	vsel vm6, $0x1, v0  }
0x7d: {  	vm9 =	vge.f32 v5, $1.562500000e+00;
	v50 =	vsel vm7, $0x1, v0;
	v4 =	vadd.s32 v49, v48  }
0x7e: {  	vm10 =	vge.f32 v5, $2.250000000e+00;
	v51 =	vsel vm8, $0x1, v0;
	v4 =	vadd.s32 v50, v4  }
0x7f: {  	vm15 =	vmand vm11, vm14;
	v52 =	vsel vm9, $0x1, v0;
	v4 =	vadd.s32 v51, v4  }
0x80: {  	v53 =	vsel vm10, $0x1, v0;
	vm11 =	vge.f32 v5, $3.062500000e+00;
	v4 =	vadd.s32 v52, v4  }
0x81: {  	v47 =	vsel vm15, $0x1, v0;
	v54 =	vsel vm11, $0x1, v0;
	v4 =	vadd.s32 v53, v4  }
0x82: {  	v2 =	vxor.u32 $0x7, v2;
	v3 =	vadd.s32 v47, v3;
	v4 =	vadd.s32 v54, v4  }
0x83: {  	v2 =	vsel vm4, v2, v3;
	v3 =	vshll.u32 v4, $0x3  }
0x84: {  	vm12 =	vle.f32 v5, $4.000000000e+00;
	v2 =	vadd.s32 v2, v3  }
0x85: {  	v2 =	vnsel vm12, $0x40, v2;
	_ =	sdelay $0x3  }
0x86: {  	[tilespmem:s6+$0x1280] =	vst v2  }
0x87: {  	[tilespmem:v2+s22+$0x0] =	vst.idx.add.f32.msk $0xffff, v1  }
0x88: {  	v2 =	vld [tilespmem:s6+$0x30]  }
0x89: {  	v3 =	vld [tilespmem:s6+$0x650];
	_ =	sdelay $0x4  }
0x8a: {  	v55 =	vmul.f32 v2, v2;
	v56 =	vmul.f32 v3, v3;
	vm13 =	vlt.f32 v2, v3  }
0x8b: {  	vm14 =	vle.f32 v2, $0.0e+00;
	vm15 =	vlt.f32 v2, $0.0e+00;
	v58 =	vxor.u32 $0x80000000, v3  }
0x8c: {  	vm8 =	vlt.f32 v3, $0.0e+00;
	v57 =	vsel vm13, $0x1, v0;
	v59 =	vsel vm14, $0x1, v0  }
0x8d: {  	v60 =	vsel vm15, $0x1, v0;
	vm4 =	vle.f32 v2, v58;
	vm5 =	vlt.f32 v2, v58  }
0x8e: {  	v5 =	vadd.f32 v56, v55;
	v4 =	vmul.f32 $1.000000120e+00, v55;
	v61 =	vsel vm4, $0x1, v0  }
0x8f: {  	v2 =	vsel vm5, $0x1, v0;
	v62 =	vadd.s32 v60, v57;
	v3 =	vadd.s32 v59, v57  }
0x90: {  	v2 =	vadd.s32 v2, v62;
	v3 =	vadd.s32 v61, v3;
	vm6 =	vle.f32 v5, v4  }
0x91: {  	vm9 =	vge.f32 v5, $6.250000000e-02;
	vm10 =	vge.f32 v5, $2.500000000e-01;
	vm11 =	vge.f32 v5, $5.625000000e-01  }
0x92: {  	vm12 =	vge.f32 v5, $1.000000000e+00;
	v9 =	vsel vm9, $0x1, v0;
	v11 =	vsel vm10, $0x1, v0  }
0x93: {  	vm13 =	vge.f32 v5, $1.562500000e+00;
	v12 =	vsel vm11, $0x1, v0;
	v4 =	vadd.s32 v11, v9  }
0x94: {  	vm14 =	vge.f32 v5, $2.250000000e+00;
	v13 =	vsel vm12, $0x1, v0;
	v4 =	vadd.s32 v12, v4  }
0x95: {  	vm7 =	vmand vm15, vm6;
	v14 =	vsel vm13, $0x1, v0;
	v4 =	vadd.s32 v13, v4  }
0x96: {  	v15 =	vsel vm14, $0x1, v0;
	vm15 =	vge.f32 v5, $3.062500000e+00;
	v4 =	vadd.s32 v14, v4  }
0x97: {  	v63 =	vsel vm7, $0x1, v0;
	v16 =	vsel vm15, $0x1, v0;
	v4 =	vadd.s32 v15, v4  }
0x98: {  	v2 =	vxor.u32 $0x7, v2;
	v3 =	vadd.s32 v63, v3;
	v4 =	vadd.s32 v16, v4  }
0x99: {  	v2 =	vsel vm8, v2, v3;
	v3 =	vshll.u32 v4, $0x3  }
0x9a: {  	vm4 =	vle.f32 v5, $4.000000000e+00;
	v2 =	vadd.s32 v2, v3  }
0x9b: {  	v2 =	vnsel vm4, $0x40, v2;
	_ =	sdelay $0x3  }
0x9c: {  	[tilespmem:s6+$0x1290] =	vst v2  }
0x9d: {  	[tilespmem:v2+s22+$0x0] =	vst.idx.add.f32.msk $0xffff, v1  }
0x9e: {  	v2 =	vld [tilespmem:s6+$0x40]  }
0x9f: {  	v3 =	vld [tilespmem:s6+$0x660];
	_ =	sdelay $0x4  }
0xa0: {  	v17 =	vmul.f32 v2, v2;
	v18 =	vmul.f32 v3, v3;
	vm5 =	vlt.f32 v2, v3  }
0xa1: {  	vm6 =	vle.f32 v2, $0.0e+00;
	vm7 =	vlt.f32 v2, $0.0e+00;
	v20 =	vxor.u32 $0x80000000, v3  }
0xa2: {  	vm12 =	vlt.f32 v3, $0.0e+00;
	v19 =	vsel vm5, $0x1, v0;
	v21 =	vsel vm6, $0x1, v0  }
0xa3: {  	v22 =	vsel vm7, $0x1, v0;
	vm8 =	vle.f32 v2, v20;
	vm9 =	vlt.f32 v2, v20  }
0xa4: {  	v5 =	vadd.f32 v18, v17;
	v4 =	vmul.f32 $1.000000120e+00, v17;
	v23 =	vsel vm8, $0x1, v0  }
0xa5: {  	v2 =	vsel vm9, $0x1, v0;
	v24 =	vadd.s32 v22, v19;
	v3 =	vadd.s32 v21, v19  }
0xa6: {  	v2 =	vadd.s32 v2, v24;
	v3 =	vadd.s32 v23, v3;
	vm10 =	vle.f32 v5, v4  }
0xa7: {  	vm13 =	vge.f32 v5, $6.250000000e-02;
	vm14 =	vge.f32 v5, $2.500000000e-01;
	vm15 =	vge.f32 v5, $5.625000000e-01  }
0xa8: {  	vm4 =	vge.f32 v5, $1.000000000e+00;
	v26 =	vsel vm13, $0x1, v0;
	v27 =	vsel vm14, $0x1, v0  }
0xa9: {  	vm5 =	vge.f32 v5, $1.562500000e+00;
	v28 =	vsel vm15, $0x1, v0;
	v4 =	vadd.s32 v27, v26  }
0xaa: {  	vm6 =	vge.f32 v5, $2.250000000e+00;
	v29 =	vsel vm4, $0x1, v0;
	v4 =	vadd.s32 v28, v4  }
0xab: {  	vm11 =	vmand vm7, vm10;
	v30 =	vsel vm5, $0x1, v0;
	v4 =	vadd.s32 v29, v4  }
0xac: {  	v31 =	vsel vm6, $0x1, v0;
	vm7 =	vge.f32 v5, $3.062500000e+00;
	v4 =	vadd.s32 v30, v4  }
0xad: {  	v25 =	vsel vm11, $0x1, v0;
	v32 =	vsel vm7, $0x1, v0;
	v4 =	vadd.s32 v31, v4  }
0xae: {  	v2 =	vxor.u32 $0x7, v2;
	v3 =	vadd.s32 v25, v3;
	v4 =	vadd.s32 v32, v4  }
0xaf: {  	v2 =	vsel vm12, v2, v3;
	v3 =	vshll.u32 v4, $0x3  }
0xb0: {  	vm8 =	vle.f32 v5, $4.000000000e+00;
	v2 =	vadd.s32 v2, v3  }
0xb1: {  	v2 =	vnsel vm8, $0x40, v2;
	_ =	sdelay $0x3  }
0xb2: {  	[tilespmem:s6+$0x12A0] =	vst v2  }
0xb3: {  	[tilespmem:v2+s22+$0x0] =	vst.idx.add.f32.msk $0xffff, v1  }
0xb4: {  	v2 =	vld [tilespmem:s6+$0x50]  }
0xb5: {  	v3 =	vld [tilespmem:s6+$0x670];
	_ =	sdelay $0x4  }
0xb6: {  	v33 =	vmul.f32 v2, v2;
	v34 =	vmul.f32 v3, v3;
	vm9 =	vlt.f32 v2, v3  }
0xb7: {  	vm10 =	vle.f32 v2, $0.0e+00;
	vm11 =	vlt.f32 v2, $0.0e+00;
	v36 =	vxor.u32 $0x80000000, v3  }
0xb8: {  	vm4 =	vlt.f32 v3, $0.0e+00;
	v35 =	vsel vm9, $0x1, v0;
	v37 =	vsel vm10, $0x1, v0  }
0xb9: {  	v38 =	vsel vm11, $0x1, v0;
	vm12 =	vle.f32 v2, v36;
	vm13 =	vlt.f32 v2, v36  }
0xba: {  	v5 =	vadd.f32 v34, v33;
	v4 =	vmul.f32 $1.000000120e+00, v33;
	v39 =	vsel vm12, $0x1, v0  }
0xbb: {  	v2 =	vsel vm13, $0x1, v0;
	v40 =	vadd.s32 v38, v35;
	v3 =	vadd.s32 v37, v35  }
0xbc: {  	v2 =	vadd.s32 v2, v40;
	v3 =	vadd.s32 v39, v3;
	vm14 =	vle.f32 v5, v4  }
0xbd: {  	vm5 =	vge.f32 v5, $6.250000000e-02;
	vm6 =	vge.f32 v5, $2.500000000e-01;
	vm7 =	vge.f32 v5, $5.625000000e-01  }
0xbe: {  	vm8 =	vge.f32 v5, $1.000000000e+00;
	v42 =	vsel vm5, $0x1, v0;
	v43 =	vsel vm6, $0x1, v0  }
0xbf: {  	vm9 =	vge.f32 v5, $1.562500000e+00;
	v44 =	vsel vm7, $0x1, v0;
	v4 =	vadd.s32 v43, v42  }
0xc0: {  	vm10 =	vge.f32 v5, $2.250000000e+00;
	v45 =	vsel vm8, $0x1, v0;
	v4 =	vadd.s32 v44, v4  }
0xc1: {  	vm15 =	vmand vm11, vm14;
	v46 =	vsel vm9, $0x1, v0;
	v4 =	vadd.s32 v45, v4  }
0xc2: {  	v47 =	vsel vm10, $0x1, v0;
	vm11 =	vge.f32 v5, $3.062500000e+00;
	v4 =	vadd.s32 v46, v4  }
0xc3: {  	v41 =	vsel vm15, $0x1, v0;
	v48 =	vsel vm11, $0x1, v0;
	v4 =	vadd.s32 v47, v4  }
0xc4: {  	v2 =	vxor.u32 $0x7, v2;
	v3 =	vadd.s32 v41, v3;
	v4 =	vadd.s32 v48, v4  }
0xc5: {  	v2 =	vsel vm4, v2, v3;
	v3 =	vshll.u32 v4, $0x3  }
0xc6: {  	vm12 =	vle.f32 v5, $4.000000000e+00;
	v2 =	vadd.s32 v2, v3  }
0xc7: {  	v2 =	vnsel vm12, $0x40, v2;
	_ =	sdelay $0x3  }
0xc8: {  	[tilespmem:s6+$0x12B0] =	vst v2  }
0xc9: {  	[tilespmem:v2+s22+$0x0] =	vst.idx.add.f32.msk $0xffff, v1  }
0xca: {  	v2 =	vld [tilespmem:s6+$0x60]  }
0xcb: {  	v3 =	vld [tilespmem:s6+$0x680];
	_ =	sdelay $0x4  }
0xcc: {  	v49 =	vmul.f32 v2, v2;
	v50 =	vmul.f32 v3, v3;
	vm13 =	vlt.f32 v2, v3  }
0xcd: {  	vm14 =	vle.f32 v2, $0.0e+00;
	vm15 =	vlt.f32 v2, $0.0e+00;
	v54 =	vxor.u32 $0x80000000, v3  }
0xce: {  	vm7 =	vlt.f32 v3, $0.0e+00;
	v51 =	vsel vm13, $0x1, v0;
	v52 =	vsel vm14, $0x1, v0  }
0xcf: {  	v53 =	vsel vm15, $0x1, v0;
	vm5 =	vle.f32 v2, v54;
	vm6 =	vlt.f32 v2, v54  }
0xd0: {  	v5 =	vadd.f32 v50, v49;
	v4 =	vmul.f32 $1.000000120e+00, v49;
	v2 =	vsel vm5, $0x1, v0  }
0xd1: {  	v55 =	vsel vm6, $0x1, v0;
	v3 =	vadd.s32 v53, v51;
	v6 =	vadd.s32 v52, v51  }
0xd2: {  	v3 =	vadd.s32 v55, v3;
	v2 =	vadd.s32 v2, v6;
	vm4 =	vle.f32 v5, v4  }
0xd3: {  	vm8 =	vge.f32 v5, $6.250000000e-02;
	vm9 =	vge.f32 v5, $2.500000000e-01;
	vm10 =	vge.f32 v5, $5.625000000e-01  }
0xd4: {  	vm11 =	vge.f32 v5, $1.000000000e+00;
	v57 =	vsel vm8, $0x1, v0;
	v58 =	vsel vm9, $0x1, v0  }
0xd5: {  	vm12 =	vge.f32 v5, $1.562500000e+00;
	v59 =	vsel vm10, $0x1, v0;
	v4 =	vadd.s32 v58, v57  }
0xd6: {  	vm13 =	vge.f32 v5, $2.250000000e+00;
	v60 =	vsel vm11, $0x1, v0;
	v4 =	vadd.s32 v59, v4  }
0xd7: {  	vm14 =	vge.f32 v5, $3.062500000e+00;
	v61 =	vsel vm12, $0x1, v0;
	v4 =	vadd.s32 v60, v4  }
0xd8: {  	vm0 =	vmand vm15, vm4;
	v62 =	vsel vm13, $0x1, v0;
	v4 =	vadd.s32 v61, v4  }
0xd9: {  	v63 =	vsel vm14, $0x1, v0;
	v56 =	vsel vm0, $0x1, v0;
	v4 =	vadd.s32 v62, v4  }
0xda: {  	v3 =	vxor.u32 $0x7, v3;
	v2 =	vadd.s32 v56, v2;
	v4 =	vadd.s32 v63, v4  }
0xdb: {  	v2 =	vsel vm7, v3, v2;
	v3 =	vshll.u32 v4, $0x3  }
0xdc: {  	vm15 =	vle.f32 v5, $4.000000000e+00;
	v2 =	vadd.s32 v2, v3  }
0xdd: {  	p1 =	sne.s32 s12, $0x16C0;
	v2 =	vnsel vm15, $0x40, v2  }
.Ltmp0:
0xde: {  	_ = 	snop;
	(pc) =	sbr.rel @p1 .LBB2_2-.Ltmp0, $3  }
0xdf: {  	_ =	sdelay $0x1  }
0xe0: {  	[tilespmem:s6+$0x12C0] =	vst v2  }
0xe1: {  	s12 =	sadd.s32 $0x1C0, s12;
	[tilespmem:v2+s22+$0x0] =	vst.idx.add.f32.msk $0xffff, v1  }
0xe2: {  	[bflag:$0x0] =	sbarrier.arrive $0xFFFF  }
0xe3: {  	_ =	swait.ge [sflag:s26], $0x1500  }
0xe4: {  	[sflag:s26] =	ssyncset.done $0x0  }
0xe5: {  	s6 =	simm.s32 $0x1260;
	[sflag:s26] =	ssyncadd.s32 $0xFFFFEB00  }
0xe6: {  	[spmem:s2] =	stream.indirect.scatter.add.f32 [tilespmem:s15], [sflag:$0x2], $0x30, s6, s14, $0xb8;
	[tilespmem:$0x13F98] =	vst v63  }
0xe7: {  	_ =	swait.ge [sflag:s26], $0x1500  }
0xe8: {  	[sflag:s26] =	ssyncset.done $0x0  }
0xe9: {  	s12 =	simm.s32 $0x12D0;
	[sflag:s26] =	ssyncadd.s32 $0xFFFFEB00  }
0xea: {  	[spmem:s2] =	stream.indirect.scatter.add.f32 [tilespmem:s17], [sflag:$0x2], $0x30, s12, s14, $0xb8;
	[tilespmem:$0x13F98] =	vst v63  }
0xeb: {  	_ =	swait.ge [sflag:s26], $0x1500  }
0xec: {  	[sflag:s26] =	ssyncset.done $0x0  }
0xed: {  	s12 =	simm.s32 $0x1340;
	[sflag:s26] =	ssyncadd.s32 $0xFFFFEB00  }
0xee: {  	[spmem:s2] =	stream.indirect.scatter.add.f32 [tilespmem:s19], [sflag:$0x2], $0x30, s12, s14, $0xb8;
	[tilespmem:$0x13F98] =	vst v63  }
0xef: {  	_ =	swait.ge [sflag:s26], $0x1500  }
0xf0: {  	[sflag:s26] =	ssyncset.done $0x0  }
0xf1: {  	s12 =	simm.s32 $0x13B0;
	[sflag:s26] =	ssyncadd.s32 $0xFFFFEB00  }
0xf2: {  	[spmem:s2] =	stream.indirect.scatter.add.f32 [tilespmem:s21], [sflag:$0x2], $0x30, s12, s14, $0xb8;
	[tilespmem:$0x13F98] =	vst v63  }
0xf3: {  	_ =	swait.ge [sflag:s26], $0x1500  }
0xf4: {  	[sflag:s26] =	ssyncset.done $0x0  }
0xf5: {  	s12 =	simm.s32 $0x1420;
	[sflag:s26] =	ssyncadd.s32 $0xFFFFEB00  }
0xf6: {  	[spmem:s2] =	stream.indirect.scatter.add.f32 [tilespmem:s23], [sflag:$0x2], $0x30, s12, s14, $0xb8;
	[tilespmem:$0x13F98] =	vst v63  }
0xf7: {  	_ =	swait.ge [sflag:s26], $0x1500  }
0xf8: {  	[sflag:s26] =	ssyncset.done $0x0  }
0xf9: {  	s12 =	simm.s32 $0x1490;
	[sflag:s26] =	ssyncadd.s32 $0xFFFFEB00  }
0xfa: {  	[spmem:s2] =	stream.indirect.scatter.add.f32 [tilespmem:s25], [sflag:$0x2], $0x30, s12, s14, $0xb8;
	[tilespmem:$0x13F98] =	vst v63  }
0xfb: {  	_ =	swait.ge [sflag:s26], $0x1500  }
0xfc: {  	[sflag:s26] =	ssyncset.done $0x0  }
0xfd: {  	s12 =	simm.s32 $0x1500;
	[sflag:s26] =	ssyncadd.s32 $0xFFFFEB00  }
0xfe: {  	[spmem:s2] =	stream.indirect.scatter.add.f32 [tilespmem:s28], [sflag:$0x2], $0x30, s12, s14, $0xb8;
	[tilespmem:$0x13F98] =	vst v63  }
0xff: {  	_ =	swait.ge [sflag:s26], $0x1500  }
0x100: {  	[sflag:s26] =	ssyncset.done $0x0  }
0x101: {  	s12 =	simm.s32 $0x1570;
	[sflag:s26] =	ssyncadd.s32 $0xFFFFEB00  }
0x102: {  	[spmem:s2] =	stream.indirect.scatter.add.f32 [tilespmem:s30], [sflag:$0x2], $0x30, s12, s14, $0xb8;
	[tilespmem:$0x13F98] =	vst v63  }
0x103: {  	_ =	swait.ge [sflag:s26], $0x1500  }
0x104: {  	[sflag:s26] =	ssyncset.done $0x0  }
0x105: {  	s12 =	simm.s32 $0x15E0;
	[sflag:s26] =	ssyncadd.s32 $0xFFFFEB00  }
0x106: {  	[spmem:s2] =	stream.indirect.scatter.add.f32 [tilespmem:s0], [sflag:$0x2], $0x30, s12, s14, $0xb8;
	[tilespmem:$0x13F98] =	vst v63  }
0x107: {  	_ =	swait.ge [sflag:s26], $0x1500  }
0x108: {  	[sflag:s26] =	ssyncset.done $0x0  }
0x109: {  	s12 =	simm.s32 $0x1650;
	[sflag:s26] =	ssyncadd.s32 $0xFFFFEB00  }
0x10a: {  	[spmem:s2] =	stream.indirect.scatter.add.f32 [tilespmem:s16], [sflag:$0x2], $0x30, s12, s14, $0xb8;
	[tilespmem:$0x13F98] =	vst v63  }
0x10b: {  	_ =	swait.ge [sflag:s26], $0x1500  }
0x10c: {  	[sflag:s26] =	ssyncset.done $0x0  }
0x10d: {  	s12 =	simm.s32 $0x16C0;
	[sflag:s26] =	ssyncadd.s32 $0xFFFFEB00  }
0x10e: {  	[spmem:s2] =	stream.indirect.scatter.add.f32 [tilespmem:s20], [sflag:$0x2], $0x30, s12, s14, $0xb8;
	[tilespmem:$0x13F98] =	vst v63  }
0x10f: {  	_ =	swait.ge [sflag:s26], $0x1500  }
0x110: {  	[sflag:s26] =	ssyncset.done $0x0  }
0x111: {  	s12 =	simm.s32 $0x1730;
	[sflag:s26] =	ssyncadd.s32 $0xFFFFEB00  }
0x112: {  	[spmem:s2] =	stream.indirect.scatter.add.f32 [tilespmem:s24], [sflag:$0x2], $0x30, s12, s14, $0xb8;
	[tilespmem:$0x13F98] =	vst v63  }
0x113: {  	_ =	swait.ge [sflag:s26], $0x1500  }
0x114: {  	[sflag:s26] =	ssyncset.done $0x0  }
0x115: {  	s12 =	simm.s32 $0x17A0;
	[sflag:s26] =	ssyncadd.s32 $0xFFFFEB00  }
0x116: {  	[spmem:s2] =	stream.indirect.scatter.add.f32 [tilespmem:s29], [sflag:$0x2], $0x30, s12, s14, $0xb8;
	[tilespmem:$0x13F98] =	vst v63  }
0x117: {  	_ =	swait.ge [sflag:s26], $0x1500  }
0x118: {  	[sflag:s26] =	ssyncset.done $0x0  }
0x119: {  	s12 =	simm.s32 $0x1810;
	[sflag:s26] =	ssyncadd.s32 $0xFFFFEB00  }
0x11a: {  	[spmem:s2] =	stream.indirect.scatter.add.f32 [tilespmem:s1], [sflag:$0x2], $0x30, s12, s14, $0xb8;
	[tilespmem:$0x13F98] =	vst v63  }
0x11b: {  	_ =	swait.ge [sflag:s31], $0x1500  }
0x11c: {  	[sflag:s31] =	ssyncset.done $0x0  }
0x11d: {  	[sflag:s31] =	ssyncadd.s32 $0xFFFFEB00  }
0x11e: {  	_ =	swait.ge [sflag:s31], $0x1500  }
0x11f: {  	[sflag:s31] =	ssyncset.done $0x0  }
0x120: {  	[sflag:s31] =	ssyncadd.s32 $0xFFFFEB00  }
0x121: {  	_ =	swait.ge [sflag:s31], $0x1500  }
0x122: {  	[sflag:s31] =	ssyncset.done $0x0  }
0x123: {  	[sflag:s31] =	ssyncadd.s32 $0xFFFFEB00  }
0x124: {  	_ =	swait.ge [sflag:s31], $0x1500  }
0x125: {  	[sflag:s31] =	ssyncset.done $0x0  }
0x126: {  	[sflag:s31] =	ssyncadd.s32 $0xFFFFEB00  }
0x127: {  	_ =	swait.ge [sflag:s31], $0x1500  }
0x128: {  	[sflag:s31] =	ssyncset.done $0x0  }
0x129: {  	[sflag:s31] =	ssyncadd.s32 $0xFFFFEB00  }
0x12a: {  	_ =	swait.ge [sflag:s31], $0x1500  }
0x12b: {  	[sflag:s31] =	ssyncset.done $0x0  }
0x12c: {  	[sflag:s31] =	ssyncadd.s32 $0xFFFFEB00  }
0x12d: {  	_ =	swait.ge [sflag:s31], $0x1500  }
0x12e: {  	[sflag:s31] =	ssyncset.done $0x0  }
0x12f: {  	[sflag:s31] =	ssyncadd.s32 $0xFFFFEB00  }
0x130: {  	_ =	swait.ge [sflag:s31], $0x1500  }
0x131: {  	[sflag:s31] =	ssyncset.done $0x0  }
0x132: {  	[sflag:s31] =	ssyncadd.s32 $0xFFFFEB00  }
0x133: {  	_ =	swait.ge [sflag:s31], $0x1500  }
0x134: {  	[sflag:s31] =	ssyncset.done $0x0  }
0x135: {  	[sflag:s31] =	ssyncadd.s32 $0xFFFFEB00  }
0x136: {  	_ =	swait.ge [sflag:s31], $0x1500  }
0x137: {  	[sflag:s31] =	ssyncset.done $0x0  }
0x138: {  	[sflag:s31] =	ssyncadd.s32 $0xFFFFEB00  }
0x139: {  	_ =	swait.ge [sflag:s31], $0x1500  }
0x13a: {  	[sflag:s31] =	ssyncset.done $0x0  }
0x13b: {  	[sflag:s31] =	ssyncadd.s32 $0xFFFFEB00  }
0x13c: {  	_ =	swait.ge [sflag:s31], $0x1500  }
0x13d: {  	[sflag:s31] =	ssyncset.done $0x0  }
0x13e: {  	[sflag:s31] =	ssyncadd.s32 $0xFFFFEB00  }
0x13f: {  	_ =	swait.ge [sflag:s31], $0x1500  }
0x140: {  	[sflag:s31] =	ssyncset.done $0x0  }
0x141: {  	[sflag:s31] =	ssyncadd.s32 $0xFFFFEB00  }
0x142: {  	_ =	swait.ge [sflag:s31], $0x1500  }
0x143: {  	[sflag:s31] =	ssyncset.done $0x0  }
0x144: {  	[sflag:s31] =	ssyncadd.s32 $0xFFFFEB00  }
0x145: {  	[hbm4b:s9+s3] =	stream.linear.scatter [tilespmem:s22], [sflag:$0x3], $0x50, $0x38;
	[tilespmem:$0x13F98] =	vst v63  }
0x146: {  	_ =	swait.ge [sflag:s13], $0x50  }
0x147: {  	[sflag:s13] =	ssyncset.done $0x0  }
0x148: {  	s18 =	sadd.s32 $0x1, s18;
	[sflag:s13] =	ssyncadd.s32 $0xFFFFFFB0  }
0x149: {  	p1 =	sne.s32 s18, s11;
	s6 =	simm.s32 @!p0 $0x1C03;
	[bflag:$0x0] =	sbarrier.arrive $0xFFFF  }
0x14a: {  	[hbm:s10], [sflag:s6] =	dma.local @!p0 [spmem:s5], $0x186  }
.Ltmp1:
0x14b: {  	_ = 	snop;
	(pc) =	sbr.rel @p1 .LBB2_1-.Ltmp1, $4  }
0x14c: {  	s5 =	simm.s32 @!p0 $0x3  }
0x14d: {  	_ =	swait.ge @!p0 [sflag:s5], $0x186  }
0x14e: {  	[sflag:s5] =	ssyncset.done @!p0 $0x0  }
0x14f: {  	[sflag:s5] =	ssyncadd.s32 @!p0 $0xFFFFFE7A  }
0x150: {  	_ =	sfence.sel $0x180000  }
0x151: {  	[bflag:$0x0] =	sbarrier.arrive $0xFFFF  }
0x152: {  	_ =	strace $0x90000047  }
0x153: {  	[bflag:$0x2] =	sbarrier.arrive $0xFFFF  }
0x154: {  	s0 =	rddreg [dreg:$0x3]  }
0x155: {  	s0 =	sadd.s32 @!p0 $0x100000, s0  }
0x156: {  	[sflag:s0] =	ssyncadd.tile.s32 @!p0 $0x1;
	_ =	shalt  }
.Lfunc_end2:
_tile_overlayer_lowered:
.L_overlay_start_2:
0x157: {  	(tag) =	ssettag $0x2  }
0x158: {  	s0 =	rddreg [dreg:$0x0];
	s2 =	stileid.u32  }
0x159: {  	s1 =	rddreg [dreg:$0x1];
	p0 =	sne.s32 s2, $0x0  }
0x15a: {  	s3 =	rddreg [dreg:$0x2];
	[bflag:$0x3] =	sbarrier.arrive $0xFFFF;
	s2 =	simm.s32 @!p0 $0x1C03  }
0x15b: {  	[timem:s3], [sflag:s2] =	dma.local @!p0 [hbm:s0], s1  }
0x15c: {  	s0 =	simm.s32 @!p0 $0x3  }
0x15d: {  	_ =	swait.ge @!p0 [sflag:s0], s1  }
0x15e: {  	s1 =	ssub.s32 @!p0 $0x0, s1;
	[sflag:s0] =	ssyncset.done @!p0 $0x0  }
0x15f: {  	[sflag:s0] =	ssyncadd.s32 @!p0 s1  }
0x160: {  	[bflag:$0x3] =	sbarrier.arrive $0xFFFF  }
0x161: {  	_ =	shalt  }

</sc_bundles>
